<compile_context>
chip_gen: v7x
topology: tpu7x:2x2x1
jax: 0.10.2.dev20260603
libtpu: 0.0.44.dev20260713+nightly
codegen_flags: <defaults>
</compile_context>

<pallas_src>
import jax
import jax.numpy as jnp
from jax import lax
from jax.experimental import pallas as pl
from jax.experimental.pallas import tpu as pltpu
from jax.experimental.pallas import tpu_sc as plsc

_BETA = 0.2

_N = 100000
_K = 50000
_D = 128
_CNT = 3200
_CH = 128
_NCHUNK = _CNT // _CH
_LANES = 16


def _body(z_hbm, nid_hbm, rec_hbm, out_hbm,
          idx_v, w_v, uabs_v, uw_v, zu, ru, zu2, ru2, csem, gsem, ssem):
    c = lax.axis_index("c")
    s = lax.axis_index("s")
    wid = c * 16 + s
    lo = wid * _CNT
    cnt = jnp.minimum(_CNT, _N - lo)

    last = wid == 31

    idx_cp = pltpu.make_async_copy(nid_hbm, idx_v, csem)
    idx_cp.start()

    lanes = lax.iota(jnp.int32, _LANES)

    def memset(k, carry):
        w_v[pl.ds(k * _LANES, _LANES)] = jnp.full((_LANES,), -1, jnp.int32)
        return carry
    lax.fori_loop(0, _CNT // _LANES, memset, 0, unroll=4)
    idx_cp.wait()

    def scan(v, carry):
        idx = idx_v[pl.ds(v * _LANES, _LANES)]
        rel = idx - lo
        m = (rel >= 0) & (rel < cnt)
        _, lastm = plsc.scan_count(rel, mask=m)
        sm = m & lastm
        relc = jnp.where(sm, rel, 0)
        iv = v * _LANES + lanes
        plsc.store_scatter(w_v, [relc], iv, mask=sm)
        return carry
    lax.fori_loop(0, _K // _LANES, scan, 0, unroll=25)

    def compact(k, total):
        wv = w_v[pl.ds(k * _LANES, _LANES)]
        m = wv >= 0
        mi = jnp.where(m, 1, 0).astype(jnp.int32)
        incl = plsc.cumsum(mi)
        pos = total + incl - mi
        hi = pos >> 7
        lje = pos & (_CH - 1)
        rel = k * _LANES + lanes
        plsc.store_scatter(uabs_v, [hi, lje], rel + lo, mask=m)
        plsc.store_scatter(uw_v, [hi, lje], wv, mask=m)
        return total + incl[_LANES - 1]
    ucount = lax.fori_loop(0, _CNT // _LANES, compact, jnp.int32(0), unroll=4)

    e0a = uabs_v[0, pl.ds(0, _LANES)]
    e0w = uw_v[0, pl.ds(0, _LANES)]
    pad_abs = jnp.full((_LANES,), 0, jnp.int32) + e0a[0]
    pad_w = jnp.full((_LANES,), 0, jnp.int32) + e0w[0]

    def padfill(k, carry):
        base = ucount + k * _LANES
        hi = (base + lanes) >> 7
        lje = (base + lanes) & (_CH - 1)
        m = (base + lanes) < ((ucount + _CH - 1) & ~jnp.int32(_CH - 1))
        plsc.store_scatter(uabs_v, [hi, lje], pad_abs, mask=m)
        plsc.store_scatter(uw_v, [hi, lje], pad_w, mask=m)
        return carry
    lax.fori_loop(0, _CH // _LANES, padfill, 0)

    nbf = cnt >> 7

    def cpin(b, buf):
        return pltpu.make_async_copy(
            z_hbm.at[pl.ds(lo + b * _CH, _CH)], buf, csem)

    cpin(0, zu).start()

    def copyblk(i, carry):
        b = i * 2

        @pl.when(b < nbf)
        def _():
            cpin(b, zu).wait()

            @pl.when(b + 1 < nbf)
            def _():
                cpin(b + 1, ru).start()
            pltpu.sync_copy(zu, out_hbm.at[pl.ds(lo + b * _CH, _CH)])

        @pl.when(b + 1 < nbf)
        def _():
            cpin(b + 1, ru).wait()

            @pl.when(b + 2 < nbf)
            def _():
                cpin(b + 2, zu).start()
            pltpu.sync_copy(ru, out_hbm.at[pl.ds(lo + (b + 1) * _CH, _CH)])
        return carry
    lax.fori_loop(0, (nbf + 1) >> 1, copyblk, 0)

    @pl.when(last)
    def _():
        pltpu.sync_copy(z_hbm.at[pl.ds(lo + 768, 32)], zu.at[pl.ds(0, 32)])
        pltpu.sync_copy(zu.at[pl.ds(0, 32)], out_hbm.at[pl.ds(lo + 768, 32)])

    nch = (ucount + _CH - 1) >> 7

    def start_gathers(ch, zb, rb):
        pltpu.async_copy(z_hbm.at[uabs_v.at[ch]], zb, gsem)
        pltpu.async_copy(rec_hbm.at[uw_v.at[ch]], rb, gsem)

    def wait_gathers(ch, zb, rb):
        pltpu.make_async_copy(z_hbm.at[uabs_v.at[ch]], zb, gsem).wait()
        pltpu.make_async_copy(rec_hbm.at[uw_v.at[ch]], rb, gsem).wait()

    def blend(zb, rb):
        def row(r, rcarry):
            for q in range(_D // _LANES):
                zv = zb[r, pl.ds(q * _LANES, _LANES)]
                rv = rb[r, pl.ds(q * _LANES, _LANES)]
                zb[r, pl.ds(q * _LANES, _LANES)] = (
                    zv + jnp.float32(1.0 - _BETA) * (rv - zv))
            return rcarry
        lax.fori_loop(0, _CH, row, 0)

    def wait_scatter(ch, zb):
        pltpu.make_async_copy(zb, out_hbm.at[uabs_v.at[ch]], ssem).wait()

    def section(ch, zb, rb, zb_nxt, rb_nxt):
        wait_gathers(ch, zb, rb)

        @pl.when(ch >= 1)
        def _():
            wait_scatter(ch - 1, zb_nxt)

        @pl.when(ch + 1 < nch)
        def _():
            start_gathers(ch + 1, zb_nxt, rb_nxt)
        blend(zb, rb)
        pltpu.async_copy(zb, out_hbm.at[uabs_v.at[ch]], ssem)

    @pl.when(nch > 0)
    def _():
        start_gathers(0, zu, ru)

    def chunkpair(i, carry):
        ch = i * 2

        @pl.when(ch < nch)
        def _():
            section(ch, zu, ru, zu2, ru2)

        @pl.when(ch + 1 < nch)
        def _():
            section(ch + 1, zu2, ru2, zu, ru)
        return carry
    lax.fori_loop(0, (nch + 1) >> 1, chunkpair, 0)

    @pl.when((nch & 1) == 1)
    def _():
        wait_scatter(nch - 1, zu)

    @pl.when((nch > 0) & ((nch & 1) == 0))
    def _():
        wait_scatter(nch - 1, zu2)


def kernel(z, nodes_id, records):
    mesh = plsc.VectorSubcoreMesh(
        core_axis_name="c", subcore_axis_name="s", num_cores=2, num_subcores=16
    )
    return pl.kernel(
        _body,
        out_type=jax.ShapeDtypeStruct((_N, _D), jnp.float32),
        mesh=mesh,
        compiler_params=pltpu.CompilerParams(needs_layout_passes=False),
        scratch_types=[
            pltpu.VMEM((_K,), jnp.int32),
            pltpu.VMEM((_CNT,), jnp.int32),
            pltpu.VMEM((_NCHUNK, _CH), jnp.int32),
            pltpu.VMEM((_NCHUNK, _CH), jnp.int32),
            pltpu.VMEM((_CH, _D), jnp.float32),
            pltpu.VMEM((_CH, _D), jnp.float32),
            pltpu.VMEM((_CH, _D), jnp.float32),
            pltpu.VMEM((_CH, _D), jnp.float32),
            pltpu.SemaphoreType.DMA,
            pltpu.SemaphoreType.DMA,
            pltpu.SemaphoreType.DMA,
        ],
    )(z, nodes_id, records)

# --- scband reference (transcript-rebuilt; emitter-appended) ---
"""Pipeline reference for scband-gnn-26920855011867 (READ-ONLY COPY).

The authoritative reference and input builder live on the scoring server;
editing this copy changes nothing except your own understanding.
"""

import jax, jax.numpy as jnp
import numpy as np

BETA = 0.2

def setup_inputs(seed: int = 0) -> dict:
    key = jax.random.key(seed)
    k1, k2, k3 = jax.random.split(key, 3)
    z = jax.random.normal(k1, (100000, 128), dtype=jnp.float32)
    nodes_id = jax.random.randint(k2, (50000,), 0, 100000, dtype=jnp.int32)
    records = jax.random.normal(k3, (50000, 128), dtype=jnp.float32)
    return {"z": z, "nodes_id": nodes_id, "records": records}

def reference(z, nodes_id, records):
    # Faithful translation of GNN.record + forward:
    #   g.ndata['z'][nodes_id, :] = BETA * g.ndata['z'][nodes_id, :] + (1 - BETA) * records
    #   forward returns g.ndata['z'] (via GNNLayer.forward_from_record)
    updated = BETA * jnp.take(z, nodes_id, axis=0) + (1.0 - BETA) * records
    new_z = z.at[nodes_id].set(updated)
    return new_z

if __name__ == "__main__":
    import jax
    _d = setup_inputs()
    print(jax.jit(kernel)(*tuple(_d.values())))

</pallas_src>

<mosaic_0001>
#map = affine_map<(d0, d1) -> (0, 0)>
#map1 = affine_map<(d0, d1) -> (0)>
module attributes {stable_mosaic.version = 14 : i64} {
  func.func @_body(%arg0: i32, %arg1: i32, %arg2: memref<100000x128xf32, #tpu.memory_space<hbm>>, %arg3: memref<50000xi32, #tpu.memory_space<hbm>>, %arg4: memref<50000x128xf32, #tpu.memory_space<hbm>>, %arg5: memref<100000x128xf32, #tpu.memory_space<hbm>>, %arg6: memref<50000xi32, #tpu.memory_space<vmem>>, %arg7: memref<3200xi32, #tpu.memory_space<vmem>>, %arg8: memref<25x128xi32, #tpu.memory_space<vmem>>, %arg9: memref<25x128xi32, #tpu.memory_space<vmem>>, %arg10: memref<128x128xf32, #tpu.memory_space<vmem>>, %arg11: memref<128x128xf32, #tpu.memory_space<vmem>>, %arg12: memref<128x128xf32, #tpu.memory_space<vmem>>, %arg13: memref<128x128xf32, #tpu.memory_space<vmem>>, %arg14: memref<!tpu.dma_semaphore, #tpu.memory_space<semaphore_mem>>, %arg15: memref<!tpu.dma_semaphore, #tpu.memory_space<semaphore_mem>>, %arg16: memref<!tpu.dma_semaphore, #tpu.memory_space<semaphore_mem>>) attributes {dimension_semantics = [#tpu.dimension_semantics<core_parallel>, #tpu.dimension_semantics<subcore_parallel>], iteration_bounds = array<i64: 2, 16>, scalar_prefetch = 0 : i64, scratch_operands = 11 : i64, tpu.core_type = #tpu.core_type<sc_vector_subcore>, window_params = [{transform_indices = #map}, {transform_indices = #map1}, {transform_indices = #map}, {transform_indices = #map}]} {
    %mul3A = arith.constant 16 : i32
    %mul3A_0 = arith.muli %arg0, %mul3A : i32
    %add3A = arith.addi %mul3A_0, %arg1 : i32
    %mul3A_1 = arith.constant 3200 : i32
    %mul3A_2 = arith.muli %add3A, %mul3A_1 : i32
    %sub3A = arith.constant 100000 : i32
    %sub3A_3 = arith.subi %sub3A, %mul3A_2 : i32
    %min3A = arith.constant 3200 : i32
    %min3A_4 = arith.minsi %min3A, %sub3A_3 : i32
    %eq3A = arith.constant 31 : i32
    %eq3A_5 = arith.cmpi eq, %add3A, %eq3A : i32
    tpu.enqueue_dma source(%arg3 : memref<50000xi32, #tpu.memory_space<hbm>>) target(%arg6 : memref<50000xi32, #tpu.memory_space<vmem>>) target_semaphore(%arg14 : memref<!tpu.dma_semaphore, #tpu.memory_space<semaphore_mem>>)
    %iota3A = tpu.iota {dimensions = array<i32: 0>} : vector<16xi32>
    %scan3A = arith.constant 0 : i32
    %scan3A_6 = arith.constant 0 : i32
    %scan3A_7 = arith.constant 200 : i32
    %scan3A_8 = arith.addi %scan3A_6, %scan3A_7 : i32
    %scan3A_9 = arith.constant 4 : i32
    scf.for %scan3A_106 = %scan3A_6 to %scan3A_8 step %scan3A_9  : i32 {
      %broadcast_in_dim3A_107 = arith.constant -1 : i32
      %broadcast_in_dim3A_108 = vector.broadcast %broadcast_in_dim3A_107 : i32 to vector<16xi32>
      %mul3A_109 = arith.constant 16 : i32
      %mul3A_110 = arith.muli %scan3A_106, %mul3A_109 : i32
      %swap3A = arith.index_cast %mul3A_110 : i32 to index
      %swap3A_111 = tpu.vector_load %arg7[%swap3A] {strides = array<i32>} : memref<3200xi32, #tpu.memory_space<vmem>>, vector<16xi32>,
      tpu.vector_store %arg7[%swap3A], %broadcast_in_dim3A_108 {strides = array<i32>} : memref<3200xi32, #tpu.memory_space<vmem>>, vector<16xi32>,
      %scan3A_112 = arith.constant 1 : i32
      %scan3A_113 = arith.addi %scan3A_106, %scan3A_112 : i32
      %broadcast_in_dim3A_114 = arith.constant -1 : i32
      %broadcast_in_dim3A_115 = vector.broadcast %broadcast_in_dim3A_114 : i32 to vector<16xi32>
      %mul3A_116 = arith.constant 16 : i32
      %mul3A_117 = arith.muli %scan3A_113, %mul3A_116 : i32
      %swap3A_118 = arith.index_cast %mul3A_117 : i32 to index
      %swap3A_119 = tpu.vector_load %arg7[%swap3A_118] {strides = array<i32>} : memref<3200xi32, #tpu.memory_space<vmem>>, vector<16xi32>,
      tpu.vector_store %arg7[%swap3A_118], %broadcast_in_dim3A_115 {strides = array<i32>} : memref<3200xi32, #tpu.memory_space<vmem>>, vector<16xi32>,
      %scan3A_120 = arith.constant 2 : i32
      %scan3A_121 = arith.addi %scan3A_106, %scan3A_120 : i32
      %broadcast_in_dim3A_122 = arith.constant -1 : i32
      %broadcast_in_dim3A_123 = vector.broadcast %broadcast_in_dim3A_122 : i32 to vector<16xi32>
      %mul3A_124 = arith.constant 16 : i32
      %mul3A_125 = arith.muli %scan3A_121, %mul3A_124 : i32
      %swap3A_126 = arith.index_cast %mul3A_125 : i32 to index
      %swap3A_127 = tpu.vector_load %arg7[%swap3A_126] {strides = array<i32>} : memref<3200xi32, #tpu.memory_space<vmem>>, vector<16xi32>,
      tpu.vector_store %arg7[%swap3A_126], %broadcast_in_dim3A_123 {strides = array<i32>} : memref<3200xi32, #tpu.memory_space<vmem>>, vector<16xi32>,
      %scan3A_128 = arith.constant 3 : i32
      %scan3A_129 = arith.addi %scan3A_106, %scan3A_128 : i32
      %broadcast_in_dim3A_130 = arith.constant -1 : i32
      %broadcast_in_dim3A_131 = vector.broadcast %broadcast_in_dim3A_130 : i32 to vector<16xi32>
      %mul3A_132 = arith.constant 16 : i32
      %mul3A_133 = arith.muli %scan3A_129, %mul3A_132 : i32
      %swap3A_134 = arith.index_cast %mul3A_133 : i32 to index
      %swap3A_135 = tpu.vector_load %arg7[%swap3A_134] {strides = array<i32>} : memref<3200xi32, #tpu.memory_space<vmem>>, vector<16xi32>,
      tpu.vector_store %arg7[%swap3A_134], %broadcast_in_dim3A_131 {strides = array<i32>} : memref<3200xi32, #tpu.memory_space<vmem>>, vector<16xi32>,
    }
    %scan3A_10 = arith.constant 200 : i32
    tpu.wait_dma2 semaphore(%arg14 : memref<!tpu.dma_semaphore, #tpu.memory_space<semaphore_mem>>) src(%arg3 : memref<50000xi32, #tpu.memory_space<hbm>>) dst(%arg6 : memref<50000xi32, #tpu.memory_space<vmem>>)
    %scan3A_11 = arith.constant 0 : i32
    %scan3A_12 = arith.constant 0 : i32
    %scan3A_13 = arith.constant 3125 : i32
    %scan3A_14 = arith.addi %scan3A_12, %scan3A_13 : i32
    %scan3A_15 = arith.constant 25 : i32
    scf.for %scan3A_106 = %scan3A_12 to %scan3A_14 step %scan3A_15  : i32 {
      %mul3A_107 = arith.constant 16 : i32
      %mul3A_108 = arith.muli %scan3A_106, %mul3A_107 : i32
      %get3A_109 = arith.index_cast %mul3A_108 : i32 to index
      %get3A_110 = tpu.vector_load %arg6[%get3A_109] {strides = array<i32>} : memref<50000xi32, #tpu.memory_space<vmem>>, vector<16xi32>,
      %sub3A_111 = vector.broadcast %mul3A_2 : i32 to vector<16xi32>
      %sub3A_112 = arith.subi %get3A_110, %sub3A_111 : vector<16xi32>
      %ge3A = arith.constant 0 : i32
      %ge3A_113 = vector.broadcast %ge3A : i32 to vector<16xi32>
      %ge3A_114 = arith.cmpi sge, %sub3A_112, %ge3A_113 : vector<16xi32>
      %lt3A = vector.broadcast %min3A_4 : i32 to vector<16xi32>
      %lt3A_115 = arith.cmpi slt, %sub3A_112, %lt3A : vector<16xi32>
      %and3A_116 = arith.andi %ge3A_114, %lt3A_115 : vector<16xi1>
      %unique3A, %unique3A_117 = tpu.scan_count mask(%and3A_116 : vector<16xi1>) value(%sub3A_112 : vector<16xi32>) : vector<16xi1>, vector<16xi32>
      %and3A_118 = arith.andi %and3A_116, %unique3A : vector<16xi1>
      %jit3A = arith.constant 0 : i32
      %broadcast_in_dim3A_119 = vector.broadcast %jit3A : i32 to vector<16xi32>
      %select_n3A = arith.select %and3A_118, %sub3A_112, %broadcast_in_dim3A_119 : vector<16xi1>, vector<16xi32>
      %mul3A_120 = arith.constant 16 : i32
      %mul3A_121 = arith.muli %scan3A_106, %mul3A_120 : i32
      %add3A_122 = vector.broadcast %mul3A_121 : i32 to vector<16xi32>
      %add3A_123 = arith.addi %add3A_122, %iota3A : vector<16xi32>
      tpu.vector_store_idx %arg7[%select_n3A], %add3A_123 masked %and3A_118 : memref<3200xi32, #tpu.memory_space<vmem>>[vector<16xi32>], vector<16xi32>, vector<16xi1>
      %scan3A_124 = arith.constant 1 : i32
      %scan3A_125 = arith.addi %scan3A_106, %scan3A_124 : i32
      %mul3A_126 = arith.constant 16 : i32
      %mul3A_127 = arith.muli %scan3A_125, %mul3A_126 : i32
      %get3A_128 = arith.index_cast %mul3A_127 : i32 to index
      %get3A_129 = tpu.vector_load %arg6[%get3A_128] {strides = array<i32>} : memref<50000xi32, #tpu.memory_space<vmem>>, vector<16xi32>,
      %sub3A_130 = vector.broadcast %mul3A_2 : i32 to vector<16xi32>
      %sub3A_131 = arith.subi %get3A_129, %sub3A_130 : vector<16xi32>
      %ge3A_132 = arith.constant 0 : i32
      %ge3A_133 = vector.broadcast %ge3A_132 : i32 to vector<16xi32>
      %ge3A_134 = arith.cmpi sge, %sub3A_131, %ge3A_133 : vector<16xi32>
      %lt3A_135 = vector.broadcast %min3A_4 : i32 to vector<16xi32>
      %lt3A_136 = arith.cmpi slt, %sub3A_131, %lt3A_135 : vector<16xi32>
      %and3A_137 = arith.andi %ge3A_134, %lt3A_136 : vector<16xi1>
      %unique3A_138, %unique3A_139 = tpu.scan_count mask(%and3A_137 : vector<16xi1>) value(%sub3A_131 : vector<16xi32>) : vector<16xi1>, vector<16xi32>
      %and3A_140 = arith.andi %and3A_137, %unique3A_138 : vector<16xi1>
      %jit3A_141 = arith.constant 0 : i32
      %broadcast_in_dim3A_142 = vector.broadcast %jit3A_141 : i32 to vector<16xi32>
      %select_n3A_143 = arith.select %and3A_140, %sub3A_131, %broadcast_in_dim3A_142 : vector<16xi1>, vector<16xi32>
      %mul3A_144 = arith.constant 16 : i32
      %mul3A_145 = arith.muli %scan3A_125, %mul3A_144 : i32
      %add3A_146 = vector.broadcast %mul3A_145 : i32 to vector<16xi32>
      %add3A_147 = arith.addi %add3A_146, %iota3A : vector<16xi32>
      tpu.vector_store_idx %arg7[%select_n3A_143], %add3A_147 masked %and3A_140 : memref<3200xi32, #tpu.memory_space<vmem>>[vector<16xi32>], vector<16xi32>, vector<16xi1>
      %scan3A_148 = arith.constant 2 : i32
      %scan3A_149 = arith.addi %scan3A_106, %scan3A_148 : i32
      %mul3A_150 = arith.constant 16 : i32
      %mul3A_151 = arith.muli %scan3A_149, %mul3A_150 : i32
      %get3A_152 = arith.index_cast %mul3A_151 : i32 to index
      %get3A_153 = tpu.vector_load %arg6[%get3A_152] {strides = array<i32>} : memref<50000xi32, #tpu.memory_space<vmem>>, vector<16xi32>,
      %sub3A_154 = vector.broadcast %mul3A_2 : i32 to vector<16xi32>
      %sub3A_155 = arith.subi %get3A_153, %sub3A_154 : vector<16xi32>
      %ge3A_156 = arith.constant 0 : i32
      %ge3A_157 = vector.broadcast %ge3A_156 : i32 to vector<16xi32>
      %ge3A_158 = arith.cmpi sge, %sub3A_155, %ge3A_157 : vector<16xi32>
      %lt3A_159 = vector.broadcast %min3A_4 : i32 to vector<16xi32>
      %lt3A_160 = arith.cmpi slt, %sub3A_155, %lt3A_159 : vector<16xi32>
      %and3A_161 = arith.andi %ge3A_158, %lt3A_160 : vector<16xi1>
      %unique3A_162, %unique3A_163 = tpu.scan_count mask(%and3A_161 : vector<16xi1>) value(%sub3A_155 : vector<16xi32>) : vector<16xi1>, vector<16xi32>
      %and3A_164 = arith.andi %and3A_161, %unique3A_162 : vector<16xi1>
      %jit3A_165 = arith.constant 0 : i32
      %broadcast_in_dim3A_166 = vector.broadcast %jit3A_165 : i32 to vector<16xi32>
      %select_n3A_167 = arith.select %and3A_164, %sub3A_155, %broadcast_in_dim3A_166 : vector<16xi1>, vector<16xi32>
      %mul3A_168 = arith.constant 16 : i32
      %mul3A_169 = arith.muli %scan3A_149, %mul3A_168 : i32
      %add3A_170 = vector.broadcast %mul3A_169 : i32 to vector<16xi32>
      %add3A_171 = arith.addi %add3A_170, %iota3A : vector<16xi32>
      tpu.vector_store_idx %arg7[%select_n3A_167], %add3A_171 masked %and3A_164 : memref<3200xi32, #tpu.memory_space<vmem>>[vector<16xi32>], vector<16xi32>, vector<16xi1>
      %scan3A_172 = arith.constant 3 : i32
      %scan3A_173 = arith.addi %scan3A_106, %scan3A_172 : i32
      %mul3A_174 = arith.constant 16 : i32
      %mul3A_175 = arith.muli %scan3A_173, %mul3A_174 : i32
      %get3A_176 = arith.index_cast %mul3A_175 : i32 to index
      %get3A_177 = tpu.vector_load %arg6[%get3A_176] {strides = array<i32>} : memref<50000xi32, #tpu.memory_space<vmem>>, vector<16xi32>,
      %sub3A_178 = vector.broadcast %mul3A_2 : i32 to vector<16xi32>
      %sub3A_179 = arith.subi %get3A_177, %sub3A_178 : vector<16xi32>
      %ge3A_180 = arith.constant 0 : i32
      %ge3A_181 = vector.broadcast %ge3A_180 : i32 to vector<16xi32>
      %ge3A_182 = arith.cmpi sge, %sub3A_179, %ge3A_181 : vector<16xi32>
      %lt3A_183 = vector.broadcast %min3A_4 : i32 to vector<16xi32>
      %lt3A_184 = arith.cmpi slt, %sub3A_179, %lt3A_183 : vector<16xi32>
      %and3A_185 = arith.andi %ge3A_182, %lt3A_184 : vector<16xi1>
      %unique3A_186, %unique3A_187 = tpu.scan_count mask(%and3A_185 : vector<16xi1>) value(%sub3A_179 : vector<16xi32>) : vector<16xi1>, vector<16xi32>
      %and3A_188 = arith.andi %and3A_185, %unique3A_186 : vector<16xi1>
      %jit3A_189 = arith.constant 0 : i32
      %broadcast_in_dim3A_190 = vector.broadcast %jit3A_189 : i32 to vector<16xi32>
      %select_n3A_191 = arith.select %and3A_188, %sub3A_179, %broadcast_in_dim3A_190 : vector<16xi1>, vector<16xi32>
      %mul3A_192 = arith.constant 16 : i32
      %mul3A_193 = arith.muli %scan3A_173, %mul3A_192 : i32
      %add3A_194 = vector.broadcast %mul3A_193 : i32 to vector<16xi32>
      %add3A_195 = arith.addi %add3A_194, %iota3A : vector<16xi32>
      tpu.vector_store_idx %arg7[%select_n3A_191], %add3A_195 masked %and3A_188 : memref<3200xi32, #tpu.memory_space<vmem>>[vector<16xi32>], vector<16xi32>, vector<16xi1>
      %scan3A_196 = arith.constant 4 : i32
      %scan3A_197 = arith.addi %scan3A_106, %scan3A_196 : i32
      %mul3A_198 = arith.constant 16 : i32
      %mul3A_199 = arith.muli %scan3A_197, %mul3A_198 : i32
      %get3A_200 = arith.index_cast %mul3A_199 : i32 to index
      %get3A_201 = tpu.vector_load %arg6[%get3A_200] {strides = array<i32>} : memref<50000xi32, #tpu.memory_space<vmem>>, vector<16xi32>,
      %sub3A_202 = vector.broadcast %mul3A_2 : i32 to vector<16xi32>
      %sub3A_203 = arith.subi %get3A_201, %sub3A_202 : vector<16xi32>
      %ge3A_204 = arith.constant 0 : i32
      %ge3A_205 = vector.broadcast %ge3A_204 : i32 to vector<16xi32>
      %ge3A_206 = arith.cmpi sge, %sub3A_203, %ge3A_205 : vector<16xi32>
      %lt3A_207 = vector.broadcast %min3A_4 : i32 to vector<16xi32>
      %lt3A_208 = arith.cmpi slt, %sub3A_203, %lt3A_207 : vector<16xi32>
      %and3A_209 = arith.andi %ge3A_206, %lt3A_208 : vector<16xi1>
      %unique3A_210, %unique3A_211 = tpu.scan_count mask(%and3A_209 : vector<16xi1>) value(%sub3A_203 : vector<16xi32>) : vector<16xi1>, vector<16xi32>
      %and3A_212 = arith.andi %and3A_209, %unique3A_210 : vector<16xi1>
      %jit3A_213 = arith.constant 0 : i32
      %broadcast_in_dim3A_214 = vector.broadcast %jit3A_213 : i32 to vector<16xi32>
      %select_n3A_215 = arith.select %and3A_212, %sub3A_203, %broadcast_in_dim3A_214 : vector<16xi1>, vector<16xi32>
      %mul3A_216 = arith.constant 16 : i32
      %mul3A_217 = arith.muli %scan3A_197, %mul3A_216 : i32
      %add3A_218 = vector.broadcast %mul3A_217 : i32 to vector<16xi32>
      %add3A_219 = arith.addi %add3A_218, %iota3A : vector<16xi32>
      tpu.vector_store_idx %arg7[%select_n3A_215], %add3A_219 masked %and3A_212 : memref<3200xi32, #tpu.memory_space<vmem>>[vector<16xi32>], vector<16xi32>, vector<16xi1>
      %scan3A_220 = arith.constant 5 : i32
      %scan3A_221 = arith.addi %scan3A_106, %scan3A_220 : i32
      %mul3A_222 = arith.constant 16 : i32
      %mul3A_223 = arith.muli %scan3A_221, %mul3A_222 : i32
      %get3A_224 = arith.index_cast %mul3A_223 : i32 to index
      %get3A_225 = tpu.vector_load %arg6[%get3A_224] {strides = array<i32>} : memref<50000xi32, #tpu.memory_space<vmem>>, vector<16xi32>,
      %sub3A_226 = vector.broadcast %mul3A_2 : i32 to vector<16xi32>
      %sub3A_227 = arith.subi %get3A_225, %sub3A_226 : vector<16xi32>
      %ge3A_228 = arith.constant 0 : i32
      %ge3A_229 = vector.broadcast %ge3A_228 : i32 to vector<16xi32>
      %ge3A_230 = arith.cmpi sge, %sub3A_227, %ge3A_229 : vector<16xi32>
      %lt3A_231 = vector.broadcast %min3A_4 : i32 to vector<16xi32>
      %lt3A_232 = arith.cmpi slt, %sub3A_227, %lt3A_231 : vector<16xi32>
      %and3A_233 = arith.andi %ge3A_230, %lt3A_232 : vector<16xi1>
      %unique3A_234, %unique3A_235 = tpu.scan_count mask(%and3A_233 : vector<16xi1>) value(%sub3A_227 : vector<16xi32>) : vector<16xi1>, vector<16xi32>
      %and3A_236 = arith.andi %and3A_233, %unique3A_234 : vector<16xi1>
      %jit3A_237 = arith.constant 0 : i32
      %broadcast_in_dim3A_238 = vector.broadcast %jit3A_237 : i32 to vector<16xi32>
      %select_n3A_239 = arith.select %and3A_236, %sub3A_227, %broadcast_in_dim3A_238 : vector<16xi1>, vector<16xi32>
      %mul3A_240 = arith.constant 16 : i32
      %mul3A_241 = arith.muli %scan3A_221, %mul3A_240 : i32
      %add3A_242 = vector.broadcast %mul3A_241 : i32 to vector<16xi32>
      %add3A_243 = arith.addi %add3A_242, %iota3A : vector<16xi32>
      tpu.vector_store_idx %arg7[%select_n3A_239], %add3A_243 masked %and3A_236 : memref<3200xi32, #tpu.memory_space<vmem>>[vector<16xi32>], vector<16xi32>, vector<16xi1>
      %scan3A_244 = arith.constant 6 : i32
      %scan3A_245 = arith.addi %scan3A_106, %scan3A_244 : i32
      %mul3A_246 = arith.constant 16 : i32
      %mul3A_247 = arith.muli %scan3A_245, %mul3A_246 : i32
      %get3A_248 = arith.index_cast %mul3A_247 : i32 to index
      %get3A_249 = tpu.vector_load %arg6[%get3A_248] {strides = array<i32>} : memref<50000xi32, #tpu.memory_space<vmem>>, vector<16xi32>,
      %sub3A_250 = vector.broadcast %mul3A_2 : i32 to vector<16xi32>
      %sub3A_251 = arith.subi %get3A_249, %sub3A_250 : vector<16xi32>
      %ge3A_252 = arith.constant 0 : i32
      %ge3A_253 = vector.broadcast %ge3A_252 : i32 to vector<16xi32>
      %ge3A_254 = arith.cmpi sge, %sub3A_251, %ge3A_253 : vector<16xi32>
      %lt3A_255 = vector.broadcast %min3A_4 : i32 to vector<16xi32>
      %lt3A_256 = arith.cmpi slt, %sub3A_251, %lt3A_255 : vector<16xi32>
      %and3A_257 = arith.andi %ge3A_254, %lt3A_256 : vector<16xi1>
      %unique3A_258, %unique3A_259 = tpu.scan_count mask(%and3A_257 : vector<16xi1>) value(%sub3A_251 : vector<16xi32>) : vector<16xi1>, vector<16xi32>
      %and3A_260 = arith.andi %and3A_257, %unique3A_258 : vector<16xi1>
      %jit3A_261 = arith.constant 0 : i32
      %broadcast_in_dim3A_262 = vector.broadcast %jit3A_261 : i32 to vector<16xi32>
      %select_n3A_263 = arith.select %and3A_260, %sub3A_251, %broadcast_in_dim3A_262 : vector<16xi1>, vector<16xi32>
      %mul3A_264 = arith.constant 16 : i32
      %mul3A_265 = arith.muli %scan3A_245, %mul3A_264 : i32
      %add3A_266 = vector.broadcast %mul3A_265 : i32 to vector<16xi32>
      %add3A_267 = arith.addi %add3A_266, %iota3A : vector<16xi32>
      tpu.vector_store_idx %arg7[%select_n3A_263], %add3A_267 masked %and3A_260 : memref<3200xi32, #tpu.memory_space<vmem>>[vector<16xi32>], vector<16xi32>, vector<16xi1>
      %scan3A_268 = arith.constant 7 : i32
      %scan3A_269 = arith.addi %scan3A_106, %scan3A_268 : i32
      %mul3A_270 = arith.constant 16 : i32
      %mul3A_271 = arith.muli %scan3A_269, %mul3A_270 : i32
      %get3A_272 = arith.index_cast %mul3A_271 : i32 to index
      %get3A_273 = tpu.vector_load %arg6[%get3A_272] {strides = array<i32>} : memref<50000xi32, #tpu.memory_space<vmem>>, vector<16xi32>,
      %sub3A_274 = vector.broadcast %mul3A_2 : i32 to vector<16xi32>
      %sub3A_275 = arith.subi %get3A_273, %sub3A_274 : vector<16xi32>
      %ge3A_276 = arith.constant 0 : i32
      %ge3A_277 = vector.broadcast %ge3A_276 : i32 to vector<16xi32>
      %ge3A_278 = arith.cmpi sge, %sub3A_275, %ge3A_277 : vector<16xi32>
      %lt3A_279 = vector.broadcast %min3A_4 : i32 to vector<16xi32>
      %lt3A_280 = arith.cmpi slt, %sub3A_275, %lt3A_279 : vector<16xi32>
      %and3A_281 = arith.andi %ge3A_278, %lt3A_280 : vector<16xi1>
      %unique3A_282, %unique3A_283 = tpu.scan_count mask(%and3A_281 : vector<16xi1>) value(%sub3A_275 : vector<16xi32>) : vector<16xi1>, vector<16xi32>
      %and3A_284 = arith.andi %and3A_281, %unique3A_282 : vector<16xi1>
      %jit3A_285 = arith.constant 0 : i32
      %broadcast_in_dim3A_286 = vector.broadcast %jit3A_285 : i32 to vector<16xi32>
      %select_n3A_287 = arith.select %and3A_284, %sub3A_275, %broadcast_in_dim3A_286 : vector<16xi1>, vector<16xi32>
      %mul3A_288 = arith.constant 16 : i32
      %mul3A_289 = arith.muli %scan3A_269, %mul3A_288 : i32
      %add3A_290 = vector.broadcast %mul3A_289 : i32 to vector<16xi32>
      %add3A_291 = arith.addi %add3A_290, %iota3A : vector<16xi32>
      tpu.vector_store_idx %arg7[%select_n3A_287], %add3A_291 masked %and3A_284 : memref<3200xi32, #tpu.memory_space<vmem>>[vector<16xi32>], vector<16xi32>, vector<16xi1>
      %scan3A_292 = arith.constant 8 : i32
      %scan3A_293 = arith.addi %scan3A_106, %scan3A_292 : i32
      %mul3A_294 = arith.constant 16 : i32
      %mul3A_295 = arith.muli %scan3A_293, %mul3A_294 : i32
      %get3A_296 = arith.index_cast %mul3A_295 : i32 to index
      %get3A_297 = tpu.vector_load %arg6[%get3A_296] {strides = array<i32>} : memref<50000xi32, #tpu.memory_space<vmem>>, vector<16xi32>,
      %sub3A_298 = vector.broadcast %mul3A_2 : i32 to vector<16xi32>
      %sub3A_299 = arith.subi %get3A_297, %sub3A_298 : vector<16xi32>
      %ge3A_300 = arith.constant 0 : i32
      %ge3A_301 = vector.broadcast %ge3A_300 : i32 to vector<16xi32>
      %ge3A_302 = arith.cmpi sge, %sub3A_299, %ge3A_301 : vector<16xi32>
      %lt3A_303 = vector.broadcast %min3A_4 : i32 to vector<16xi32>
      %lt3A_304 = arith.cmpi slt, %sub3A_299, %lt3A_303 : vector<16xi32>
      %and3A_305 = arith.andi %ge3A_302, %lt3A_304 : vector<16xi1>
      %unique3A_306, %unique3A_307 = tpu.scan_count mask(%and3A_305 : vector<16xi1>) value(%sub3A_299 : vector<16xi32>) : vector<16xi1>, vector<16xi32>
      %and3A_308 = arith.andi %and3A_305, %unique3A_306 : vector<16xi1>
      %jit3A_309 = arith.constant 0 : i32
      %broadcast_in_dim3A_310 = vector.broadcast %jit3A_309 : i32 to vector<16xi32>
      %select_n3A_311 = arith.select %and3A_308, %sub3A_299, %broadcast_in_dim3A_310 : vector<16xi1>, vector<16xi32>
      %mul3A_312 = arith.constant 16 : i32
      %mul3A_313 = arith.muli %scan3A_293, %mul3A_312 : i32
      %add3A_314 = vector.broadcast %mul3A_313 : i32 to vector<16xi32>
      %add3A_315 = arith.addi %add3A_314, %iota3A : vector<16xi32>
      tpu.vector_store_idx %arg7[%select_n3A_311], %add3A_315 masked %and3A_308 : memref<3200xi32, #tpu.memory_space<vmem>>[vector<16xi32>], vector<16xi32>, vector<16xi1>
      %scan3A_316 = arith.constant 9 : i32
      %scan3A_317 = arith.addi %scan3A_106, %scan3A_316 : i32
      %mul3A_318 = arith.constant 16 : i32
      %mul3A_319 = arith.muli %scan3A_317, %mul3A_318 : i32
      %get3A_320 = arith.index_cast %mul3A_319 : i32 to index
      %get3A_321 = tpu.vector_load %arg6[%get3A_320] {strides = array<i32>} : memref<50000xi32, #tpu.memory_space<vmem>>, vector<16xi32>,
      %sub3A_322 = vector.broadcast %mul3A_2 : i32 to vector<16xi32>
      %sub3A_323 = arith.subi %get3A_321, %sub3A_322 : vector<16xi32>
      %ge3A_324 = arith.constant 0 : i32
      %ge3A_325 = vector.broadcast %ge3A_324 : i32 to vector<16xi32>
      %ge3A_326 = arith.cmpi sge, %sub3A_323, %ge3A_325 : vector<16xi32>
      %lt3A_327 = vector.broadcast %min3A_4 : i32 to vector<16xi32>
      %lt3A_328 = arith.cmpi slt, %sub3A_323, %lt3A_327 : vector<16xi32>
      %and3A_329 = arith.andi %ge3A_326, %lt3A_328 : vector<16xi1>
      %unique3A_330, %unique3A_331 = tpu.scan_count mask(%and3A_329 : vector<16xi1>) value(%sub3A_323 : vector<16xi32>) : vector<16xi1>, vector<16xi32>
      %and3A_332 = arith.andi %and3A_329, %unique3A_330 : vector<16xi1>
      %jit3A_333 = arith.constant 0 : i32
      %broadcast_in_dim3A_334 = vector.broadcast %jit3A_333 : i32 to vector<16xi32>
      %select_n3A_335 = arith.select %and3A_332, %sub3A_323, %broadcast_in_dim3A_334 : vector<16xi1>, vector<16xi32>
      %mul3A_336 = arith.constant 16 : i32
      %mul3A_337 = arith.muli %scan3A_317, %mul3A_336 : i32
      %add3A_338 = vector.broadcast %mul3A_337 : i32 to vector<16xi32>
      %add3A_339 = arith.addi %add3A_338, %iota3A : vector<16xi32>
      tpu.vector_store_idx %arg7[%select_n3A_335], %add3A_339 masked %and3A_332 : memref<3200xi32, #tpu.memory_space<vmem>>[vector<16xi32>], vector<16xi32>, vector<16xi1>
      %scan3A_340 = arith.constant 10 : i32
      %scan3A_341 = arith.addi %scan3A_106, %scan3A_340 : i32
      %mul3A_342 = arith.constant 16 : i32
      %mul3A_343 = arith.muli %scan3A_341, %mul3A_342 : i32
      %get3A_344 = arith.index_cast %mul3A_343 : i32 to index
      %get3A_345 = tpu.vector_load %arg6[%get3A_344] {strides = array<i32>} : memref<50000xi32, #tpu.memory_space<vmem>>, vector<16xi32>,
      %sub3A_346 = vector.broadcast %mul3A_2 : i32 to vector<16xi32>
      %sub3A_347 = arith.subi %get3A_345, %sub3A_346 : vector<16xi32>
      %ge3A_348 = arith.constant 0 : i32
      %ge3A_349 = vector.broadcast %ge3A_348 : i32 to vector<16xi32>
      %ge3A_350 = arith.cmpi sge, %sub3A_347, %ge3A_349 : vector<16xi32>
      %lt3A_351 = vector.broadcast %min3A_4 : i32 to vector<16xi32>
      %lt3A_352 = arith.cmpi slt, %sub3A_347, %lt3A_351 : vector<16xi32>
      %and3A_353 = arith.andi %ge3A_350, %lt3A_352 : vector<16xi1>
      %unique3A_354, %unique3A_355 = tpu.scan_count mask(%and3A_353 : vector<16xi1>) value(%sub3A_347 : vector<16xi32>) : vector<16xi1>, vector<16xi32>
      %and3A_356 = arith.andi %and3A_353, %unique3A_354 : vector<16xi1>
      %jit3A_357 = arith.constant 0 : i32
      %broadcast_in_dim3A_358 = vector.broadcast %jit3A_357 : i32 to vector<16xi32>
      %select_n3A_359 = arith.select %and3A_356, %sub3A_347, %broadcast_in_dim3A_358 : vector<16xi1>, vector<16xi32>
      %mul3A_360 = arith.constant 16 : i32
      %mul3A_361 = arith.muli %scan3A_341, %mul3A_360 : i32
      %add3A_362 = vector.broadcast %mul3A_361 : i32 to vector<16xi32>
      %add3A_363 = arith.addi %add3A_362, %iota3A : vector<16xi32>
      tpu.vector_store_idx %arg7[%select_n3A_359], %add3A_363 masked %and3A_356 : memref<3200xi32, #tpu.memory_space<vmem>>[vector<16xi32>], vector<16xi32>, vector<16xi1>
      %scan3A_364 = arith.constant 11 : i32
      %scan3A_365 = arith.addi %scan3A_106, %scan3A_364 : i32
      %mul3A_366 = arith.constant 16 : i32
      %mul3A_367 = arith.muli %scan3A_365, %mul3A_366 : i32
      %get3A_368 = arith.index_cast %mul3A_367 : i32 to index
      %get3A_369 = tpu.vector_load %arg6[%get3A_368] {strides = array<i32>} : memref<50000xi32, #tpu.memory_space<vmem>>, vector<16xi32>,
      %sub3A_370 = vector.broadcast %mul3A_2 : i32 to vector<16xi32>
      %sub3A_371 = arith.subi %get3A_369, %sub3A_370 : vector<16xi32>
      %ge3A_372 = arith.constant 0 : i32
      %ge3A_373 = vector.broadcast %ge3A_372 : i32 to vector<16xi32>
      %ge3A_374 = arith.cmpi sge, %sub3A_371, %ge3A_373 : vector<16xi32>
      %lt3A_375 = vector.broadcast %min3A_4 : i32 to vector<16xi32>
      %lt3A_376 = arith.cmpi slt, %sub3A_371, %lt3A_375 : vector<16xi32>
      %and3A_377 = arith.andi %ge3A_374, %lt3A_376 : vector<16xi1>
      %unique3A_378, %unique3A_379 = tpu.scan_count mask(%and3A_377 : vector<16xi1>) value(%sub3A_371 : vector<16xi32>) : vector<16xi1>, vector<16xi32>
      %and3A_380 = arith.andi %and3A_377, %unique3A_378 : vector<16xi1>
      %jit3A_381 = arith.constant 0 : i32
      %broadcast_in_dim3A_382 = vector.broadcast %jit3A_381 : i32 to vector<16xi32>
      %select_n3A_383 = arith.select %and3A_380, %sub3A_371, %broadcast_in_dim3A_382 : vector<16xi1>, vector<16xi32>
      %mul3A_384 = arith.constant 16 : i32
      %mul3A_385 = arith.muli %scan3A_365, %mul3A_384 : i32
      %add3A_386 = vector.broadcast %mul3A_385 : i32 to vector<16xi32>
      %add3A_387 = arith.addi %add3A_386, %iota3A : vector<16xi32>
      tpu.vector_store_idx %arg7[%select_n3A_383], %add3A_387 masked %and3A_380 : memref<3200xi32, #tpu.memory_space<vmem>>[vector<16xi32>], vector<16xi32>, vector<16xi1>
      %scan3A_388 = arith.constant 12 : i32
      %scan3A_389 = arith.addi %scan3A_106, %scan3A_388 : i32
      %mul3A_390 = arith.constant 16 : i32
      %mul3A_391 = arith.muli %scan3A_389, %mul3A_390 : i32
      %get3A_392 = arith.index_cast %mul3A_391 : i32 to index
      %get3A_393 = tpu.vector_load %arg6[%get3A_392] {strides = array<i32>} : memref<50000xi32, #tpu.memory_space<vmem>>, vector<16xi32>,
      %sub3A_394 = vector.broadcast %mul3A_2 : i32 to vector<16xi32>
      %sub3A_395 = arith.subi %get3A_393, %sub3A_394 : vector<16xi32>
      %ge3A_396 = arith.constant 0 : i32
      %ge3A_397 = vector.broadcast %ge3A_396 : i32 to vector<16xi32>
      %ge3A_398 = arith.cmpi sge, %sub3A_395, %ge3A_397 : vector<16xi32>
      %lt3A_399 = vector.broadcast %min3A_4 : i32 to vector<16xi32>
      %lt3A_400 = arith.cmpi slt, %sub3A_395, %lt3A_399 : vector<16xi32>
      %and3A_401 = arith.andi %ge3A_398, %lt3A_400 : vector<16xi1>
      %unique3A_402, %unique3A_403 = tpu.scan_count mask(%and3A_401 : vector<16xi1>) value(%sub3A_395 : vector<16xi32>) : vector<16xi1>, vector<16xi32>
      %and3A_404 = arith.andi %and3A_401, %unique3A_402 : vector<16xi1>
      %jit3A_405 = arith.constant 0 : i32
      %broadcast_in_dim3A_406 = vector.broadcast %jit3A_405 : i32 to vector<16xi32>
      %select_n3A_407 = arith.select %and3A_404, %sub3A_395, %broadcast_in_dim3A_406 : vector<16xi1>, vector<16xi32>
      %mul3A_408 = arith.constant 16 : i32
      %mul3A_409 = arith.muli %scan3A_389, %mul3A_408 : i32
      %add3A_410 = vector.broadcast %mul3A_409 : i32 to vector<16xi32>
      %add3A_411 = arith.addi %add3A_410, %iota3A : vector<16xi32>
      tpu.vector_store_idx %arg7[%select_n3A_407], %add3A_411 masked %and3A_404 : memref<3200xi32, #tpu.memory_space<vmem>>[vector<16xi32>], vector<16xi32>, vector<16xi1>
      %scan3A_412 = arith.constant 13 : i32
      %scan3A_413 = arith.addi %scan3A_106, %scan3A_412 : i32
      %mul3A_414 = arith.constant 16 : i32
      %mul3A_415 = arith.muli %scan3A_413, %mul3A_414 : i32
      %get3A_416 = arith.index_cast %mul3A_415 : i32 to index
      %get3A_417 = tpu.vector_load %arg6[%get3A_416] {strides = array<i32>} : memref<50000xi32, #tpu.memory_space<vmem>>, vector<16xi32>,
      %sub3A_418 = vector.broadcast %mul3A_2 : i32 to vector<16xi32>
      %sub3A_419 = arith.subi %get3A_417, %sub3A_418 : vector<16xi32>
      %ge3A_420 = arith.constant 0 : i32
      %ge3A_421 = vector.broadcast %ge3A_420 : i32 to vector<16xi32>
      %ge3A_422 = arith.cmpi sge, %sub3A_419, %ge3A_421 : vector<16xi32>
      %lt3A_423 = vector.broadcast %min3A_4 : i32 to vector<16xi32>
      %lt3A_424 = arith.cmpi slt, %sub3A_419, %lt3A_423 : vector<16xi32>
      %and3A_425 = arith.andi %ge3A_422, %lt3A_424 : vector<16xi1>
      %unique3A_426, %unique3A_427 = tpu.scan_count mask(%and3A_425 : vector<16xi1>) value(%sub3A_419 : vector<16xi32>) : vector<16xi1>, vector<16xi32>
      %and3A_428 = arith.andi %and3A_425, %unique3A_426 : vector<16xi1>
      %jit3A_429 = arith.constant 0 : i32
      %broadcast_in_dim3A_430 = vector.broadcast %jit3A_429 : i32 to vector<16xi32>
      %select_n3A_431 = arith.select %and3A_428, %sub3A_419, %broadcast_in_dim3A_430 : vector<16xi1>, vector<16xi32>
      %mul3A_432 = arith.constant 16 : i32
      %mul3A_433 = arith.muli %scan3A_413, %mul3A_432 : i32
      %add3A_434 = vector.broadcast %mul3A_433 : i32 to vector<16xi32>
      %add3A_435 = arith.addi %add3A_434, %iota3A : vector<16xi32>
      tpu.vector_store_idx %arg7[%select_n3A_431], %add3A_435 masked %and3A_428 : memref<3200xi32, #tpu.memory_space<vmem>>[vector<16xi32>], vector<16xi32>, vector<16xi1>
      %scan3A_436 = arith.constant 14 : i32
      %scan3A_437 = arith.addi %scan3A_106, %scan3A_436 : i32
      %mul3A_438 = arith.constant 16 : i32
      %mul3A_439 = arith.muli %scan3A_437, %mul3A_438 : i32
      %get3A_440 = arith.index_cast %mul3A_439 : i32 to index
      %get3A_441 = tpu.vector_load %arg6[%get3A_440] {strides = array<i32>} : memref<50000xi32, #tpu.memory_space<vmem>>, vector<16xi32>,
      %sub3A_442 = vector.broadcast %mul3A_2 : i32 to vector<16xi32>
      %sub3A_443 = arith.subi %get3A_441, %sub3A_442 : vector<16xi32>
      %ge3A_444 = arith.constant 0 : i32
      %ge3A_445 = vector.broadcast %ge3A_444 : i32 to vector<16xi32>
      %ge3A_446 = arith.cmpi sge, %sub3A_443, %ge3A_445 : vector<16xi32>
      %lt3A_447 = vector.broadcast %min3A_4 : i32 to vector<16xi32>
      %lt3A_448 = arith.cmpi slt, %sub3A_443, %lt3A_447 : vector<16xi32>
      %and3A_449 = arith.andi %ge3A_446, %lt3A_448 : vector<16xi1>
      %unique3A_450, %unique3A_451 = tpu.scan_count mask(%and3A_449 : vector<16xi1>) value(%sub3A_443 : vector<16xi32>) : vector<16xi1>, vector<16xi32>
      %and3A_452 = arith.andi %and3A_449, %unique3A_450 : vector<16xi1>
      %jit3A_453 = arith.constant 0 : i32
      %broadcast_in_dim3A_454 = vector.broadcast %jit3A_453 : i32 to vector<16xi32>
      %select_n3A_455 = arith.select %and3A_452, %sub3A_443, %broadcast_in_dim3A_454 : vector<16xi1>, vector<16xi32>
      %mul3A_456 = arith.constant 16 : i32
      %mul3A_457 = arith.muli %scan3A_437, %mul3A_456 : i32
      %add3A_458 = vector.broadcast %mul3A_457 : i32 to vector<16xi32>
      %add3A_459 = arith.addi %add3A_458, %iota3A : vector<16xi32>
      tpu.vector_store_idx %arg7[%select_n3A_455], %add3A_459 masked %and3A_452 : memref<3200xi32, #tpu.memory_space<vmem>>[vector<16xi32>], vector<16xi32>, vector<16xi1>
      %scan3A_460 = arith.constant 15 : i32
      %scan3A_461 = arith.addi %scan3A_106, %scan3A_460 : i32
      %mul3A_462 = arith.constant 16 : i32
      %mul3A_463 = arith.muli %scan3A_461, %mul3A_462 : i32
      %get3A_464 = arith.index_cast %mul3A_463 : i32 to index
      %get3A_465 = tpu.vector_load %arg6[%get3A_464] {strides = array<i32>} : memref<50000xi32, #tpu.memory_space<vmem>>, vector<16xi32>,
      %sub3A_466 = vector.broadcast %mul3A_2 : i32 to vector<16xi32>
      %sub3A_467 = arith.subi %get3A_465, %sub3A_466 : vector<16xi32>
      %ge3A_468 = arith.constant 0 : i32
      %ge3A_469 = vector.broadcast %ge3A_468 : i32 to vector<16xi32>
      %ge3A_470 = arith.cmpi sge, %sub3A_467, %ge3A_469 : vector<16xi32>
      %lt3A_471 = vector.broadcast %min3A_4 : i32 to vector<16xi32>
      %lt3A_472 = arith.cmpi slt, %sub3A_467, %lt3A_471 : vector<16xi32>
      %and3A_473 = arith.andi %ge3A_470, %lt3A_472 : vector<16xi1>
      %unique3A_474, %unique3A_475 = tpu.scan_count mask(%and3A_473 : vector<16xi1>) value(%sub3A_467 : vector<16xi32>) : vector<16xi1>, vector<16xi32>
      %and3A_476 = arith.andi %and3A_473, %unique3A_474 : vector<16xi1>
      %jit3A_477 = arith.constant 0 : i32
      %broadcast_in_dim3A_478 = vector.broadcast %jit3A_477 : i32 to vector<16xi32>
      %select_n3A_479 = arith.select %and3A_476, %sub3A_467, %broadcast_in_dim3A_478 : vector<16xi1>, vector<16xi32>
      %mul3A_480 = arith.constant 16 : i32
      %mul3A_481 = arith.muli %scan3A_461, %mul3A_480 : i32
      %add3A_482 = vector.broadcast %mul3A_481 : i32 to vector<16xi32>
      %add3A_483 = arith.addi %add3A_482, %iota3A : vector<16xi32>
      tpu.vector_store_idx %arg7[%select_n3A_479], %add3A_483 masked %and3A_476 : memref<3200xi32, #tpu.memory_space<vmem>>[vector<16xi32>], vector<16xi32>, vector<16xi1>
      %scan3A_484 = arith.constant 16 : i32
      %scan3A_485 = arith.addi %scan3A_106, %scan3A_484 : i32
      %mul3A_486 = arith.constant 16 : i32
      %mul3A_487 = arith.muli %scan3A_485, %mul3A_486 : i32
      %get3A_488 = arith.index_cast %mul3A_487 : i32 to index
      %get3A_489 = tpu.vector_load %arg6[%get3A_488] {strides = array<i32>} : memref<50000xi32, #tpu.memory_space<vmem>>, vector<16xi32>,
      %sub3A_490 = vector.broadcast %mul3A_2 : i32 to vector<16xi32>
      %sub3A_491 = arith.subi %get3A_489, %sub3A_490 : vector<16xi32>
      %ge3A_492 = arith.constant 0 : i32
      %ge3A_493 = vector.broadcast %ge3A_492 : i32 to vector<16xi32>
      %ge3A_494 = arith.cmpi sge, %sub3A_491, %ge3A_493 : vector<16xi32>
      %lt3A_495 = vector.broadcast %min3A_4 : i32 to vector<16xi32>
      %lt3A_496 = arith.cmpi slt, %sub3A_491, %lt3A_495 : vector<16xi32>
      %and3A_497 = arith.andi %ge3A_494, %lt3A_496 : vector<16xi1>
      %unique3A_498, %unique3A_499 = tpu.scan_count mask(%and3A_497 : vector<16xi1>) value(%sub3A_491 : vector<16xi32>) : vector<16xi1>, vector<16xi32>
      %and3A_500 = arith.andi %and3A_497, %unique3A_498 : vector<16xi1>
      %jit3A_501 = arith.constant 0 : i32
      %broadcast_in_dim3A_502 = vector.broadcast %jit3A_501 : i32 to vector<16xi32>
      %select_n3A_503 = arith.select %and3A_500, %sub3A_491, %broadcast_in_dim3A_502 : vector<16xi1>, vector<16xi32>
      %mul3A_504 = arith.constant 16 : i32
      %mul3A_505 = arith.muli %scan3A_485, %mul3A_504 : i32
      %add3A_506 = vector.broadcast %mul3A_505 : i32 to vector<16xi32>
      %add3A_507 = arith.addi %add3A_506, %iota3A : vector<16xi32>
      tpu.vector_store_idx %arg7[%select_n3A_503], %add3A_507 masked %and3A_500 : memref<3200xi32, #tpu.memory_space<vmem>>[vector<16xi32>], vector<16xi32>, vector<16xi1>
      %scan3A_508 = arith.constant 17 : i32
      %scan3A_509 = arith.addi %scan3A_106, %scan3A_508 : i32
      %mul3A_510 = arith.constant 16 : i32
      %mul3A_511 = arith.muli %scan3A_509, %mul3A_510 : i32
      %get3A_512 = arith.index_cast %mul3A_511 : i32 to index
      %get3A_513 = tpu.vector_load %arg6[%get3A_512] {strides = array<i32>} : memref<50000xi32, #tpu.memory_space<vmem>>, vector<16xi32>,
      %sub3A_514 = vector.broadcast %mul3A_2 : i32 to vector<16xi32>
      %sub3A_515 = arith.subi %get3A_513, %sub3A_514 : vector<16xi32>
      %ge3A_516 = arith.constant 0 : i32
      %ge3A_517 = vector.broadcast %ge3A_516 : i32 to vector<16xi32>
      %ge3A_518 = arith.cmpi sge, %sub3A_515, %ge3A_517 : vector<16xi32>
      %lt3A_519 = vector.broadcast %min3A_4 : i32 to vector<16xi32>
      %lt3A_520 = arith.cmpi slt, %sub3A_515, %lt3A_519 : vector<16xi32>
      %and3A_521 = arith.andi %ge3A_518, %lt3A_520 : vector<16xi1>
      %unique3A_522, %unique3A_523 = tpu.scan_count mask(%and3A_521 : vector<16xi1>) value(%sub3A_515 : vector<16xi32>) : vector<16xi1>, vector<16xi32>
      %and3A_524 = arith.andi %and3A_521, %unique3A_522 : vector<16xi1>
      %jit3A_525 = arith.constant 0 : i32
      %broadcast_in_dim3A_526 = vector.broadcast %jit3A_525 : i32 to vector<16xi32>
      %select_n3A_527 = arith.select %and3A_524, %sub3A_515, %broadcast_in_dim3A_526 : vector<16xi1>, vector<16xi32>
      %mul3A_528 = arith.constant 16 : i32
      %mul3A_529 = arith.muli %scan3A_509, %mul3A_528 : i32
      %add3A_530 = vector.broadcast %mul3A_529 : i32 to vector<16xi32>
      %add3A_531 = arith.addi %add3A_530, %iota3A : vector<16xi32>
      tpu.vector_store_idx %arg7[%select_n3A_527], %add3A_531 masked %and3A_524 : memref<3200xi32, #tpu.memory_space<vmem>>[vector<16xi32>], vector<16xi32>, vector<16xi1>
      %scan3A_532 = arith.constant 18 : i32
      %scan3A_533 = arith.addi %scan3A_106, %scan3A_532 : i32
      %mul3A_534 = arith.constant 16 : i32
      %mul3A_535 = arith.muli %scan3A_533, %mul3A_534 : i32
      %get3A_536 = arith.index_cast %mul3A_535 : i32 to index
      %get3A_537 = tpu.vector_load %arg6[%get3A_536] {strides = array<i32>} : memref<50000xi32, #tpu.memory_space<vmem>>, vector<16xi32>,
      %sub3A_538 = vector.broadcast %mul3A_2 : i32 to vector<16xi32>
      %sub3A_539 = arith.subi %get3A_537, %sub3A_538 : vector<16xi32>
      %ge3A_540 = arith.constant 0 : i32
      %ge3A_541 = vector.broadcast %ge3A_540 : i32 to vector<16xi32>
      %ge3A_542 = arith.cmpi sge, %sub3A_539, %ge3A_541 : vector<16xi32>
      %lt3A_543 = vector.broadcast %min3A_4 : i32 to vector<16xi32>
      %lt3A_544 = arith.cmpi slt, %sub3A_539, %lt3A_543 : vector<16xi32>
      %and3A_545 = arith.andi %ge3A_542, %lt3A_544 : vector<16xi1>
      %unique3A_546, %unique3A_547 = tpu.scan_count mask(%and3A_545 : vector<16xi1>) value(%sub3A_539 : vector<16xi32>) : vector<16xi1>, vector<16xi32>
      %and3A_548 = arith.andi %and3A_545, %unique3A_546 : vector<16xi1>
      %jit3A_549 = arith.constant 0 : i32
      %broadcast_in_dim3A_550 = vector.broadcast %jit3A_549 : i32 to vector<16xi32>
      %select_n3A_551 = arith.select %and3A_548, %sub3A_539, %broadcast_in_dim3A_550 : vector<16xi1>, vector<16xi32>
      %mul3A_552 = arith.constant 16 : i32
      %mul3A_553 = arith.muli %scan3A_533, %mul3A_552 : i32
      %add3A_554 = vector.broadcast %mul3A_553 : i32 to vector<16xi32>
      %add3A_555 = arith.addi %add3A_554, %iota3A : vector<16xi32>
      tpu.vector_store_idx %arg7[%select_n3A_551], %add3A_555 masked %and3A_548 : memref<3200xi32, #tpu.memory_space<vmem>>[vector<16xi32>], vector<16xi32>, vector<16xi1>
      %scan3A_556 = arith.constant 19 : i32
      %scan3A_557 = arith.addi %scan3A_106, %scan3A_556 : i32
      %mul3A_558 = arith.constant 16 : i32
      %mul3A_559 = arith.muli %scan3A_557, %mul3A_558 : i32
      %get3A_560 = arith.index_cast %mul3A_559 : i32 to index
      %get3A_561 = tpu.vector_load %arg6[%get3A_560] {strides = array<i32>} : memref<50000xi32, #tpu.memory_space<vmem>>, vector<16xi32>,
      %sub3A_562 = vector.broadcast %mul3A_2 : i32 to vector<16xi32>
      %sub3A_563 = arith.subi %get3A_561, %sub3A_562 : vector<16xi32>
      %ge3A_564 = arith.constant 0 : i32
      %ge3A_565 = vector.broadcast %ge3A_564 : i32 to vector<16xi32>
      %ge3A_566 = arith.cmpi sge, %sub3A_563, %ge3A_565 : vector<16xi32>
      %lt3A_567 = vector.broadcast %min3A_4 : i32 to vector<16xi32>
      %lt3A_568 = arith.cmpi slt, %sub3A_563, %lt3A_567 : vector<16xi32>
      %and3A_569 = arith.andi %ge3A_566, %lt3A_568 : vector<16xi1>
      %unique3A_570, %unique3A_571 = tpu.scan_count mask(%and3A_569 : vector<16xi1>) value(%sub3A_563 : vector<16xi32>) : vector<16xi1>, vector<16xi32>
      %and3A_572 = arith.andi %and3A_569, %unique3A_570 : vector<16xi1>
      %jit3A_573 = arith.constant 0 : i32
      %broadcast_in_dim3A_574 = vector.broadcast %jit3A_573 : i32 to vector<16xi32>
      %select_n3A_575 = arith.select %and3A_572, %sub3A_563, %broadcast_in_dim3A_574 : vector<16xi1>, vector<16xi32>
      %mul3A_576 = arith.constant 16 : i32
      %mul3A_577 = arith.muli %scan3A_557, %mul3A_576 : i32
      %add3A_578 = vector.broadcast %mul3A_577 : i32 to vector<16xi32>
      %add3A_579 = arith.addi %add3A_578, %iota3A : vector<16xi32>
      tpu.vector_store_idx %arg7[%select_n3A_575], %add3A_579 masked %and3A_572 : memref<3200xi32, #tpu.memory_space<vmem>>[vector<16xi32>], vector<16xi32>, vector<16xi1>
      %scan3A_580 = arith.constant 20 : i32
      %scan3A_581 = arith.addi %scan3A_106, %scan3A_580 : i32
      %mul3A_582 = arith.constant 16 : i32
      %mul3A_583 = arith.muli %scan3A_581, %mul3A_582 : i32
      %get3A_584 = arith.index_cast %mul3A_583 : i32 to index
      %get3A_585 = tpu.vector_load %arg6[%get3A_584] {strides = array<i32>} : memref<50000xi32, #tpu.memory_space<vmem>>, vector<16xi32>,
      %sub3A_586 = vector.broadcast %mul3A_2 : i32 to vector<16xi32>
      %sub3A_587 = arith.subi %get3A_585, %sub3A_586 : vector<16xi32>
      %ge3A_588 = arith.constant 0 : i32
      %ge3A_589 = vector.broadcast %ge3A_588 : i32 to vector<16xi32>
      %ge3A_590 = arith.cmpi sge, %sub3A_587, %ge3A_589 : vector<16xi32>
      %lt3A_591 = vector.broadcast %min3A_4 : i32 to vector<16xi32>
      %lt3A_592 = arith.cmpi slt, %sub3A_587, %lt3A_591 : vector<16xi32>
      %and3A_593 = arith.andi %ge3A_590, %lt3A_592 : vector<16xi1>
      %unique3A_594, %unique3A_595 = tpu.scan_count mask(%and3A_593 : vector<16xi1>) value(%sub3A_587 : vector<16xi32>) : vector<16xi1>, vector<16xi32>
      %and3A_596 = arith.andi %and3A_593, %unique3A_594 : vector<16xi1>
      %jit3A_597 = arith.constant 0 : i32
      %broadcast_in_dim3A_598 = vector.broadcast %jit3A_597 : i32 to vector<16xi32>
      %select_n3A_599 = arith.select %and3A_596, %sub3A_587, %broadcast_in_dim3A_598 : vector<16xi1>, vector<16xi32>
      %mul3A_600 = arith.constant 16 : i32
      %mul3A_601 = arith.muli %scan3A_581, %mul3A_600 : i32
      %add3A_602 = vector.broadcast %mul3A_601 : i32 to vector<16xi32>
      %add3A_603 = arith.addi %add3A_602, %iota3A : vector<16xi32>
      tpu.vector_store_idx %arg7[%select_n3A_599], %add3A_603 masked %and3A_596 : memref<3200xi32, #tpu.memory_space<vmem>>[vector<16xi32>], vector<16xi32>, vector<16xi1>
      %scan3A_604 = arith.constant 21 : i32
      %scan3A_605 = arith.addi %scan3A_106, %scan3A_604 : i32
      %mul3A_606 = arith.constant 16 : i32
      %mul3A_607 = arith.muli %scan3A_605, %mul3A_606 : i32
      %get3A_608 = arith.index_cast %mul3A_607 : i32 to index
      %get3A_609 = tpu.vector_load %arg6[%get3A_608] {strides = array<i32>} : memref<50000xi32, #tpu.memory_space<vmem>>, vector<16xi32>,
      %sub3A_610 = vector.broadcast %mul3A_2 : i32 to vector<16xi32>
      %sub3A_611 = arith.subi %get3A_609, %sub3A_610 : vector<16xi32>
      %ge3A_612 = arith.constant 0 : i32
      %ge3A_613 = vector.broadcast %ge3A_612 : i32 to vector<16xi32>
      %ge3A_614 = arith.cmpi sge, %sub3A_611, %ge3A_613 : vector<16xi32>
      %lt3A_615 = vector.broadcast %min3A_4 : i32 to vector<16xi32>
      %lt3A_616 = arith.cmpi slt, %sub3A_611, %lt3A_615 : vector<16xi32>
      %and3A_617 = arith.andi %ge3A_614, %lt3A_616 : vector<16xi1>
      %unique3A_618, %unique3A_619 = tpu.scan_count mask(%and3A_617 : vector<16xi1>) value(%sub3A_611 : vector<16xi32>) : vector<16xi1>, vector<16xi32>
      %and3A_620 = arith.andi %and3A_617, %unique3A_618 : vector<16xi1>
      %jit3A_621 = arith.constant 0 : i32
      %broadcast_in_dim3A_622 = vector.broadcast %jit3A_621 : i32 to vector<16xi32>
      %select_n3A_623 = arith.select %and3A_620, %sub3A_611, %broadcast_in_dim3A_622 : vector<16xi1>, vector<16xi32>
      %mul3A_624 = arith.constant 16 : i32
      %mul3A_625 = arith.muli %scan3A_605, %mul3A_624 : i32
      %add3A_626 = vector.broadcast %mul3A_625 : i32 to vector<16xi32>
      %add3A_627 = arith.addi %add3A_626, %iota3A : vector<16xi32>
      tpu.vector_store_idx %arg7[%select_n3A_623], %add3A_627 masked %and3A_620 : memref<3200xi32, #tpu.memory_space<vmem>>[vector<16xi32>], vector<16xi32>, vector<16xi1>
      %scan3A_628 = arith.constant 22 : i32
      %scan3A_629 = arith.addi %scan3A_106, %scan3A_628 : i32
      %mul3A_630 = arith.constant 16 : i32
      %mul3A_631 = arith.muli %scan3A_629, %mul3A_630 : i32
      %get3A_632 = arith.index_cast %mul3A_631 : i32 to index
      %get3A_633 = tpu.vector_load %arg6[%get3A_632] {strides = array<i32>} : memref<50000xi32, #tpu.memory_space<vmem>>, vector<16xi32>,
      %sub3A_634 = vector.broadcast %mul3A_2 : i32 to vector<16xi32>
      %sub3A_635 = arith.subi %get3A_633, %sub3A_634 : vector<16xi32>
      %ge3A_636 = arith.constant 0 : i32
      %ge3A_637 = vector.broadcast %ge3A_636 : i32 to vector<16xi32>
      %ge3A_638 = arith.cmpi sge, %sub3A_635, %ge3A_637 : vector<16xi32>
      %lt3A_639 = vector.broadcast %min3A_4 : i32 to vector<16xi32>
      %lt3A_640 = arith.cmpi slt, %sub3A_635, %lt3A_639 : vector<16xi32>
      %and3A_641 = arith.andi %ge3A_638, %lt3A_640 : vector<16xi1>
      %unique3A_642, %unique3A_643 = tpu.scan_count mask(%and3A_641 : vector<16xi1>) value(%sub3A_635 : vector<16xi32>) : vector<16xi1>, vector<16xi32>
      %and3A_644 = arith.andi %and3A_641, %unique3A_642 : vector<16xi1>
      %jit3A_645 = arith.constant 0 : i32
      %broadcast_in_dim3A_646 = vector.broadcast %jit3A_645 : i32 to vector<16xi32>
      %select_n3A_647 = arith.select %and3A_644, %sub3A_635, %broadcast_in_dim3A_646 : vector<16xi1>, vector<16xi32>
      %mul3A_648 = arith.constant 16 : i32
      %mul3A_649 = arith.muli %scan3A_629, %mul3A_648 : i32
      %add3A_650 = vector.broadcast %mul3A_649 : i32 to vector<16xi32>
      %add3A_651 = arith.addi %add3A_650, %iota3A : vector<16xi32>
      tpu.vector_store_idx %arg7[%select_n3A_647], %add3A_651 masked %and3A_644 : memref<3200xi32, #tpu.memory_space<vmem>>[vector<16xi32>], vector<16xi32>, vector<16xi1>
      %scan3A_652 = arith.constant 23 : i32
      %scan3A_653 = arith.addi %scan3A_106, %scan3A_652 : i32
      %mul3A_654 = arith.constant 16 : i32
      %mul3A_655 = arith.muli %scan3A_653, %mul3A_654 : i32
      %get3A_656 = arith.index_cast %mul3A_655 : i32 to index
      %get3A_657 = tpu.vector_load %arg6[%get3A_656] {strides = array<i32>} : memref<50000xi32, #tpu.memory_space<vmem>>, vector<16xi32>,
      %sub3A_658 = vector.broadcast %mul3A_2 : i32 to vector<16xi32>
      %sub3A_659 = arith.subi %get3A_657, %sub3A_658 : vector<16xi32>
      %ge3A_660 = arith.constant 0 : i32
      %ge3A_661 = vector.broadcast %ge3A_660 : i32 to vector<16xi32>
      %ge3A_662 = arith.cmpi sge, %sub3A_659, %ge3A_661 : vector<16xi32>
      %lt3A_663 = vector.broadcast %min3A_4 : i32 to vector<16xi32>
      %lt3A_664 = arith.cmpi slt, %sub3A_659, %lt3A_663 : vector<16xi32>
      %and3A_665 = arith.andi %ge3A_662, %lt3A_664 : vector<16xi1>
      %unique3A_666, %unique3A_667 = tpu.scan_count mask(%and3A_665 : vector<16xi1>) value(%sub3A_659 : vector<16xi32>) : vector<16xi1>, vector<16xi32>
      %and3A_668 = arith.andi %and3A_665, %unique3A_666 : vector<16xi1>
      %jit3A_669 = arith.constant 0 : i32
      %broadcast_in_dim3A_670 = vector.broadcast %jit3A_669 : i32 to vector<16xi32>
      %select_n3A_671 = arith.select %and3A_668, %sub3A_659, %broadcast_in_dim3A_670 : vector<16xi1>, vector<16xi32>
      %mul3A_672 = arith.constant 16 : i32
      %mul3A_673 = arith.muli %scan3A_653, %mul3A_672 : i32
      %add3A_674 = vector.broadcast %mul3A_673 : i32 to vector<16xi32>
      %add3A_675 = arith.addi %add3A_674, %iota3A : vector<16xi32>
      tpu.vector_store_idx %arg7[%select_n3A_671], %add3A_675 masked %and3A_668 : memref<3200xi32, #tpu.memory_space<vmem>>[vector<16xi32>], vector<16xi32>, vector<16xi1>
      %scan3A_676 = arith.constant 24 : i32
      %scan3A_677 = arith.addi %scan3A_106, %scan3A_676 : i32
      %mul3A_678 = arith.constant 16 : i32
      %mul3A_679 = arith.muli %scan3A_677, %mul3A_678 : i32
      %get3A_680 = arith.index_cast %mul3A_679 : i32 to index
      %get3A_681 = tpu.vector_load %arg6[%get3A_680] {strides = array<i32>} : memref<50000xi32, #tpu.memory_space<vmem>>, vector<16xi32>,
      %sub3A_682 = vector.broadcast %mul3A_2 : i32 to vector<16xi32>
      %sub3A_683 = arith.subi %get3A_681, %sub3A_682 : vector<16xi32>
      %ge3A_684 = arith.constant 0 : i32
      %ge3A_685 = vector.broadcast %ge3A_684 : i32 to vector<16xi32>
      %ge3A_686 = arith.cmpi sge, %sub3A_683, %ge3A_685 : vector<16xi32>
      %lt3A_687 = vector.broadcast %min3A_4 : i32 to vector<16xi32>
      %lt3A_688 = arith.cmpi slt, %sub3A_683, %lt3A_687 : vector<16xi32>
      %and3A_689 = arith.andi %ge3A_686, %lt3A_688 : vector<16xi1>
      %unique3A_690, %unique3A_691 = tpu.scan_count mask(%and3A_689 : vector<16xi1>) value(%sub3A_683 : vector<16xi32>) : vector<16xi1>, vector<16xi32>
      %and3A_692 = arith.andi %and3A_689, %unique3A_690 : vector<16xi1>
      %jit3A_693 = arith.constant 0 : i32
      %broadcast_in_dim3A_694 = vector.broadcast %jit3A_693 : i32 to vector<16xi32>
      %select_n3A_695 = arith.select %and3A_692, %sub3A_683, %broadcast_in_dim3A_694 : vector<16xi1>, vector<16xi32>
      %mul3A_696 = arith.constant 16 : i32
      %mul3A_697 = arith.muli %scan3A_677, %mul3A_696 : i32
      %add3A_698 = vector.broadcast %mul3A_697 : i32 to vector<16xi32>
      %add3A_699 = arith.addi %add3A_698, %iota3A : vector<16xi32>
      tpu.vector_store_idx %arg7[%select_n3A_695], %add3A_699 masked %and3A_692 : memref<3200xi32, #tpu.memory_space<vmem>>[vector<16xi32>], vector<16xi32>, vector<16xi1>
    }
    %scan3A_16 = arith.constant 3125 : i32
    %scan3A_17 = arith.constant 0 : i32
    %scan3A_18 = arith.constant 0 : i32
    %scan3A_19 = arith.constant 200 : i32
    %scan3A_20 = arith.addi %scan3A_18, %scan3A_19 : i32
    %scan3A_21 = arith.constant 4 : i32
    %scan3A_22 = scf.for %scan3A_106 = %scan3A_18 to %scan3A_20 step %scan3A_21 iter_args(%scan3A_107 = %scan3A_17) -> (i32)  : i32 {
      %mul3A_108 = arith.constant 16 : i32
      %mul3A_109 = arith.muli %scan3A_106, %mul3A_108 : i32
      %get3A_110 = arith.index_cast %mul3A_109 : i32 to index
      %get3A_111 = tpu.vector_load %arg7[%get3A_110] {strides = array<i32>} : memref<3200xi32, #tpu.memory_space<vmem>>, vector<16xi32>,
      %ge3A = arith.constant 0 : i32
      %ge3A_112 = vector.broadcast %ge3A : i32 to vector<16xi32>
      %ge3A_113 = arith.cmpi sge, %get3A_111, %ge3A_112 : vector<16xi32>
      %jit3A = arith.constant 1 : i32
      %jit3A_114 = arith.constant 0 : i32
      %broadcast_in_dim3A_115 = vector.broadcast %jit3A : i32 to vector<16xi32>
      %broadcast_in_dim3A_116 = vector.broadcast %jit3A_114 : i32 to vector<16xi32>
      %select_n3A = arith.select %ge3A_113, %broadcast_in_dim3A_115, %broadcast_in_dim3A_116 : vector<16xi1>, vector<16xi32>
      %broadcast_in_dim3A_117 = arith.constant true
      %broadcast_in_dim3A_118 = vector.broadcast %broadcast_in_dim3A_117 : i1 to vector<16xi1>
      %masked_cumsum3A = tpu.scan <sum>, %select_n3A masked %broadcast_in_dim3A_118 : vector<16xi32>, vector<16xi1> -> vector<16xi32>
      %add3A_119 = vector.broadcast %scan3A_107 : i32 to vector<16xi32>
      %add3A_120 = arith.addi %add3A_119, %masked_cumsum3A : vector<16xi32>
      %sub3A_121 = arith.subi %add3A_120, %select_n3A : vector<16xi32>
      %shift_right_arithmetic3A_122 = arith.constant 7 : i32
      %shift_right_arithmetic3A_123 = vector.broadcast %shift_right_arithmetic3A_122 : i32 to vector<16xi32>
      %shift_right_arithmetic3A_124 = arith.shrsi %sub3A_121, %shift_right_arithmetic3A_123 : vector<16xi32>
      %and3A_125 = arith.constant 127 : i32
      %and3A_126 = vector.broadcast %and3A_125 : i32 to vector<16xi32>
      %and3A_127 = arith.andi %sub3A_121, %and3A_126 : vector<16xi32>
      %mul3A_128 = arith.constant 16 : i32
      %mul3A_129 = arith.muli %scan3A_106, %mul3A_128 : i32
      %add3A_130 = vector.broadcast %mul3A_129 : i32 to vector<16xi32>
      %add3A_131 = arith.addi %add3A_130, %iota3A : vector<16xi32>
      %add3A_132 = vector.broadcast %mul3A_2 : i32 to vector<16xi32>
      %add3A_133 = arith.addi %add3A_131, %add3A_132 : vector<16xi32>
      tpu.vector_store_idx %arg8[%shift_right_arithmetic3A_124, %and3A_127], %add3A_133 masked %ge3A_113 : memref<25x128xi32, #tpu.memory_space<vmem>>[vector<16xi32>, vector<16xi32>], vector<16xi32>, vector<16xi1>
      tpu.vector_store_idx %arg9[%shift_right_arithmetic3A_124, %and3A_127], %get3A_111 masked %ge3A_113 : memref<25x128xi32, #tpu.memory_space<vmem>>[vector<16xi32>, vector<16xi32>], vector<16xi32>, vector<16xi1>
      %slice3A_134 = vector.extract_strided_slice %masked_cumsum3A {offsets = [15], sizes = [1], strides = [1]} : vector<16xi32> to vector<1xi32>
      %squeeze3A_135 = vector.extract %slice3A_134[0] : i32 from vector<1xi32>
      %add3A_136 = arith.addi %scan3A_107, %squeeze3A_135 : i32
      %scan3A_137 = arith.constant 1 : i32
      %scan3A_138 = arith.addi %scan3A_106, %scan3A_137 : i32
      %mul3A_139 = arith.constant 16 : i32
      %mul3A_140 = arith.muli %scan3A_138, %mul3A_139 : i32
      %get3A_141 = arith.index_cast %mul3A_140 : i32 to index
      %get3A_142 = tpu.vector_load %arg7[%get3A_141] {strides = array<i32>} : memref<3200xi32, #tpu.memory_space<vmem>>, vector<16xi32>,
      %ge3A_143 = arith.constant 0 : i32
      %ge3A_144 = vector.broadcast %ge3A_143 : i32 to vector<16xi32>
      %ge3A_145 = arith.cmpi sge, %get3A_142, %ge3A_144 : vector<16xi32>
      %jit3A_146 = arith.constant 1 : i32
      %jit3A_147 = arith.constant 0 : i32
      %broadcast_in_dim3A_148 = vector.broadcast %jit3A_146 : i32 to vector<16xi32>
      %broadcast_in_dim3A_149 = vector.broadcast %jit3A_147 : i32 to vector<16xi32>
      %select_n3A_150 = arith.select %ge3A_145, %broadcast_in_dim3A_148, %broadcast_in_dim3A_149 : vector<16xi1>, vector<16xi32>
      %broadcast_in_dim3A_151 = arith.constant true
      %broadcast_in_dim3A_152 = vector.broadcast %broadcast_in_dim3A_151 : i1 to vector<16xi1>
      %masked_cumsum3A_153 = tpu.scan <sum>, %select_n3A_150 masked %broadcast_in_dim3A_152 : vector<16xi32>, vector<16xi1> -> vector<16xi32>
      %add3A_154 = vector.broadcast %add3A_136 : i32 to vector<16xi32>
      %add3A_155 = arith.addi %add3A_154, %masked_cumsum3A_153 : vector<16xi32>
      %sub3A_156 = arith.subi %add3A_155, %select_n3A_150 : vector<16xi32>
      %shift_right_arithmetic3A_157 = arith.constant 7 : i32
      %shift_right_arithmetic3A_158 = vector.broadcast %shift_right_arithmetic3A_157 : i32 to vector<16xi32>
      %shift_right_arithmetic3A_159 = arith.shrsi %sub3A_156, %shift_right_arithmetic3A_158 : vector<16xi32>
      %and3A_160 = arith.constant 127 : i32
      %and3A_161 = vector.broadcast %and3A_160 : i32 to vector<16xi32>
      %and3A_162 = arith.andi %sub3A_156, %and3A_161 : vector<16xi32>
      %mul3A_163 = arith.constant 16 : i32
      %mul3A_164 = arith.muli %scan3A_138, %mul3A_163 : i32
      %add3A_165 = vector.broadcast %mul3A_164 : i32 to vector<16xi32>
      %add3A_166 = arith.addi %add3A_165, %iota3A : vector<16xi32>
      %add3A_167 = vector.broadcast %mul3A_2 : i32 to vector<16xi32>
      %add3A_168 = arith.addi %add3A_166, %add3A_167 : vector<16xi32>
      tpu.vector_store_idx %arg8[%shift_right_arithmetic3A_159, %and3A_162], %add3A_168 masked %ge3A_145 : memref<25x128xi32, #tpu.memory_space<vmem>>[vector<16xi32>, vector<16xi32>], vector<16xi32>, vector<16xi1>
      tpu.vector_store_idx %arg9[%shift_right_arithmetic3A_159, %and3A_162], %get3A_142 masked %ge3A_145 : memref<25x128xi32, #tpu.memory_space<vmem>>[vector<16xi32>, vector<16xi32>], vector<16xi32>, vector<16xi1>
      %slice3A_169 = vector.extract_strided_slice %masked_cumsum3A_153 {offsets = [15], sizes = [1], strides = [1]} : vector<16xi32> to vector<1xi32>
      %squeeze3A_170 = vector.extract %slice3A_169[0] : i32 from vector<1xi32>
      %add3A_171 = arith.addi %add3A_136, %squeeze3A_170 : i32
      %scan3A_172 = arith.constant 2 : i32
      %scan3A_173 = arith.addi %scan3A_106, %scan3A_172 : i32
      %mul3A_174 = arith.constant 16 : i32
      %mul3A_175 = arith.muli %scan3A_173, %mul3A_174 : i32
      %get3A_176 = arith.index_cast %mul3A_175 : i32 to index
      %get3A_177 = tpu.vector_load %arg7[%get3A_176] {strides = array<i32>} : memref<3200xi32, #tpu.memory_space<vmem>>, vector<16xi32>,
      %ge3A_178 = arith.constant 0 : i32
      %ge3A_179 = vector.broadcast %ge3A_178 : i32 to vector<16xi32>
      %ge3A_180 = arith.cmpi sge, %get3A_177, %ge3A_179 : vector<16xi32>
      %jit3A_181 = arith.constant 1 : i32
      %jit3A_182 = arith.constant 0 : i32
      %broadcast_in_dim3A_183 = vector.broadcast %jit3A_181 : i32 to vector<16xi32>
      %broadcast_in_dim3A_184 = vector.broadcast %jit3A_182 : i32 to vector<16xi32>
      %select_n3A_185 = arith.select %ge3A_180, %broadcast_in_dim3A_183, %broadcast_in_dim3A_184 : vector<16xi1>, vector<16xi32>
      %broadcast_in_dim3A_186 = arith.constant true
      %broadcast_in_dim3A_187 = vector.broadcast %broadcast_in_dim3A_186 : i1 to vector<16xi1>
      %masked_cumsum3A_188 = tpu.scan <sum>, %select_n3A_185 masked %broadcast_in_dim3A_187 : vector<16xi32>, vector<16xi1> -> vector<16xi32>
      %add3A_189 = vector.broadcast %add3A_171 : i32 to vector<16xi32>
      %add3A_190 = arith.addi %add3A_189, %masked_cumsum3A_188 : vector<16xi32>
      %sub3A_191 = arith.subi %add3A_190, %select_n3A_185 : vector<16xi32>
      %shift_right_arithmetic3A_192 = arith.constant 7 : i32
      %shift_right_arithmetic3A_193 = vector.broadcast %shift_right_arithmetic3A_192 : i32 to vector<16xi32>
      %shift_right_arithmetic3A_194 = arith.shrsi %sub3A_191, %shift_right_arithmetic3A_193 : vector<16xi32>
      %and3A_195 = arith.constant 127 : i32
      %and3A_196 = vector.broadcast %and3A_195 : i32 to vector<16xi32>
      %and3A_197 = arith.andi %sub3A_191, %and3A_196 : vector<16xi32>
      %mul3A_198 = arith.constant 16 : i32
      %mul3A_199 = arith.muli %scan3A_173, %mul3A_198 : i32
      %add3A_200 = vector.broadcast %mul3A_199 : i32 to vector<16xi32>
      %add3A_201 = arith.addi %add3A_200, %iota3A : vector<16xi32>
      %add3A_202 = vector.broadcast %mul3A_2 : i32 to vector<16xi32>
      %add3A_203 = arith.addi %add3A_201, %add3A_202 : vector<16xi32>
      tpu.vector_store_idx %arg8[%shift_right_arithmetic3A_194, %and3A_197], %add3A_203 masked %ge3A_180 : memref<25x128xi32, #tpu.memory_space<vmem>>[vector<16xi32>, vector<16xi32>], vector<16xi32>, vector<16xi1>
      tpu.vector_store_idx %arg9[%shift_right_arithmetic3A_194, %and3A_197], %get3A_177 masked %ge3A_180 : memref<25x128xi32, #tpu.memory_space<vmem>>[vector<16xi32>, vector<16xi32>], vector<16xi32>, vector<16xi1>
      %slice3A_204 = vector.extract_strided_slice %masked_cumsum3A_188 {offsets = [15], sizes = [1], strides = [1]} : vector<16xi32> to vector<1xi32>
      %squeeze3A_205 = vector.extract %slice3A_204[0] : i32 from vector<1xi32>
      %add3A_206 = arith.addi %add3A_171, %squeeze3A_205 : i32
      %scan3A_207 = arith.constant 3 : i32
      %scan3A_208 = arith.addi %scan3A_106, %scan3A_207 : i32
      %mul3A_209 = arith.constant 16 : i32
      %mul3A_210 = arith.muli %scan3A_208, %mul3A_209 : i32
      %get3A_211 = arith.index_cast %mul3A_210 : i32 to index
      %get3A_212 = tpu.vector_load %arg7[%get3A_211] {strides = array<i32>} : memref<3200xi32, #tpu.memory_space<vmem>>, vector<16xi32>,
      %ge3A_213 = arith.constant 0 : i32
      %ge3A_214 = vector.broadcast %ge3A_213 : i32 to vector<16xi32>
      %ge3A_215 = arith.cmpi sge, %get3A_212, %ge3A_214 : vector<16xi32>
      %jit3A_216 = arith.constant 1 : i32
      %jit3A_217 = arith.constant 0 : i32
      %broadcast_in_dim3A_218 = vector.broadcast %jit3A_216 : i32 to vector<16xi32>
      %broadcast_in_dim3A_219 = vector.broadcast %jit3A_217 : i32 to vector<16xi32>
      %select_n3A_220 = arith.select %ge3A_215, %broadcast_in_dim3A_218, %broadcast_in_dim3A_219 : vector<16xi1>, vector<16xi32>
      %broadcast_in_dim3A_221 = arith.constant true
      %broadcast_in_dim3A_222 = vector.broadcast %broadcast_in_dim3A_221 : i1 to vector<16xi1>
      %masked_cumsum3A_223 = tpu.scan <sum>, %select_n3A_220 masked %broadcast_in_dim3A_222 : vector<16xi32>, vector<16xi1> -> vector<16xi32>
      %add3A_224 = vector.broadcast %add3A_206 : i32 to vector<16xi32>
      %add3A_225 = arith.addi %add3A_224, %masked_cumsum3A_223 : vector<16xi32>
      %sub3A_226 = arith.subi %add3A_225, %select_n3A_220 : vector<16xi32>
      %shift_right_arithmetic3A_227 = arith.constant 7 : i32
      %shift_right_arithmetic3A_228 = vector.broadcast %shift_right_arithmetic3A_227 : i32 to vector<16xi32>
      %shift_right_arithmetic3A_229 = arith.shrsi %sub3A_226, %shift_right_arithmetic3A_228 : vector<16xi32>
      %and3A_230 = arith.constant 127 : i32
      %and3A_231 = vector.broadcast %and3A_230 : i32 to vector<16xi32>
      %and3A_232 = arith.andi %sub3A_226, %and3A_231 : vector<16xi32>
      %mul3A_233 = arith.constant 16 : i32
      %mul3A_234 = arith.muli %scan3A_208, %mul3A_233 : i32
      %add3A_235 = vector.broadcast %mul3A_234 : i32 to vector<16xi32>
      %add3A_236 = arith.addi %add3A_235, %iota3A : vector<16xi32>
      %add3A_237 = vector.broadcast %mul3A_2 : i32 to vector<16xi32>
      %add3A_238 = arith.addi %add3A_236, %add3A_237 : vector<16xi32>
      tpu.vector_store_idx %arg8[%shift_right_arithmetic3A_229, %and3A_232], %add3A_238 masked %ge3A_215 : memref<25x128xi32, #tpu.memory_space<vmem>>[vector<16xi32>, vector<16xi32>], vector<16xi32>, vector<16xi1>
      tpu.vector_store_idx %arg9[%shift_right_arithmetic3A_229, %and3A_232], %get3A_212 masked %ge3A_215 : memref<25x128xi32, #tpu.memory_space<vmem>>[vector<16xi32>, vector<16xi32>], vector<16xi32>, vector<16xi1>
      %slice3A_239 = vector.extract_strided_slice %masked_cumsum3A_223 {offsets = [15], sizes = [1], strides = [1]} : vector<16xi32> to vector<1xi32>
      %squeeze3A_240 = vector.extract %slice3A_239[0] : i32 from vector<1xi32>
      %add3A_241 = arith.addi %add3A_206, %squeeze3A_240 : i32
      scf.yield %add3A_241 : i32
    }
    %scan3A_23 = arith.constant 200 : i32
    %get3A = arith.constant 0 : i32
    %get3A_24 = arith.index_cast %get3A : i32 to index
    %get3A_25 = arith.constant 0 : index
    %get3A_26 = tpu.vector_load %arg8[%get3A_24, %get3A_25] {strides = array<i32>} : memref<25x128xi32, #tpu.memory_space<vmem>>, vector<16xi32>,
    %get3A_27 = arith.constant 0 : i32
    %get3A_28 = arith.index_cast %get3A_27 : i32 to index
    %get3A_29 = arith.constant 0 : index
    %get3A_30 = tpu.vector_load %arg9[%get3A_28, %get3A_29] {strides = array<i32>} : memref<25x128xi32, #tpu.memory_space<vmem>>, vector<16xi32>,
    %broadcast_in_dim3A = arith.constant 0 : i32
    %broadcast_in_dim3A_31 = vector.broadcast %broadcast_in_dim3A : i32 to vector<16xi32>
    %slice3A = vector.extract_strided_slice %get3A_26 {offsets = [0], sizes = [1], strides = [1]} : vector<16xi32> to vector<1xi32>
    %squeeze3A = vector.extract %slice3A[0] : i32 from vector<1xi32>
    %add3A_32 = vector.broadcast %squeeze3A : i32 to vector<16xi32>
    %add3A_33 = arith.addi %broadcast_in_dim3A_31, %add3A_32 : vector<16xi32>
    %broadcast_in_dim3A_34 = arith.constant 0 : i32
    %broadcast_in_dim3A_35 = vector.broadcast %broadcast_in_dim3A_34 : i32 to vector<16xi32>
    %slice3A_36 = vector.extract_strided_slice %get3A_30 {offsets = [0], sizes = [1], strides = [1]} : vector<16xi32> to vector<1xi32>
    %squeeze3A_37 = vector.extract %slice3A_36[0] : i32 from vector<1xi32>
    %add3A_38 = vector.broadcast %squeeze3A_37 : i32 to vector<16xi32>
    %add3A_39 = arith.addi %broadcast_in_dim3A_35, %add3A_38 : vector<16xi32>
    %scan3A_40 = arith.constant 0 : i32
    %scan3A_41 = arith.constant 0 : i32
    %scan3A_42 = arith.constant 8 : i32
    %scan3A_43 = arith.addi %scan3A_41, %scan3A_42 : i32
    %scan3A_44 = arith.constant 1 : i32
    scf.for %scan3A_106 = %scan3A_41 to %scan3A_43 step %scan3A_44  : i32 {
      %mul3A_107 = arith.constant 16 : i32
      %mul3A_108 = arith.muli %scan3A_106, %mul3A_107 : i32
      %add3A_109 = arith.addi %scan3A_22, %mul3A_108 : i32
      %add3A_110 = vector.broadcast %add3A_109 : i32 to vector<16xi32>
      %add3A_111 = arith.addi %add3A_110, %iota3A : vector<16xi32>
      %shift_right_arithmetic3A_112 = arith.constant 7 : i32
      %shift_right_arithmetic3A_113 = vector.broadcast %shift_right_arithmetic3A_112 : i32 to vector<16xi32>
      %shift_right_arithmetic3A_114 = arith.shrsi %add3A_111, %shift_right_arithmetic3A_113 : vector<16xi32>
      %add3A_115 = vector.broadcast %add3A_109 : i32 to vector<16xi32>
      %add3A_116 = arith.addi %add3A_115, %iota3A : vector<16xi32>
      %and3A_117 = arith.constant 127 : i32
      %and3A_118 = vector.broadcast %and3A_117 : i32 to vector<16xi32>
      %and3A_119 = arith.andi %add3A_116, %and3A_118 : vector<16xi32>
      %add3A_120 = vector.broadcast %add3A_109 : i32 to vector<16xi32>
      %add3A_121 = arith.addi %add3A_120, %iota3A : vector<16xi32>
      %add3A_122 = arith.constant 128 : i32
      %add3A_123 = arith.addi %scan3A_22, %add3A_122 : i32
      %sub3A_124 = arith.constant 1 : i32
      %sub3A_125 = arith.subi %add3A_123, %sub3A_124 : i32
      %not3A = arith.constant 127 : i32
      %not3A_126 = arith.constant -1 : i32
      %not3A_127 = arith.xori %not3A, %not3A_126 : i32
      %and3A_128 = arith.andi %sub3A_125, %not3A_127 : i32
      %lt3A = vector.broadcast %and3A_128 : i32 to vector<16xi32>
      %lt3A_129 = arith.cmpi slt, %add3A_121, %lt3A : vector<16xi32>
      tpu.vector_store_idx %arg8[%shift_right_arithmetic3A_114, %and3A_119], %add3A_33 masked %lt3A_129 : memref<25x128xi32, #tpu.memory_space<vmem>>[vector<16xi32>, vector<16xi32>], vector<16xi32>, vector<16xi1>
      tpu.vector_store_idx %arg9[%shift_right_arithmetic3A_114, %and3A_119], %add3A_39 masked %lt3A_129 : memref<25x128xi32, #tpu.memory_space<vmem>>[vector<16xi32>, vector<16xi32>], vector<16xi32>, vector<16xi1>
    }
    %scan3A_45 = arith.constant 8 : i32
    %shift_right_arithmetic3A = arith.constant 7 : i32
    %shift_right_arithmetic3A_46 = arith.shrsi %min3A_4, %shift_right_arithmetic3A : i32
    %add3A_47 = arith.constant 0 : i32
    %add3A_48 = arith.addi %mul3A_2, %add3A_47 : i32
    %dma_start3A = arith.constant 0 : i32
    %dma_start3A_49 = tpu.memref_slice %arg2[%add3A_48, %dma_start3A] : memref<100000x128xf32, #tpu.memory_space<hbm>> -> memref<128x128xf32, #tpu.memory_space<hbm>>
    %dma_start3A_50 = arith.constant 0 : i32
    %dma_start3A_51 = tpu.memref_slice %arg2[%add3A_48, %dma_start3A_50] : memref<100000x128xf32, #tpu.memory_space<hbm>> -> memref<128x128xf32, #tpu.memory_space<hbm>>
    tpu.enqueue_dma source(%dma_start3A_51 : memref<128x128xf32, #tpu.memory_space<hbm>>) target(%arg10 : memref<128x128xf32, #tpu.memory_space<vmem>>) target_semaphore(%arg14 : memref<!tpu.dma_semaphore, #tpu.memory_space<semaphore_mem>>)
    %add3A_52 = arith.constant 1 : i32
    %add3A_53 = arith.addi %shift_right_arithmetic3A_46, %add3A_52 : i32
    %shift_right_arithmetic3A_54 = arith.constant 1 : i32
    %shift_right_arithmetic3A_55 = arith.shrsi %add3A_53, %shift_right_arithmetic3A_54 : i32
    %while3A = arith.constant 0 : i32
    %while3A_56 = arith.constant 0 : i32
    %while3A_57 = arith.subi %shift_right_arithmetic3A_55, %while3A_56 : i32
    %while3A_58 = arith.addi %while3A_56, %while3A_57 : i32
    %while3A_59 = arith.constant 1 : i32
    %while3A_60 = arith.divsi %while3A_57, %while3A_59 : i32
    %while3A_61 = arith.muli %while3A_60, %while3A_59 : i32
    %while3A_62 = arith.addi %while3A_56, %while3A_61 : i32
    %while3A_63 = arith.constant 1 : i32
    scf.for %while3A_106 = %while3A_56 to %while3A_62 step %while3A_63  : i32 {
      %mul3A_107 = arith.constant 2 : i32
      %mul3A_108 = arith.muli %while3A_106, %mul3A_107 : i32
      %lt3A = arith.cmpi slt, %mul3A_108, %shift_right_arithmetic3A_46 : i32
      %convert_element_type3A_109 = arith.extui %lt3A : i1 to i32
      %cond3A_110 = arith.constant 0 : i32
      %cond3A_111 = arith.cmpi ne, %convert_element_type3A_109, %cond3A_110 : i32
      scf.if %cond3A_111 {
        %mul3A_118 = arith.constant 128 : i32
        %mul3A_119 = arith.muli %mul3A_108, %mul3A_118 : i32
        %add3A_120 = arith.addi %mul3A_2, %mul3A_119 : i32
        %dma_wait3A = arith.constant 0 : i32
        %dma_wait3A_121 = tpu.memref_slice %arg2[%add3A_120, %dma_wait3A] : memref<100000x128xf32, #tpu.memory_space<hbm>> -> memref<128x128xf32, #tpu.memory_space<hbm>>
        %dma_wait3A_122 = arith.constant 0 : i32
        %dma_wait3A_123 = tpu.memref_slice %arg2[%add3A_120, %dma_wait3A_122] : memref<100000x128xf32, #tpu.memory_space<hbm>> -> memref<128x128xf32, #tpu.memory_space<hbm>>
        tpu.wait_dma2 semaphore(%arg14 : memref<!tpu.dma_semaphore, #tpu.memory_space<semaphore_mem>>) src(%dma_wait3A_123 : memref<128x128xf32, #tpu.memory_space<hbm>>) dst(%arg10 : memref<128x128xf32, #tpu.memory_space<vmem>>)
        %add3A_124 = arith.constant 1 : i32
        %add3A_125 = arith.addi %mul3A_108, %add3A_124 : i32
        %lt3A_126 = arith.cmpi slt, %add3A_125, %shift_right_arithmetic3A_46 : i32
        %convert_element_type3A_127 = arith.extui %lt3A_126 : i1 to i32
        %cond3A_128 = arith.constant 0 : i32
        %cond3A_129 = arith.cmpi ne, %convert_element_type3A_127, %cond3A_128 : i32
        scf.if %cond3A_129 {
          %add3A_133 = arith.constant 1 : i32
          %add3A_134 = arith.addi %mul3A_108, %add3A_133 : i32
          %mul3A_135 = arith.constant 128 : i32
          %mul3A_136 = arith.muli %add3A_134, %mul3A_135 : i32
          %add3A_137 = arith.addi %mul3A_2, %mul3A_136 : i32
          %dma_start3A_138 = arith.constant 0 : i32
          %dma_start3A_139 = tpu.memref_slice %arg2[%add3A_137, %dma_start3A_138] : memref<100000x128xf32, #tpu.memory_space<hbm>> -> memref<128x128xf32, #tpu.memory_space<hbm>>
          %dma_start3A_140 = arith.constant 0 : i32
          %dma_start3A_141 = tpu.memref_slice %arg2[%add3A_137, %dma_start3A_140] : memref<100000x128xf32, #tpu.memory_space<hbm>> -> memref<128x128xf32, #tpu.memory_space<hbm>>
          tpu.enqueue_dma source(%dma_start3A_141 : memref<128x128xf32, #tpu.memory_space<hbm>>) target(%arg11 : memref<128x128xf32, #tpu.memory_space<vmem>>) target_semaphore(%arg14 : memref<!tpu.dma_semaphore, #tpu.memory_space<semaphore_mem>>)
        } else {
        }
        %mul3A_130 = arith.constant 128 : i32
        %mul3A_131 = arith.muli %mul3A_108, %mul3A_130 : i32
        %add3A_132 = arith.addi %mul3A_2, %mul3A_131 : i32
        "tpu.region"() ({
          %run_scoped3A = tpu.sem_alloc : memref<!tpu.dma_semaphore, #tpu.memory_space<semaphore_mem>>
          %dma_start3A_133 = arith.constant 0 : i32
          %dma_start3A_134 = tpu.memref_slice %arg5[%add3A_132, %dma_start3A_133] : memref<100000x128xf32, #tpu.memory_space<hbm>> -> memref<128x128xf32, #tpu.memory_space<hbm>>
          %dma_start3A_135 = arith.constant 0 : i32
          %dma_start3A_136 = tpu.memref_slice %arg5[%add3A_132, %dma_start3A_135] : memref<100000x128xf32, #tpu.memory_space<hbm>> -> memref<128x128xf32, #tpu.memory_space<hbm>>
          tpu.enqueue_dma source(%arg10 : memref<128x128xf32, #tpu.memory_space<vmem>>) target(%dma_start3A_136 : memref<128x128xf32, #tpu.memory_space<hbm>>) target_semaphore(%run_scoped3A : memref<!tpu.dma_semaphore, #tpu.memory_space<semaphore_mem>>)
          %dma_wait3A_137 = arith.constant 0 : i32
          %dma_wait3A_138 = tpu.memref_slice %arg5[%add3A_132, %dma_wait3A_137] : memref<100000x128xf32, #tpu.memory_space<hbm>> -> memref<128x128xf32, #tpu.memory_space<hbm>>
          %dma_wait3A_139 = arith.constant 0 : i32
          %dma_wait3A_140 = tpu.memref_slice %arg5[%add3A_132, %dma_wait3A_139] : memref<100000x128xf32, #tpu.memory_space<hbm>> -> memref<128x128xf32, #tpu.memory_space<hbm>>
          tpu.wait_dma2 semaphore(%run_scoped3A : memref<!tpu.dma_semaphore, #tpu.memory_space<semaphore_mem>>) src(%arg10 : memref<128x128xf32, #tpu.memory_space<vmem>>) dst(%dma_wait3A_140 : memref<128x128xf32, #tpu.memory_space<hbm>>)
          tpu.yield
        }) : () -> ()
      } else {
      }
      %add3A_112 = arith.constant 1 : i32
      %add3A_113 = arith.addi %mul3A_108, %add3A_112 : i32
      %lt3A_114 = arith.cmpi slt, %add3A_113, %shift_right_arithmetic3A_46 : i32
      %convert_element_type3A_115 = arith.extui %lt3A_114 : i1 to i32
      %cond3A_116 = arith.constant 0 : i32
      %cond3A_117 = arith.cmpi ne, %convert_element_type3A_115, %cond3A_116 : i32
      scf.if %cond3A_117 {
        %add3A_118 = arith.constant 1 : i32
        %add3A_119 = arith.addi %mul3A_108, %add3A_118 : i32
        %mul3A_120 = arith.constant 128 : i32
        %mul3A_121 = arith.muli %add3A_119, %mul3A_120 : i32
        %add3A_122 = arith.addi %mul3A_2, %mul3A_121 : i32
        %dma_wait3A = arith.constant 0 : i32
        %dma_wait3A_123 = tpu.memref_slice %arg2[%add3A_122, %dma_wait3A] : memref<100000x128xf32, #tpu.memory_space<hbm>> -> memref<128x128xf32, #tpu.memory_space<hbm>>
        %dma_wait3A_124 = arith.constant 0 : i32
        %dma_wait3A_125 = tpu.memref_slice %arg2[%add3A_122, %dma_wait3A_124] : memref<100000x128xf32, #tpu.memory_space<hbm>> -> memref<128x128xf32, #tpu.memory_space<hbm>>
        tpu.wait_dma2 semaphore(%arg14 : memref<!tpu.dma_semaphore, #tpu.memory_space<semaphore_mem>>) src(%dma_wait3A_125 : memref<128x128xf32, #tpu.memory_space<hbm>>) dst(%arg11 : memref<128x128xf32, #tpu.memory_space<vmem>>)
        %add3A_126 = arith.constant 2 : i32
        %add3A_127 = arith.addi %mul3A_108, %add3A_126 : i32
        %lt3A_128 = arith.cmpi slt, %add3A_127, %shift_right_arithmetic3A_46 : i32
        %convert_element_type3A_129 = arith.extui %lt3A_128 : i1 to i32
        %cond3A_130 = arith.constant 0 : i32
        %cond3A_131 = arith.cmpi ne, %convert_element_type3A_129, %cond3A_130 : i32
        scf.if %cond3A_131 {
          %add3A_137 = arith.constant 2 : i32
          %add3A_138 = arith.addi %mul3A_108, %add3A_137 : i32
          %mul3A_139 = arith.constant 128 : i32
          %mul3A_140 = arith.muli %add3A_138, %mul3A_139 : i32
          %add3A_141 = arith.addi %mul3A_2, %mul3A_140 : i32
          %dma_start3A_142 = arith.constant 0 : i32
          %dma_start3A_143 = tpu.memref_slice %arg2[%add3A_141, %dma_start3A_142] : memref<100000x128xf32, #tpu.memory_space<hbm>> -> memref<128x128xf32, #tpu.memory_space<hbm>>
          %dma_start3A_144 = arith.constant 0 : i32
          %dma_start3A_145 = tpu.memref_slice %arg2[%add3A_141, %dma_start3A_144] : memref<100000x128xf32, #tpu.memory_space<hbm>> -> memref<128x128xf32, #tpu.memory_space<hbm>>
          tpu.enqueue_dma source(%dma_start3A_145 : memref<128x128xf32, #tpu.memory_space<hbm>>) target(%arg10 : memref<128x128xf32, #tpu.memory_space<vmem>>) target_semaphore(%arg14 : memref<!tpu.dma_semaphore, #tpu.memory_space<semaphore_mem>>)
        } else {
        }
        %add3A_132 = arith.constant 1 : i32
        %add3A_133 = arith.addi %mul3A_108, %add3A_132 : i32
        %mul3A_134 = arith.constant 128 : i32
        %mul3A_135 = arith.muli %add3A_133, %mul3A_134 : i32
        %add3A_136 = arith.addi %mul3A_2, %mul3A_135 : i32
        "tpu.region"() ({
          %run_scoped3A = tpu.sem_alloc : memref<!tpu.dma_semaphore, #tpu.memory_space<semaphore_mem>>
          %dma_start3A_137 = arith.constant 0 : i32
          %dma_start3A_138 = tpu.memref_slice %arg5[%add3A_136, %dma_start3A_137] : memref<100000x128xf32, #tpu.memory_space<hbm>> -> memref<128x128xf32, #tpu.memory_space<hbm>>
          %dma_start3A_139 = arith.constant 0 : i32
          %dma_start3A_140 = tpu.memref_slice %arg5[%add3A_136, %dma_start3A_139] : memref<100000x128xf32, #tpu.memory_space<hbm>> -> memref<128x128xf32, #tpu.memory_space<hbm>>
          tpu.enqueue_dma source(%arg11 : memref<128x128xf32, #tpu.memory_space<vmem>>) target(%dma_start3A_140 : memref<128x128xf32, #tpu.memory_space<hbm>>) target_semaphore(%run_scoped3A : memref<!tpu.dma_semaphore, #tpu.memory_space<semaphore_mem>>)
          %dma_wait3A_141 = arith.constant 0 : i32
          %dma_wait3A_142 = tpu.memref_slice %arg5[%add3A_136, %dma_wait3A_141] : memref<100000x128xf32, #tpu.memory_space<hbm>> -> memref<128x128xf32, #tpu.memory_space<hbm>>
          %dma_wait3A_143 = arith.constant 0 : i32
          %dma_wait3A_144 = tpu.memref_slice %arg5[%add3A_136, %dma_wait3A_143] : memref<100000x128xf32, #tpu.memory_space<hbm>> -> memref<128x128xf32, #tpu.memory_space<hbm>>
          tpu.wait_dma2 semaphore(%run_scoped3A : memref<!tpu.dma_semaphore, #tpu.memory_space<semaphore_mem>>) src(%arg11 : memref<128x128xf32, #tpu.memory_space<vmem>>) dst(%dma_wait3A_144 : memref<128x128xf32, #tpu.memory_space<hbm>>)
          tpu.yield
        }) : () -> ()
      } else {
      }
    }
    %while3A_64 = arith.constant 1 : i32
    scf.for %while3A_106 = %while3A_62 to %while3A_58 step %while3A_64  : i32 {
      %mul3A_107 = arith.constant 2 : i32
      %mul3A_108 = arith.muli %while3A_106, %mul3A_107 : i32
      %lt3A = arith.cmpi slt, %mul3A_108, %shift_right_arithmetic3A_46 : i32
      %convert_element_type3A_109 = arith.extui %lt3A : i1 to i32
      %cond3A_110 = arith.constant 0 : i32
      %cond3A_111 = arith.cmpi ne, %convert_element_type3A_109, %cond3A_110 : i32
      scf.if %cond3A_111 {
        %mul3A_118 = arith.constant 128 : i32
        %mul3A_119 = arith.muli %mul3A_108, %mul3A_118 : i32
        %add3A_120 = arith.addi %mul3A_2, %mul3A_119 : i32
        %dma_wait3A = arith.constant 0 : i32
        %dma_wait3A_121 = tpu.memref_slice %arg2[%add3A_120, %dma_wait3A] : memref<100000x128xf32, #tpu.memory_space<hbm>> -> memref<128x128xf32, #tpu.memory_space<hbm>>
        %dma_wait3A_122 = arith.constant 0 : i32
        %dma_wait3A_123 = tpu.memref_slice %arg2[%add3A_120, %dma_wait3A_122] : memref<100000x128xf32, #tpu.memory_space<hbm>> -> memref<128x128xf32, #tpu.memory_space<hbm>>
        tpu.wait_dma2 semaphore(%arg14 : memref<!tpu.dma_semaphore, #tpu.memory_space<semaphore_mem>>) src(%dma_wait3A_123 : memref<128x128xf32, #tpu.memory_space<hbm>>) dst(%arg10 : memref<128x128xf32, #tpu.memory_space<vmem>>)
        %add3A_124 = arith.constant 1 : i32
        %add3A_125 = arith.addi %mul3A_108, %add3A_124 : i32
        %lt3A_126 = arith.cmpi slt, %add3A_125, %shift_right_arithmetic3A_46 : i32
        %convert_element_type3A_127 = arith.extui %lt3A_126 : i1 to i32
        %cond3A_128 = arith.constant 0 : i32
        %cond3A_129 = arith.cmpi ne, %convert_element_type3A_127, %cond3A_128 : i32
        scf.if %cond3A_129 {
          %add3A_133 = arith.constant 1 : i32
          %add3A_134 = arith.addi %mul3A_108, %add3A_133 : i32
          %mul3A_135 = arith.constant 128 : i32
          %mul3A_136 = arith.muli %add3A_134, %mul3A_135 : i32
          %add3A_137 = arith.addi %mul3A_2, %mul3A_136 : i32
          %dma_start3A_138 = arith.constant 0 : i32
          %dma_start3A_139 = tpu.memref_slice %arg2[%add3A_137, %dma_start3A_138] : memref<100000x128xf32, #tpu.memory_space<hbm>> -> memref<128x128xf32, #tpu.memory_space<hbm>>
          %dma_start3A_140 = arith.constant 0 : i32
          %dma_start3A_141 = tpu.memref_slice %arg2[%add3A_137, %dma_start3A_140] : memref<100000x128xf32, #tpu.memory_space<hbm>> -> memref<128x128xf32, #tpu.memory_space<hbm>>
          tpu.enqueue_dma source(%dma_start3A_141 : memref<128x128xf32, #tpu.memory_space<hbm>>) target(%arg11 : memref<128x128xf32, #tpu.memory_space<vmem>>) target_semaphore(%arg14 : memref<!tpu.dma_semaphore, #tpu.memory_space<semaphore_mem>>)
        } else {
        }
        %mul3A_130 = arith.constant 128 : i32
        %mul3A_131 = arith.muli %mul3A_108, %mul3A_130 : i32
        %add3A_132 = arith.addi %mul3A_2, %mul3A_131 : i32
        "tpu.region"() ({
          %run_scoped3A = tpu.sem_alloc : memref<!tpu.dma_semaphore, #tpu.memory_space<semaphore_mem>>
          %dma_start3A_133 = arith.constant 0 : i32
          %dma_start3A_134 = tpu.memref_slice %arg5[%add3A_132, %dma_start3A_133] : memref<100000x128xf32, #tpu.memory_space<hbm>> -> memref<128x128xf32, #tpu.memory_space<hbm>>
          %dma_start3A_135 = arith.constant 0 : i32
          %dma_start3A_136 = tpu.memref_slice %arg5[%add3A_132, %dma_start3A_135] : memref<100000x128xf32, #tpu.memory_space<hbm>> -> memref<128x128xf32, #tpu.memory_space<hbm>>
          tpu.enqueue_dma source(%arg10 : memref<128x128xf32, #tpu.memory_space<vmem>>) target(%dma_start3A_136 : memref<128x128xf32, #tpu.memory_space<hbm>>) target_semaphore(%run_scoped3A : memref<!tpu.dma_semaphore, #tpu.memory_space<semaphore_mem>>)
          %dma_wait3A_137 = arith.constant 0 : i32
          %dma_wait3A_138 = tpu.memref_slice %arg5[%add3A_132, %dma_wait3A_137] : memref<100000x128xf32, #tpu.memory_space<hbm>> -> memref<128x128xf32, #tpu.memory_space<hbm>>
          %dma_wait3A_139 = arith.constant 0 : i32
          %dma_wait3A_140 = tpu.memref_slice %arg5[%add3A_132, %dma_wait3A_139] : memref<100000x128xf32, #tpu.memory_space<hbm>> -> memref<128x128xf32, #tpu.memory_space<hbm>>
          tpu.wait_dma2 semaphore(%run_scoped3A : memref<!tpu.dma_semaphore, #tpu.memory_space<semaphore_mem>>) src(%arg10 : memref<128x128xf32, #tpu.memory_space<vmem>>) dst(%dma_wait3A_140 : memref<128x128xf32, #tpu.memory_space<hbm>>)
          tpu.yield
        }) : () -> ()
      } else {
      }
      %add3A_112 = arith.constant 1 : i32
      %add3A_113 = arith.addi %mul3A_108, %add3A_112 : i32
      %lt3A_114 = arith.cmpi slt, %add3A_113, %shift_right_arithmetic3A_46 : i32
      %convert_element_type3A_115 = arith.extui %lt3A_114 : i1 to i32
      %cond3A_116 = arith.constant 0 : i32
      %cond3A_117 = arith.cmpi ne, %convert_element_type3A_115, %cond3A_116 : i32
      scf.if %cond3A_117 {
        %add3A_118 = arith.constant 1 : i32
        %add3A_119 = arith.addi %mul3A_108, %add3A_118 : i32
        %mul3A_120 = arith.constant 128 : i32
        %mul3A_121 = arith.muli %add3A_119, %mul3A_120 : i32
        %add3A_122 = arith.addi %mul3A_2, %mul3A_121 : i32
        %dma_wait3A = arith.constant 0 : i32
        %dma_wait3A_123 = tpu.memref_slice %arg2[%add3A_122, %dma_wait3A] : memref<100000x128xf32, #tpu.memory_space<hbm>> -> memref<128x128xf32, #tpu.memory_space<hbm>>
        %dma_wait3A_124 = arith.constant 0 : i32
        %dma_wait3A_125 = tpu.memref_slice %arg2[%add3A_122, %dma_wait3A_124] : memref<100000x128xf32, #tpu.memory_space<hbm>> -> memref<128x128xf32, #tpu.memory_space<hbm>>
        tpu.wait_dma2 semaphore(%arg14 : memref<!tpu.dma_semaphore, #tpu.memory_space<semaphore_mem>>) src(%dma_wait3A_125 : memref<128x128xf32, #tpu.memory_space<hbm>>) dst(%arg11 : memref<128x128xf32, #tpu.memory_space<vmem>>)
        %add3A_126 = arith.constant 2 : i32
        %add3A_127 = arith.addi %mul3A_108, %add3A_126 : i32
        %lt3A_128 = arith.cmpi slt, %add3A_127, %shift_right_arithmetic3A_46 : i32
        %convert_element_type3A_129 = arith.extui %lt3A_128 : i1 to i32
        %cond3A_130 = arith.constant 0 : i32
        %cond3A_131 = arith.cmpi ne, %convert_element_type3A_129, %cond3A_130 : i32
        scf.if %cond3A_131 {
          %add3A_137 = arith.constant 2 : i32
          %add3A_138 = arith.addi %mul3A_108, %add3A_137 : i32
          %mul3A_139 = arith.constant 128 : i32
          %mul3A_140 = arith.muli %add3A_138, %mul3A_139 : i32
          %add3A_141 = arith.addi %mul3A_2, %mul3A_140 : i32
          %dma_start3A_142 = arith.constant 0 : i32
          %dma_start3A_143 = tpu.memref_slice %arg2[%add3A_141, %dma_start3A_142] : memref<100000x128xf32, #tpu.memory_space<hbm>> -> memref<128x128xf32, #tpu.memory_space<hbm>>
          %dma_start3A_144 = arith.constant 0 : i32
          %dma_start3A_145 = tpu.memref_slice %arg2[%add3A_141, %dma_start3A_144] : memref<100000x128xf32, #tpu.memory_space<hbm>> -> memref<128x128xf32, #tpu.memory_space<hbm>>
          tpu.enqueue_dma source(%dma_start3A_145 : memref<128x128xf32, #tpu.memory_space<hbm>>) target(%arg10 : memref<128x128xf32, #tpu.memory_space<vmem>>) target_semaphore(%arg14 : memref<!tpu.dma_semaphore, #tpu.memory_space<semaphore_mem>>)
        } else {
        }
        %add3A_132 = arith.constant 1 : i32
        %add3A_133 = arith.addi %mul3A_108, %add3A_132 : i32
        %mul3A_134 = arith.constant 128 : i32
        %mul3A_135 = arith.muli %add3A_133, %mul3A_134 : i32
        %add3A_136 = arith.addi %mul3A_2, %mul3A_135 : i32
        "tpu.region"() ({
          %run_scoped3A = tpu.sem_alloc : memref<!tpu.dma_semaphore, #tpu.memory_space<semaphore_mem>>
          %dma_start3A_137 = arith.constant 0 : i32
          %dma_start3A_138 = tpu.memref_slice %arg5[%add3A_136, %dma_start3A_137] : memref<100000x128xf32, #tpu.memory_space<hbm>> -> memref<128x128xf32, #tpu.memory_space<hbm>>
          %dma_start3A_139 = arith.constant 0 : i32
          %dma_start3A_140 = tpu.memref_slice %arg5[%add3A_136, %dma_start3A_139] : memref<100000x128xf32, #tpu.memory_space<hbm>> -> memref<128x128xf32, #tpu.memory_space<hbm>>
          tpu.enqueue_dma source(%arg11 : memref<128x128xf32, #tpu.memory_space<vmem>>) target(%dma_start3A_140 : memref<128x128xf32, #tpu.memory_space<hbm>>) target_semaphore(%run_scoped3A : memref<!tpu.dma_semaphore, #tpu.memory_space<semaphore_mem>>)
          %dma_wait3A_141 = arith.constant 0 : i32
          %dma_wait3A_142 = tpu.memref_slice %arg5[%add3A_136, %dma_wait3A_141] : memref<100000x128xf32, #tpu.memory_space<hbm>> -> memref<128x128xf32, #tpu.memory_space<hbm>>
          %dma_wait3A_143 = arith.constant 0 : i32
          %dma_wait3A_144 = tpu.memref_slice %arg5[%add3A_136, %dma_wait3A_143] : memref<100000x128xf32, #tpu.memory_space<hbm>> -> memref<128x128xf32, #tpu.memory_space<hbm>>
          tpu.wait_dma2 semaphore(%run_scoped3A : memref<!tpu.dma_semaphore, #tpu.memory_space<semaphore_mem>>) src(%arg11 : memref<128x128xf32, #tpu.memory_space<vmem>>) dst(%dma_wait3A_144 : memref<128x128xf32, #tpu.memory_space<hbm>>)
          tpu.yield
        }) : () -> ()
      } else {
      }
    }
    %convert_element_type3A = arith.extui %eq3A_5 : i1 to i32
    %cond3A = arith.constant 0 : i32
    %cond3A_65 = arith.cmpi ne, %convert_element_type3A, %cond3A : i32
    scf.if %cond3A_65 {
      %add3A_106 = arith.constant 768 : i32
      %add3A_107 = arith.addi %mul3A_2, %add3A_106 : i32
      "tpu.region"() ({
        %run_scoped3A = tpu.sem_alloc : memref<!tpu.dma_semaphore, #tpu.memory_space<semaphore_mem>>
        %dma_start3A_110 = arith.constant 0 : i32
        %dma_start3A_111 = arith.constant 0 : i32
        %dma_start3A_112 = tpu.memref_slice %arg10[%dma_start3A_110, %dma_start3A_111] : memref<128x128xf32, #tpu.memory_space<vmem>> -> memref<32x128xf32, #tpu.memory_space<vmem>>
        %dma_start3A_113 = arith.constant 0 : i32
        %dma_start3A_114 = tpu.memref_slice %arg2[%add3A_107, %dma_start3A_113] : memref<100000x128xf32, #tpu.memory_space<hbm>> -> memref<32x128xf32, #tpu.memory_space<hbm>>
        %dma_start3A_115 = arith.constant 0 : i32
        %dma_start3A_116 = arith.constant 0 : i32
        %dma_start3A_117 = tpu.memref_slice %arg10[%dma_start3A_115, %dma_start3A_116] : memref<128x128xf32, #tpu.memory_space<vmem>> -> memref<32x128xf32, #tpu.memory_space<vmem>>
        %dma_start3A_118 = arith.constant 0 : i32
        %dma_start3A_119 = tpu.memref_slice %arg2[%add3A_107, %dma_start3A_118] : memref<100000x128xf32, #tpu.memory_space<hbm>> -> memref<32x128xf32, #tpu.memory_space<hbm>>
        tpu.enqueue_dma source(%dma_start3A_119 : memref<32x128xf32, #tpu.memory_space<hbm>>) target(%dma_start3A_117 : memref<32x128xf32, #tpu.memory_space<vmem>>) target_semaphore(%run_scoped3A : memref<!tpu.dma_semaphore, #tpu.memory_space<semaphore_mem>>)
        %dma_wait3A = arith.constant 0 : i32
        %dma_wait3A_120 = arith.constant 0 : i32
        %dma_wait3A_121 = tpu.memref_slice %arg10[%dma_wait3A, %dma_wait3A_120] : memref<128x128xf32, #tpu.memory_space<vmem>> -> memref<32x128xf32, #tpu.memory_space<vmem>>
        %dma_wait3A_122 = arith.constant 0 : i32
        %dma_wait3A_123 = tpu.memref_slice %arg2[%add3A_107, %dma_wait3A_122] : memref<100000x128xf32, #tpu.memory_space<hbm>> -> memref<32x128xf32, #tpu.memory_space<hbm>>
        %dma_wait3A_124 = arith.constant 0 : i32
        %dma_wait3A_125 = arith.constant 0 : i32
        %dma_wait3A_126 = tpu.memref_slice %arg10[%dma_wait3A_124, %dma_wait3A_125] : memref<128x128xf32, #tpu.memory_space<vmem>> -> memref<32x128xf32, #tpu.memory_space<vmem>>
        %dma_wait3A_127 = arith.constant 0 : i32
        %dma_wait3A_128 = tpu.memref_slice %arg2[%add3A_107, %dma_wait3A_127] : memref<100000x128xf32, #tpu.memory_space<hbm>> -> memref<32x128xf32, #tpu.memory_space<hbm>>
        tpu.wait_dma2 semaphore(%run_scoped3A : memref<!tpu.dma_semaphore, #tpu.memory_space<semaphore_mem>>) src(%dma_wait3A_128 : memref<32x128xf32, #tpu.memory_space<hbm>>) dst(%dma_wait3A_126 : memref<32x128xf32, #tpu.memory_space<vmem>>)
        tpu.yield
      }) : () -> ()
      %add3A_108 = arith.constant 768 : i32
      %add3A_109 = arith.addi %mul3A_2, %add3A_108 : i32
      "tpu.region"() ({
        %run_scoped3A = tpu.sem_alloc : memref<!tpu.dma_semaphore, #tpu.memory_space<semaphore_mem>>
        %dma_start3A_110 = arith.constant 0 : i32
        %dma_start3A_111 = arith.constant 0 : i32
        %dma_start3A_112 = tpu.memref_slice %arg10[%dma_start3A_110, %dma_start3A_111] : memref<128x128xf32, #tpu.memory_space<vmem>> -> memref<32x128xf32, #tpu.memory_space<vmem>>
        %dma_start3A_113 = arith.constant 0 : i32
        %dma_start3A_114 = tpu.memref_slice %arg5[%add3A_109, %dma_start3A_113] : memref<100000x128xf32, #tpu.memory_space<hbm>> -> memref<32x128xf32, #tpu.memory_space<hbm>>
        %dma_start3A_115 = arith.constant 0 : i32
        %dma_start3A_116 = tpu.memref_slice %arg5[%add3A_109, %dma_start3A_115] : memref<100000x128xf32, #tpu.memory_space<hbm>> -> memref<32x128xf32, #tpu.memory_space<hbm>>
        %dma_start3A_117 = arith.constant 0 : i32
        %dma_start3A_118 = arith.constant 0 : i32
        %dma_start3A_119 = tpu.memref_slice %arg10[%dma_start3A_117, %dma_start3A_118] : memref<128x128xf32, #tpu.memory_space<vmem>> -> memref<32x128xf32, #tpu.memory_space<vmem>>
        tpu.enqueue_dma source(%dma_start3A_119 : memref<32x128xf32, #tpu.memory_space<vmem>>) target(%dma_start3A_116 : memref<32x128xf32, #tpu.memory_space<hbm>>) target_semaphore(%run_scoped3A : memref<!tpu.dma_semaphore, #tpu.memory_space<semaphore_mem>>)
        %dma_wait3A = arith.constant 0 : i32
        %dma_wait3A_120 = arith.constant 0 : i32
        %dma_wait3A_121 = tpu.memref_slice %arg10[%dma_wait3A, %dma_wait3A_120] : memref<128x128xf32, #tpu.memory_space<vmem>> -> memref<32x128xf32, #tpu.memory_space<vmem>>
        %dma_wait3A_122 = arith.constant 0 : i32
        %dma_wait3A_123 = tpu.memref_slice %arg5[%add3A_109, %dma_wait3A_122] : memref<100000x128xf32, #tpu.memory_space<hbm>> -> memref<32x128xf32, #tpu.memory_space<hbm>>
        %dma_wait3A_124 = arith.constant 0 : i32
        %dma_wait3A_125 = tpu.memref_slice %arg5[%add3A_109, %dma_wait3A_124] : memref<100000x128xf32, #tpu.memory_space<hbm>> -> memref<32x128xf32, #tpu.memory_space<hbm>>
        %dma_wait3A_126 = arith.constant 0 : i32
        %dma_wait3A_127 = arith.constant 0 : i32
        %dma_wait3A_128 = tpu.memref_slice %arg10[%dma_wait3A_126, %dma_wait3A_127] : memref<128x128xf32, #tpu.memory_space<vmem>> -> memref<32x128xf32, #tpu.memory_space<vmem>>
        tpu.wait_dma2 semaphore(%run_scoped3A : memref<!tpu.dma_semaphore, #tpu.memory_space<semaphore_mem>>) src(%dma_wait3A_128 : memref<32x128xf32, #tpu.memory_space<vmem>>) dst(%dma_wait3A_125 : memref<32x128xf32, #tpu.memory_space<hbm>>)
        tpu.yield
      }) : () -> ()
    } else {
    }
    %add3A_66 = arith.constant 128 : i32
    %add3A_67 = arith.addi %scan3A_22, %add3A_66 : i32
    %sub3A_68 = arith.constant 1 : i32
    %sub3A_69 = arith.subi %add3A_67, %sub3A_68 : i32
    %shift_right_arithmetic3A_70 = arith.constant 7 : i32
    %shift_right_arithmetic3A_71 = arith.shrsi %sub3A_69, %shift_right_arithmetic3A_70 : i32
    %gt3A = arith.constant 0 : i32
    %gt3A_72 = arith.cmpi sgt, %shift_right_arithmetic3A_71, %gt3A : i32
    %convert_element_type3A_73 = arith.extui %gt3A_72 : i1 to i32
    %cond3A_74 = arith.constant 0 : i32
    %cond3A_75 = arith.cmpi ne, %convert_element_type3A_73, %cond3A_74 : i32
    scf.if %cond3A_75 {
      %dma_start3A_106 = arith.constant 0 : i32
      %dma_start3A_107 = arith.constant 0 : i32
      %dma_start3A_108 = tpu.memref_slice %arg8[%dma_start3A_106, %dma_start3A_107] : memref<25x128xi32, #tpu.memory_space<vmem>> -> memref<1x128xi32, #tpu.memory_space<vmem>>
      %dma_start3A_109 = tpu.memref_squeeze %dma_start3A_108 : memref<1x128xi32, #tpu.memory_space<vmem>> -> memref<128xi32, #tpu.memory_space<vmem>>
      %dma_start3A_110 = arith.constant 0 : i32
      %dma_start3A_111 = arith.constant 0 : i32
      %dma_start3A_112 = tpu.memref_slice %arg2[%dma_start3A_110, %dma_start3A_111] : memref<100000x128xf32, #tpu.memory_space<hbm>> -> memref<100000x128xf32, #tpu.memory_space<hbm>>
      tpu.enqueue_indirect_dma source(%dma_start3A_112 : memref<100000x128xf32, #tpu.memory_space<hbm>>) target(%arg10 : memref<128x128xf32, #tpu.memory_space<vmem>>) offsets(%dma_start3A_109 : memref<128xi32, #tpu.memory_space<vmem>>) semaphore(%arg15 : memref<!tpu.dma_semaphore, #tpu.memory_space<semaphore_mem>>)
      %dma_start3A_113 = arith.constant 0 : i32
      %dma_start3A_114 = arith.constant 0 : i32
      %dma_start3A_115 = tpu.memref_slice %arg9[%dma_start3A_113, %dma_start3A_114] : memref<25x128xi32, #tpu.memory_space<vmem>> -> memref<1x128xi32, #tpu.memory_space<vmem>>
      %dma_start3A_116 = tpu.memref_squeeze %dma_start3A_115 : memref<1x128xi32, #tpu.memory_space<vmem>> -> memref<128xi32, #tpu.memory_space<vmem>>
      %dma_start3A_117 = arith.constant 0 : i32
      %dma_start3A_118 = arith.constant 0 : i32
      %dma_start3A_119 = tpu.memref_slice %arg4[%dma_start3A_117, %dma_start3A_118] : memref<50000x128xf32, #tpu.memory_space<hbm>> -> memref<50000x128xf32, #tpu.memory_space<hbm>>
      tpu.enqueue_indirect_dma source(%dma_start3A_119 : memref<50000x128xf32, #tpu.memory_space<hbm>>) target(%arg11 : memref<128x128xf32, #tpu.memory_space<vmem>>) offsets(%dma_start3A_116 : memref<128xi32, #tpu.memory_space<vmem>>) semaphore(%arg15 : memref<!tpu.dma_semaphore, #tpu.memory_space<semaphore_mem>>)
    } else {
    }
    %add3A_76 = arith.constant 1 : i32
    %add3A_77 = arith.addi %shift_right_arithmetic3A_71, %add3A_76 : i32
    %shift_right_arithmetic3A_78 = arith.constant 1 : i32
    %shift_right_arithmetic3A_79 = arith.shrsi %add3A_77, %shift_right_arithmetic3A_78 : i32
    %while3A_80 = arith.constant 0 : i32
    %while3A_81 = arith.constant 0 : i32
    %while3A_82 = arith.subi %shift_right_arithmetic3A_79, %while3A_81 : i32
    %while3A_83 = arith.addi %while3A_81, %while3A_82 : i32
    %while3A_84 = arith.constant 1 : i32
    %while3A_85 = arith.divsi %while3A_82, %while3A_84 : i32
    %while3A_86 = arith.muli %while3A_85, %while3A_84 : i32
    %while3A_87 = arith.addi %while3A_81, %while3A_86 : i32
    %while3A_88 = arith.constant 1 : i32
    scf.for %while3A_106 = %while3A_81 to %while3A_87 step %while3A_88  : i32 {
      %mul3A_107 = arith.constant 2 : i32
      %mul3A_108 = arith.muli %while3A_106, %mul3A_107 : i32
      %lt3A = arith.cmpi slt, %mul3A_108, %shift_right_arithmetic3A_71 : i32
      %convert_element_type3A_109 = arith.extui %lt3A : i1 to i32
      %cond3A_110 = arith.constant 0 : i32
      %cond3A_111 = arith.cmpi ne, %convert_element_type3A_109, %cond3A_110 : i32
      scf.if %cond3A_111 {
        %dma_wait3A = arith.constant 0 : i32
        %dma_wait3A_118 = tpu.memref_slice %arg8[%mul3A_108, %dma_wait3A] : memref<25x128xi32, #tpu.memory_space<vmem>> -> memref<1x128xi32, #tpu.memory_space<vmem>>
        %dma_wait3A_119 = tpu.memref_squeeze %dma_wait3A_118 : memref<1x128xi32, #tpu.memory_space<vmem>> -> memref<128xi32, #tpu.memory_space<vmem>>
        %dma_wait3A_120 = arith.constant 0 : i32
        %dma_wait3A_121 = arith.constant 0 : i32
        %dma_wait3A_122 = tpu.memref_slice %arg2[%dma_wait3A_120, %dma_wait3A_121] : memref<100000x128xf32, #tpu.memory_space<hbm>> -> memref<100000x128xf32, #tpu.memory_space<hbm>>
        tpu.wait_indirect_dma semaphore(%arg15 : memref<!tpu.dma_semaphore, #tpu.memory_space<semaphore_mem>>) src(%dma_wait3A_122 : memref<100000x128xf32, #tpu.memory_space<hbm>>) dst(%arg10 : memref<128x128xf32, #tpu.memory_space<vmem>>)
        %dma_wait3A_123 = arith.constant 0 : i32
        %dma_wait3A_124 = tpu.memref_slice %arg9[%mul3A_108, %dma_wait3A_123] : memref<25x128xi32, #tpu.memory_space<vmem>> -> memref<1x128xi32, #tpu.memory_space<vmem>>
        %dma_wait3A_125 = tpu.memref_squeeze %dma_wait3A_124 : memref<1x128xi32, #tpu.memory_space<vmem>> -> memref<128xi32, #tpu.memory_space<vmem>>
        %dma_wait3A_126 = arith.constant 0 : i32
        %dma_wait3A_127 = arith.constant 0 : i32
        %dma_wait3A_128 = tpu.memref_slice %arg4[%dma_wait3A_126, %dma_wait3A_127] : memref<50000x128xf32, #tpu.memory_space<hbm>> -> memref<50000x128xf32, #tpu.memory_space<hbm>>
        tpu.wait_indirect_dma semaphore(%arg15 : memref<!tpu.dma_semaphore, #tpu.memory_space<semaphore_mem>>) src(%dma_wait3A_128 : memref<50000x128xf32, #tpu.memory_space<hbm>>) dst(%arg11 : memref<128x128xf32, #tpu.memory_space<vmem>>)
        %ge3A = arith.constant 1 : i32
        %ge3A_129 = arith.cmpi sge, %mul3A_108, %ge3A : i32
        %convert_element_type3A_130 = arith.extui %ge3A_129 : i1 to i32
        %cond3A_131 = arith.constant 0 : i32
        %cond3A_132 = arith.cmpi ne, %convert_element_type3A_130, %cond3A_131 : i32
        scf.if %cond3A_132 {
          %sub3A_151 = arith.constant 1 : i32
          %sub3A_152 = arith.subi %mul3A_108, %sub3A_151 : i32
          %dma_wait3A_153 = arith.constant 0 : i32
          %dma_wait3A_154 = tpu.memref_slice %arg8[%sub3A_152, %dma_wait3A_153] : memref<25x128xi32, #tpu.memory_space<vmem>> -> memref<1x128xi32, #tpu.memory_space<vmem>>
          %dma_wait3A_155 = tpu.memref_squeeze %dma_wait3A_154 : memref<1x128xi32, #tpu.memory_space<vmem>> -> memref<128xi32, #tpu.memory_space<vmem>>
          %dma_wait3A_156 = arith.constant 0 : i32
          %dma_wait3A_157 = arith.constant 0 : i32
          %dma_wait3A_158 = tpu.memref_slice %arg5[%dma_wait3A_156, %dma_wait3A_157] : memref<100000x128xf32, #tpu.memory_space<hbm>> -> memref<100000x128xf32, #tpu.memory_space<hbm>>
          tpu.wait_indirect_dma semaphore(%arg16 : memref<!tpu.dma_semaphore, #tpu.memory_space<semaphore_mem>>) src(%arg12 : memref<128x128xf32, #tpu.memory_space<vmem>>) dst(%dma_wait3A_158 : memref<100000x128xf32, #tpu.memory_space<hbm>>)
        } else {
        }
        %add3A_133 = arith.constant 1 : i32
        %add3A_134 = arith.addi %mul3A_108, %add3A_133 : i32
        %lt3A_135 = arith.cmpi slt, %add3A_134, %shift_right_arithmetic3A_71 : i32
        %convert_element_type3A_136 = arith.extui %lt3A_135 : i1 to i32
        %cond3A_137 = arith.constant 0 : i32
        %cond3A_138 = arith.cmpi ne, %convert_element_type3A_136, %cond3A_137 : i32
        scf.if %cond3A_138 {
          %add3A_151 = arith.constant 1 : i32
          %add3A_152 = arith.addi %mul3A_108, %add3A_151 : i32
          %dma_start3A_153 = arith.constant 0 : i32
          %dma_start3A_154 = tpu.memref_slice %arg8[%add3A_152, %dma_start3A_153] : memref<25x128xi32, #tpu.memory_space<vmem>> -> memref<1x128xi32, #tpu.memory_space<vmem>>
          %dma_start3A_155 = tpu.memref_squeeze %dma_start3A_154 : memref<1x128xi32, #tpu.memory_space<vmem>> -> memref<128xi32, #tpu.memory_space<vmem>>
          %dma_start3A_156 = arith.constant 0 : i32
          %dma_start3A_157 = arith.constant 0 : i32
          %dma_start3A_158 = tpu.memref_slice %arg2[%dma_start3A_156, %dma_start3A_157] : memref<100000x128xf32, #tpu.memory_space<hbm>> -> memref<100000x128xf32, #tpu.memory_space<hbm>>
          tpu.enqueue_indirect_dma source(%dma_start3A_158 : memref<100000x128xf32, #tpu.memory_space<hbm>>) target(%arg12 : memref<128x128xf32, #tpu.memory_space<vmem>>) offsets(%dma_start3A_155 : memref<128xi32, #tpu.memory_space<vmem>>) semaphore(%arg15 : memref<!tpu.dma_semaphore, #tpu.memory_space<semaphore_mem>>)
          %dma_start3A_159 = arith.constant 0 : i32
          %dma_start3A_160 = tpu.memref_slice %arg9[%add3A_152, %dma_start3A_159] : memref<25x128xi32, #tpu.memory_space<vmem>> -> memref<1x128xi32, #tpu.memory_space<vmem>>
          %dma_start3A_161 = tpu.memref_squeeze %dma_start3A_160 : memref<1x128xi32, #tpu.memory_space<vmem>> -> memref<128xi32, #tpu.memory_space<vmem>>
          %dma_start3A_162 = arith.constant 0 : i32
          %dma_start3A_163 = arith.constant 0 : i32
          %dma_start3A_164 = tpu.memref_slice %arg4[%dma_start3A_162, %dma_start3A_163] : memref<50000x128xf32, #tpu.memory_space<hbm>> -> memref<50000x128xf32, #tpu.memory_space<hbm>>
          tpu.enqueue_indirect_dma source(%dma_start3A_164 : memref<50000x128xf32, #tpu.memory_space<hbm>>) target(%arg13 : memref<128x128xf32, #tpu.memory_space<vmem>>) offsets(%dma_start3A_161 : memref<128xi32, #tpu.memory_space<vmem>>) semaphore(%arg15 : memref<!tpu.dma_semaphore, #tpu.memory_space<semaphore_mem>>)
        } else {
        }
        %scan3A_139 = arith.constant 0 : i32
        %scan3A_140 = arith.constant 0 : i32
        %scan3A_141 = arith.constant 128 : i32
        %scan3A_142 = arith.addi %scan3A_140, %scan3A_141 : i32
        %scan3A_143 = arith.constant 1 : i32
        scf.for %scan3A_151 = %scan3A_140 to %scan3A_142 step %scan3A_143  : i32 {
          %get3A_152 = arith.index_cast %scan3A_151 : i32 to index
          %get3A_153 = arith.constant 0 : index
          %get3A_154 = tpu.vector_load %arg10[%get3A_152, %get3A_153] {strides = array<i32>} : memref<128x128xf32, #tpu.memory_space<vmem>>, vector<16xf32>,
          %get3A_155 = arith.index_cast %scan3A_151 : i32 to index
          %get3A_156 = arith.constant 0 : index
          %get3A_157 = tpu.vector_load %arg11[%get3A_155, %get3A_156] {strides = array<i32>} : memref<128x128xf32, #tpu.memory_space<vmem>>, vector<16xf32>,
          %sub3A_158 = arith.subf %get3A_157, %get3A_154 : vector<16xf32>
          %mul3A_159 = arith.constant 8.000000e-01 : f32
          %mul3A_160 = vector.broadcast %mul3A_159 : f32 to vector<16xf32>
          %mul3A_161 = arith.mulf %mul3A_160, %sub3A_158 : vector<16xf32>
          %add3A_162 = arith.addf %get3A_154, %mul3A_161 : vector<16xf32>
          %swap3A = arith.index_cast %scan3A_151 : i32 to index
          %swap3A_163 = arith.constant 0 : index
          %swap3A_164 = tpu.vector_load %arg10[%swap3A, %swap3A_163] {strides = array<i32>} : memref<128x128xf32, #tpu.memory_space<vmem>>, vector<16xf32>,
          tpu.vector_store %arg10[%swap3A, %swap3A_163], %add3A_162 {strides = array<i32>} : memref<128x128xf32, #tpu.memory_space<vmem>>, vector<16xf32>,
          %get3A_165 = arith.index_cast %scan3A_151 : i32 to index
          %get3A_166 = arith.constant 16 : index
          %get3A_167 = tpu.vector_load %arg10[%get3A_165, %get3A_166] {strides = array<i32>} : memref<128x128xf32, #tpu.memory_space<vmem>>, vector<16xf32>,
          %get3A_168 = arith.index_cast %scan3A_151 : i32 to index
          %get3A_169 = arith.constant 16 : index
          %get3A_170 = tpu.vector_load %arg11[%get3A_168, %get3A_169] {strides = array<i32>} : memref<128x128xf32, #tpu.memory_space<vmem>>, vector<16xf32>,
          %sub3A_171 = arith.subf %get3A_170, %get3A_167 : vector<16xf32>
          %mul3A_172 = arith.constant 8.000000e-01 : f32
          %mul3A_173 = vector.broadcast %mul3A_172 : f32 to vector<16xf32>
          %mul3A_174 = arith.mulf %mul3A_173, %sub3A_171 : vector<16xf32>
          %add3A_175 = arith.addf %get3A_167, %mul3A_174 : vector<16xf32>
          %swap3A_176 = arith.index_cast %scan3A_151 : i32 to index
          %swap3A_177 = arith.constant 16 : index
          %swap3A_178 = tpu.vector_load %arg10[%swap3A_176, %swap3A_177] {strides = array<i32>} : memref<128x128xf32, #tpu.memory_space<vmem>>, vector<16xf32>,
          tpu.vector_store %arg10[%swap3A_176, %swap3A_177], %add3A_175 {strides = array<i32>} : memref<128x128xf32, #tpu.memory_space<vmem>>, vector<16xf32>,
          %get3A_179 = arith.index_cast %scan3A_151 : i32 to index
          %get3A_180 = arith.constant 32 : index
          %get3A_181 = tpu.vector_load %arg10[%get3A_179, %get3A_180] {strides = array<i32>} : memref<128x128xf32, #tpu.memory_space<vmem>>, vector<16xf32>,
          %get3A_182 = arith.index_cast %scan3A_151 : i32 to index
          %get3A_183 = arith.constant 32 : index
          %get3A_184 = tpu.vector_load %arg11[%get3A_182, %get3A_183] {strides = array<i32>} : memref<128x128xf32, #tpu.memory_space<vmem>>, vector<16xf32>,
          %sub3A_185 = arith.subf %get3A_184, %get3A_181 : vector<16xf32>
          %mul3A_186 = arith.constant 8.000000e-01 : f32
          %mul3A_187 = vector.broadcast %mul3A_186 : f32 to vector<16xf32>
          %mul3A_188 = arith.mulf %mul3A_187, %sub3A_185 : vector<16xf32>
          %add3A_189 = arith.addf %get3A_181, %mul3A_188 : vector<16xf32>
          %swap3A_190 = arith.index_cast %scan3A_151 : i32 to index
          %swap3A_191 = arith.constant 32 : index
          %swap3A_192 = tpu.vector_load %arg10[%swap3A_190, %swap3A_191] {strides = array<i32>} : memref<128x128xf32, #tpu.memory_space<vmem>>, vector<16xf32>,
          tpu.vector_store %arg10[%swap3A_190, %swap3A_191], %add3A_189 {strides = array<i32>} : memref<128x128xf32, #tpu.memory_space<vmem>>, vector<16xf32>,
          %get3A_193 = arith.index_cast %scan3A_151 : i32 to index
          %get3A_194 = arith.constant 48 : index
          %get3A_195 = tpu.vector_load %arg10[%get3A_193, %get3A_194] {strides = array<i32>} : memref<128x128xf32, #tpu.memory_space<vmem>>, vector<16xf32>,
          %get3A_196 = arith.index_cast %scan3A_151 : i32 to index
          %get3A_197 = arith.constant 48 : index
          %get3A_198 = tpu.vector_load %arg11[%get3A_196, %get3A_197] {strides = array<i32>} : memref<128x128xf32, #tpu.memory_space<vmem>>, vector<16xf32>,
          %sub3A_199 = arith.subf %get3A_198, %get3A_195 : vector<16xf32>
          %mul3A_200 = arith.constant 8.000000e-01 : f32
          %mul3A_201 = vector.broadcast %mul3A_200 : f32 to vector<16xf32>
          %mul3A_202 = arith.mulf %mul3A_201, %sub3A_199 : vector<16xf32>
          %add3A_203 = arith.addf %get3A_195, %mul3A_202 : vector<16xf32>
          %swap3A_204 = arith.index_cast %scan3A_151 : i32 to index
          %swap3A_205 = arith.constant 48 : index
          %swap3A_206 = tpu.vector_load %arg10[%swap3A_204, %swap3A_205] {strides = array<i32>} : memref<128x128xf32, #tpu.memory_space<vmem>>, vector<16xf32>,
          tpu.vector_store %arg10[%swap3A_204, %swap3A_205], %add3A_203 {strides = array<i32>} : memref<128x128xf32, #tpu.memory_space<vmem>>, vector<16xf32>,
          %get3A_207 = arith.index_cast %scan3A_151 : i32 to index
          %get3A_208 = arith.constant 64 : index
          %get3A_209 = tpu.vector_load %arg10[%get3A_207, %get3A_208] {strides = array<i32>} : memref<128x128xf32, #tpu.memory_space<vmem>>, vector<16xf32>,
          %get3A_210 = arith.index_cast %scan3A_151 : i32 to index
          %get3A_211 = arith.constant 64 : index
          %get3A_212 = tpu.vector_load %arg11[%get3A_210, %get3A_211] {strides = array<i32>} : memref<128x128xf32, #tpu.memory_space<vmem>>, vector<16xf32>,
          %sub3A_213 = arith.subf %get3A_212, %get3A_209 : vector<16xf32>
          %mul3A_214 = arith.constant 8.000000e-01 : f32
          %mul3A_215 = vector.broadcast %mul3A_214 : f32 to vector<16xf32>
          %mul3A_216 = arith.mulf %mul3A_215, %sub3A_213 : vector<16xf32>
          %add3A_217 = arith.addf %get3A_209, %mul3A_216 : vector<16xf32>
          %swap3A_218 = arith.index_cast %scan3A_151 : i32 to index
          %swap3A_219 = arith.constant 64 : index
          %swap3A_220 = tpu.vector_load %arg10[%swap3A_218, %swap3A_219] {strides = array<i32>} : memref<128x128xf32, #tpu.memory_space<vmem>>, vector<16xf32>,
          tpu.vector_store %arg10[%swap3A_218, %swap3A_219], %add3A_217 {strides = array<i32>} : memref<128x128xf32, #tpu.memory_space<vmem>>, vector<16xf32>,
          %get3A_221 = arith.index_cast %scan3A_151 : i32 to index
          %get3A_222 = arith.constant 80 : index
          %get3A_223 = tpu.vector_load %arg10[%get3A_221, %get3A_222] {strides = array<i32>} : memref<128x128xf32, #tpu.memory_space<vmem>>, vector<16xf32>,
          %get3A_224 = arith.index_cast %scan3A_151 : i32 to index
          %get3A_225 = arith.constant 80 : index
          %get3A_226 = tpu.vector_load %arg11[%get3A_224, %get3A_225] {strides = array<i32>} : memref<128x128xf32, #tpu.memory_space<vmem>>, vector<16xf32>,
          %sub3A_227 = arith.subf %get3A_226, %get3A_223 : vector<16xf32>
          %mul3A_228 = arith.constant 8.000000e-01 : f32
          %mul3A_229 = vector.broadcast %mul3A_228 : f32 to vector<16xf32>
          %mul3A_230 = arith.mulf %mul3A_229, %sub3A_227 : vector<16xf32>
          %add3A_231 = arith.addf %get3A_223, %mul3A_230 : vector<16xf32>
          %swap3A_232 = arith.index_cast %scan3A_151 : i32 to index
          %swap3A_233 = arith.constant 80 : index
          %swap3A_234 = tpu.vector_load %arg10[%swap3A_232, %swap3A_233] {strides = array<i32>} : memref<128x128xf32, #tpu.memory_space<vmem>>, vector<16xf32>,
          tpu.vector_store %arg10[%swap3A_232, %swap3A_233], %add3A_231 {strides = array<i32>} : memref<128x128xf32, #tpu.memory_space<vmem>>, vector<16xf32>,
          %get3A_235 = arith.index_cast %scan3A_151 : i32 to index
          %get3A_236 = arith.constant 96 : index
          %get3A_237 = tpu.vector_load %arg10[%get3A_235, %get3A_236] {strides = array<i32>} : memref<128x128xf32, #tpu.memory_space<vmem>>, vector<16xf32>,
          %get3A_238 = arith.index_cast %scan3A_151 : i32 to index
          %get3A_239 = arith.constant 96 : index
          %get3A_240 = tpu.vector_load %arg11[%get3A_238, %get3A_239] {strides = array<i32>} : memref<128x128xf32, #tpu.memory_space<vmem>>, vector<16xf32>,
          %sub3A_241 = arith.subf %get3A_240, %get3A_237 : vector<16xf32>
          %mul3A_242 = arith.constant 8.000000e-01 : f32
          %mul3A_243 = vector.broadcast %mul3A_242 : f32 to vector<16xf32>
          %mul3A_244 = arith.mulf %mul3A_243, %sub3A_241 : vector<16xf32>
          %add3A_245 = arith.addf %get3A_237, %mul3A_244 : vector<16xf32>
          %swap3A_246 = arith.index_cast %scan3A_151 : i32 to index
          %swap3A_247 = arith.constant 96 : index
          %swap3A_248 = tpu.vector_load %arg10[%swap3A_246, %swap3A_247] {strides = array<i32>} : memref<128x128xf32, #tpu.memory_space<vmem>>, vector<16xf32>,
          tpu.vector_store %arg10[%swap3A_246, %swap3A_247], %add3A_245 {strides = array<i32>} : memref<128x128xf32, #tpu.memory_space<vmem>>, vector<16xf32>,
          %get3A_249 = arith.index_cast %scan3A_151 : i32 to index
          %get3A_250 = arith.constant 112 : index
          %get3A_251 = tpu.vector_load %arg10[%get3A_249, %get3A_250] {strides = array<i32>} : memref<128x128xf32, #tpu.memory_space<vmem>>, vector<16xf32>,
          %get3A_252 = arith.index_cast %scan3A_151 : i32 to index
          %get3A_253 = arith.constant 112 : index
          %get3A_254 = tpu.vector_load %arg11[%get3A_252, %get3A_253] {strides = array<i32>} : memref<128x128xf32, #tpu.memory_space<vmem>>, vector<16xf32>,
          %sub3A_255 = arith.subf %get3A_254, %get3A_251 : vector<16xf32>
          %mul3A_256 = arith.constant 8.000000e-01 : f32
          %mul3A_257 = vector.broadcast %mul3A_256 : f32 to vector<16xf32>
          %mul3A_258 = arith.mulf %mul3A_257, %sub3A_255 : vector<16xf32>
          %add3A_259 = arith.addf %get3A_251, %mul3A_258 : vector<16xf32>
          %swap3A_260 = arith.index_cast %scan3A_151 : i32 to index
          %swap3A_261 = arith.constant 112 : index
          %swap3A_262 = tpu.vector_load %arg10[%swap3A_260, %swap3A_261] {strides = array<i32>} : memref<128x128xf32, #tpu.memory_space<vmem>>, vector<16xf32>,
          tpu.vector_store %arg10[%swap3A_260, %swap3A_261], %add3A_259 {strides = array<i32>} : memref<128x128xf32, #tpu.memory_space<vmem>>, vector<16xf32>,
        }
        %scan3A_144 = arith.constant 128 : i32
        %dma_start3A_145 = arith.constant 0 : i32
        %dma_start3A_146 = tpu.memref_slice %arg8[%mul3A_108, %dma_start3A_145] : memref<25x128xi32, #tpu.memory_space<vmem>> -> memref<1x128xi32, #tpu.memory_space<vmem>>
        %dma_start3A_147 = tpu.memref_squeeze %dma_start3A_146 : memref<1x128xi32, #tpu.memory_space<vmem>> -> memref<128xi32, #tpu.memory_space<vmem>>
        %dma_start3A_148 = arith.constant 0 : i32
        %dma_start3A_149 = arith.constant 0 : i32
        %dma_start3A_150 = tpu.memref_slice %arg5[%dma_start3A_148, %dma_start3A_149] : memref<100000x128xf32, #tpu.memory_space<hbm>> -> memref<100000x128xf32, #tpu.memory_space<hbm>>
        tpu.enqueue_indirect_dma source(%arg10 : memref<128x128xf32, #tpu.memory_space<vmem>>) target(%dma_start3A_150 : memref<100000x128xf32, #tpu.memory_space<hbm>>) offsets(%dma_start3A_147 : memref<128xi32, #tpu.memory_space<vmem>>) semaphore(%arg16 : memref<!tpu.dma_semaphore, #tpu.memory_space<semaphore_mem>>)
      } else {
      }
      %add3A_112 = arith.constant 1 : i32
      %add3A_113 = arith.addi %mul3A_108, %add3A_112 : i32
      %lt3A_114 = arith.cmpi slt, %add3A_113, %shift_right_arithmetic3A_71 : i32
      %convert_element_type3A_115 = arith.extui %lt3A_114 : i1 to i32
      %cond3A_116 = arith.constant 0 : i32
      %cond3A_117 = arith.cmpi ne, %convert_element_type3A_115, %cond3A_116 : i32
      scf.if %cond3A_117 {
        %add3A_118 = arith.constant 1 : i32
        %add3A_119 = arith.addi %mul3A_108, %add3A_118 : i32
        %dma_wait3A = arith.constant 0 : i32
        %dma_wait3A_120 = tpu.memref_slice %arg8[%add3A_119, %dma_wait3A] : memref<25x128xi32, #tpu.memory_space<vmem>> -> memref<1x128xi32, #tpu.memory_space<vmem>>
        %dma_wait3A_121 = tpu.memref_squeeze %dma_wait3A_120 : memref<1x128xi32, #tpu.memory_space<vmem>> -> memref<128xi32, #tpu.memory_space<vmem>>
        %dma_wait3A_122 = arith.constant 0 : i32
        %dma_wait3A_123 = arith.constant 0 : i32
        %dma_wait3A_124 = tpu.memref_slice %arg2[%dma_wait3A_122, %dma_wait3A_123] : memref<100000x128xf32, #tpu.memory_space<hbm>> -> memref<100000x128xf32, #tpu.memory_space<hbm>>
        tpu.wait_indirect_dma semaphore(%arg15 : memref<!tpu.dma_semaphore, #tpu.memory_space<semaphore_mem>>) src(%dma_wait3A_124 : memref<100000x128xf32, #tpu.memory_space<hbm>>) dst(%arg12 : memref<128x128xf32, #tpu.memory_space<vmem>>)
        %dma_wait3A_125 = arith.constant 0 : i32
        %dma_wait3A_126 = tpu.memref_slice %arg9[%add3A_119, %dma_wait3A_125] : memref<25x128xi32, #tpu.memory_space<vmem>> -> memref<1x128xi32, #tpu.memory_space<vmem>>
        %dma_wait3A_127 = tpu.memref_squeeze %dma_wait3A_126 : memref<1x128xi32, #tpu.memory_space<vmem>> -> memref<128xi32, #tpu.memory_space<vmem>>
        %dma_wait3A_128 = arith.constant 0 : i32
        %dma_wait3A_129 = arith.constant 0 : i32
        %dma_wait3A_130 = tpu.memref_slice %arg4[%dma_wait3A_128, %dma_wait3A_129] : memref<50000x128xf32, #tpu.memory_space<hbm>> -> memref<50000x128xf32, #tpu.memory_space<hbm>>
        tpu.wait_indirect_dma semaphore(%arg15 : memref<!tpu.dma_semaphore, #tpu.memory_space<semaphore_mem>>) src(%dma_wait3A_130 : memref<50000x128xf32, #tpu.memory_space<hbm>>) dst(%arg13 : memref<128x128xf32, #tpu.memory_space<vmem>>)
        %ge3A = arith.constant 1 : i32
        %ge3A_131 = arith.cmpi sge, %add3A_119, %ge3A : i32
        %convert_element_type3A_132 = arith.extui %ge3A_131 : i1 to i32
        %cond3A_133 = arith.constant 0 : i32
        %cond3A_134 = arith.cmpi ne, %convert_element_type3A_132, %cond3A_133 : i32
        scf.if %cond3A_134 {
          %sub3A_153 = arith.constant 1 : i32
          %sub3A_154 = arith.subi %add3A_119, %sub3A_153 : i32
          %dma_wait3A_155 = arith.constant 0 : i32
          %dma_wait3A_156 = tpu.memref_slice %arg8[%sub3A_154, %dma_wait3A_155] : memref<25x128xi32, #tpu.memory_space<vmem>> -> memref<1x128xi32, #tpu.memory_space<vmem>>
          %dma_wait3A_157 = tpu.memref_squeeze %dma_wait3A_156 : memref<1x128xi32, #tpu.memory_space<vmem>> -> memref<128xi32, #tpu.memory_space<vmem>>
          %dma_wait3A_158 = arith.constant 0 : i32
          %dma_wait3A_159 = arith.constant 0 : i32
          %dma_wait3A_160 = tpu.memref_slice %arg5[%dma_wait3A_158, %dma_wait3A_159] : memref<100000x128xf32, #tpu.memory_space<hbm>> -> memref<100000x128xf32, #tpu.memory_space<hbm>>
          tpu.wait_indirect_dma semaphore(%arg16 : memref<!tpu.dma_semaphore, #tpu.memory_space<semaphore_mem>>) src(%arg10 : memref<128x128xf32, #tpu.memory_space<vmem>>) dst(%dma_wait3A_160 : memref<100000x128xf32, #tpu.memory_space<hbm>>)
        } else {
        }
        %add3A_135 = arith.constant 1 : i32
        %add3A_136 = arith.addi %add3A_119, %add3A_135 : i32
        %lt3A_137 = arith.cmpi slt, %add3A_136, %shift_right_arithmetic3A_71 : i32
        %convert_element_type3A_138 = arith.extui %lt3A_137 : i1 to i32
        %cond3A_139 = arith.constant 0 : i32
        %cond3A_140 = arith.cmpi ne, %convert_element_type3A_138, %cond3A_139 : i32
        scf.if %cond3A_140 {
          %add3A_153 = arith.constant 1 : i32
          %add3A_154 = arith.addi %add3A_119, %add3A_153 : i32
          %dma_start3A_155 = arith.constant 0 : i32
          %dma_start3A_156 = tpu.memref_slice %arg8[%add3A_154, %dma_start3A_155] : memref<25x128xi32, #tpu.memory_space<vmem>> -> memref<1x128xi32, #tpu.memory_space<vmem>>
          %dma_start3A_157 = tpu.memref_squeeze %dma_start3A_156 : memref<1x128xi32, #tpu.memory_space<vmem>> -> memref<128xi32, #tpu.memory_space<vmem>>
          %dma_start3A_158 = arith.constant 0 : i32
          %dma_start3A_159 = arith.constant 0 : i32
          %dma_start3A_160 = tpu.memref_slice %arg2[%dma_start3A_158, %dma_start3A_159] : memref<100000x128xf32, #tpu.memory_space<hbm>> -> memref<100000x128xf32, #tpu.memory_space<hbm>>
          tpu.enqueue_indirect_dma source(%dma_start3A_160 : memref<100000x128xf32, #tpu.memory_space<hbm>>) target(%arg10 : memref<128x128xf32, #tpu.memory_space<vmem>>) offsets(%dma_start3A_157 : memref<128xi32, #tpu.memory_space<vmem>>) semaphore(%arg15 : memref<!tpu.dma_semaphore, #tpu.memory_space<semaphore_mem>>)
          %dma_start3A_161 = arith.constant 0 : i32
          %dma_start3A_162 = tpu.memref_slice %arg9[%add3A_154, %dma_start3A_161] : memref<25x128xi32, #tpu.memory_space<vmem>> -> memref<1x128xi32, #tpu.memory_space<vmem>>
          %dma_start3A_163 = tpu.memref_squeeze %dma_start3A_162 : memref<1x128xi32, #tpu.memory_space<vmem>> -> memref<128xi32, #tpu.memory_space<vmem>>
          %dma_start3A_164 = arith.constant 0 : i32
          %dma_start3A_165 = arith.constant 0 : i32
          %dma_start3A_166 = tpu.memref_slice %arg4[%dma_start3A_164, %dma_start3A_165] : memref<50000x128xf32, #tpu.memory_space<hbm>> -> memref<50000x128xf32, #tpu.memory_space<hbm>>
          tpu.enqueue_indirect_dma source(%dma_start3A_166 : memref<50000x128xf32, #tpu.memory_space<hbm>>) target(%arg11 : memref<128x128xf32, #tpu.memory_space<vmem>>) offsets(%dma_start3A_163 : memref<128xi32, #tpu.memory_space<vmem>>) semaphore(%arg15 : memref<!tpu.dma_semaphore, #tpu.memory_space<semaphore_mem>>)
        } else {
        }
        %scan3A_141 = arith.constant 0 : i32
        %scan3A_142 = arith.constant 0 : i32
        %scan3A_143 = arith.constant 128 : i32
        %scan3A_144 = arith.addi %scan3A_142, %scan3A_143 : i32
        %scan3A_145 = arith.constant 1 : i32
        scf.for %scan3A_153 = %scan3A_142 to %scan3A_144 step %scan3A_145  : i32 {
          %get3A_154 = arith.index_cast %scan3A_153 : i32 to index
          %get3A_155 = arith.constant 0 : index
          %get3A_156 = tpu.vector_load %arg12[%get3A_154, %get3A_155] {strides = array<i32>} : memref<128x128xf32, #tpu.memory_space<vmem>>, vector<16xf32>,
          %get3A_157 = arith.index_cast %scan3A_153 : i32 to index
          %get3A_158 = arith.constant 0 : index
          %get3A_159 = tpu.vector_load %arg13[%get3A_157, %get3A_158] {strides = array<i32>} : memref<128x128xf32, #tpu.memory_space<vmem>>, vector<16xf32>,
          %sub3A_160 = arith.subf %get3A_159, %get3A_156 : vector<16xf32>
          %mul3A_161 = arith.constant 8.000000e-01 : f32
          %mul3A_162 = vector.broadcast %mul3A_161 : f32 to vector<16xf32>
          %mul3A_163 = arith.mulf %mul3A_162, %sub3A_160 : vector<16xf32>
          %add3A_164 = arith.addf %get3A_156, %mul3A_163 : vector<16xf32>
          %swap3A = arith.index_cast %scan3A_153 : i32 to index
          %swap3A_165 = arith.constant 0 : index
          %swap3A_166 = tpu.vector_load %arg12[%swap3A, %swap3A_165] {strides = array<i32>} : memref<128x128xf32, #tpu.memory_space<vmem>>, vector<16xf32>,
          tpu.vector_store %arg12[%swap3A, %swap3A_165], %add3A_164 {strides = array<i32>} : memref<128x128xf32, #tpu.memory_space<vmem>>, vector<16xf32>,
          %get3A_167 = arith.index_cast %scan3A_153 : i32 to index
          %get3A_168 = arith.constant 16 : index
          %get3A_169 = tpu.vector_load %arg12[%get3A_167, %get3A_168] {strides = array<i32>} : memref<128x128xf32, #tpu.memory_space<vmem>>, vector<16xf32>,
          %get3A_170 = arith.index_cast %scan3A_153 : i32 to index
          %get3A_171 = arith.constant 16 : index
          %get3A_172 = tpu.vector_load %arg13[%get3A_170, %get3A_171] {strides = array<i32>} : memref<128x128xf32, #tpu.memory_space<vmem>>, vector<16xf32>,
          %sub3A_173 = arith.subf %get3A_172, %get3A_169 : vector<16xf32>
          %mul3A_174 = arith.constant 8.000000e-01 : f32
          %mul3A_175 = vector.broadcast %mul3A_174 : f32 to vector<16xf32>
          %mul3A_176 = arith.mulf %mul3A_175, %sub3A_173 : vector<16xf32>
          %add3A_177 = arith.addf %get3A_169, %mul3A_176 : vector<16xf32>
          %swap3A_178 = arith.index_cast %scan3A_153 : i32 to index
          %swap3A_179 = arith.constant 16 : index
          %swap3A_180 = tpu.vector_load %arg12[%swap3A_178, %swap3A_179] {strides = array<i32>} : memref<128x128xf32, #tpu.memory_space<vmem>>, vector<16xf32>,
          tpu.vector_store %arg12[%swap3A_178, %swap3A_179], %add3A_177 {strides = array<i32>} : memref<128x128xf32, #tpu.memory_space<vmem>>, vector<16xf32>,
          %get3A_181 = arith.index_cast %scan3A_153 : i32 to index
          %get3A_182 = arith.constant 32 : index
          %get3A_183 = tpu.vector_load %arg12[%get3A_181, %get3A_182] {strides = array<i32>} : memref<128x128xf32, #tpu.memory_space<vmem>>, vector<16xf32>,
          %get3A_184 = arith.index_cast %scan3A_153 : i32 to index
          %get3A_185 = arith.constant 32 : index
          %get3A_186 = tpu.vector_load %arg13[%get3A_184, %get3A_185] {strides = array<i32>} : memref<128x128xf32, #tpu.memory_space<vmem>>, vector<16xf32>,
          %sub3A_187 = arith.subf %get3A_186, %get3A_183 : vector<16xf32>
          %mul3A_188 = arith.constant 8.000000e-01 : f32
          %mul3A_189 = vector.broadcast %mul3A_188 : f32 to vector<16xf32>
          %mul3A_190 = arith.mulf %mul3A_189, %sub3A_187 : vector<16xf32>
          %add3A_191 = arith.addf %get3A_183, %mul3A_190 : vector<16xf32>
          %swap3A_192 = arith.index_cast %scan3A_153 : i32 to index
          %swap3A_193 = arith.constant 32 : index
          %swap3A_194 = tpu.vector_load %arg12[%swap3A_192, %swap3A_193] {strides = array<i32>} : memref<128x128xf32, #tpu.memory_space<vmem>>, vector<16xf32>,
          tpu.vector_store %arg12[%swap3A_192, %swap3A_193], %add3A_191 {strides = array<i32>} : memref<128x128xf32, #tpu.memory_space<vmem>>, vector<16xf32>,
          %get3A_195 = arith.index_cast %scan3A_153 : i32 to index
          %get3A_196 = arith.constant 48 : index
          %get3A_197 = tpu.vector_load %arg12[%get3A_195, %get3A_196] {strides = array<i32>} : memref<128x128xf32, #tpu.memory_space<vmem>>, vector<16xf32>,
          %get3A_198 = arith.index_cast %scan3A_153 : i32 to index
          %get3A_199 = arith.constant 48 : index
          %get3A_200 = tpu.vector_load %arg13[%get3A_198, %get3A_199] {strides = array<i32>} : memref<128x128xf32, #tpu.memory_space<vmem>>, vector<16xf32>,
          %sub3A_201 = arith.subf %get3A_200, %get3A_197 : vector<16xf32>
          %mul3A_202 = arith.constant 8.000000e-01 : f32
          %mul3A_203 = vector.broadcast %mul3A_202 : f32 to vector<16xf32>
          %mul3A_204 = arith.mulf %mul3A_203, %sub3A_201 : vector<16xf32>
          %add3A_205 = arith.addf %get3A_197, %mul3A_204 : vector<16xf32>
          %swap3A_206 = arith.index_cast %scan3A_153 : i32 to index
          %swap3A_207 = arith.constant 48 : index
          %swap3A_208 = tpu.vector_load %arg12[%swap3A_206, %swap3A_207] {strides = array<i32>} : memref<128x128xf32, #tpu.memory_space<vmem>>, vector<16xf32>,
          tpu.vector_store %arg12[%swap3A_206, %swap3A_207], %add3A_205 {strides = array<i32>} : memref<128x128xf32, #tpu.memory_space<vmem>>, vector<16xf32>,
          %get3A_209 = arith.index_cast %scan3A_153 : i32 to index
          %get3A_210 = arith.constant 64 : index
          %get3A_211 = tpu.vector_load %arg12[%get3A_209, %get3A_210] {strides = array<i32>} : memref<128x128xf32, #tpu.memory_space<vmem>>, vector<16xf32>,
          %get3A_212 = arith.index_cast %scan3A_153 : i32 to index
          %get3A_213 = arith.constant 64 : index
          %get3A_214 = tpu.vector_load %arg13[%get3A_212, %get3A_213] {strides = array<i32>} : memref<128x128xf32, #tpu.memory_space<vmem>>, vector<16xf32>,
          %sub3A_215 = arith.subf %get3A_214, %get3A_211 : vector<16xf32>
          %mul3A_216 = arith.constant 8.000000e-01 : f32
          %mul3A_217 = vector.broadcast %mul3A_216 : f32 to vector<16xf32>
          %mul3A_218 = arith.mulf %mul3A_217, %sub3A_215 : vector<16xf32>
          %add3A_219 = arith.addf %get3A_211, %mul3A_218 : vector<16xf32>
          %swap3A_220 = arith.index_cast %scan3A_153 : i32 to index
          %swap3A_221 = arith.constant 64 : index
          %swap3A_222 = tpu.vector_load %arg12[%swap3A_220, %swap3A_221] {strides = array<i32>} : memref<128x128xf32, #tpu.memory_space<vmem>>, vector<16xf32>,
          tpu.vector_store %arg12[%swap3A_220, %swap3A_221], %add3A_219 {strides = array<i32>} : memref<128x128xf32, #tpu.memory_space<vmem>>, vector<16xf32>,
          %get3A_223 = arith.index_cast %scan3A_153 : i32 to index
          %get3A_224 = arith.constant 80 : index
          %get3A_225 = tpu.vector_load %arg12[%get3A_223, %get3A_224] {strides = array<i32>} : memref<128x128xf32, #tpu.memory_space<vmem>>, vector<16xf32>,
          %get3A_226 = arith.index_cast %scan3A_153 : i32 to index
          %get3A_227 = arith.constant 80 : index
          %get3A_228 = tpu.vector_load %arg13[%get3A_226, %get3A_227] {strides = array<i32>} : memref<128x128xf32, #tpu.memory_space<vmem>>, vector<16xf32>,
          %sub3A_229 = arith.subf %get3A_228, %get3A_225 : vector<16xf32>
          %mul3A_230 = arith.constant 8.000000e-01 : f32
          %mul3A_231 = vector.broadcast %mul3A_230 : f32 to vector<16xf32>
          %mul3A_232 = arith.mulf %mul3A_231, %sub3A_229 : vector<16xf32>
          %add3A_233 = arith.addf %get3A_225, %mul3A_232 : vector<16xf32>
          %swap3A_234 = arith.index_cast %scan3A_153 : i32 to index
          %swap3A_235 = arith.constant 80 : index
          %swap3A_236 = tpu.vector_load %arg12[%swap3A_234, %swap3A_235] {strides = array<i32>} : memref<128x128xf32, #tpu.memory_space<vmem>>, vector<16xf32>,
          tpu.vector_store %arg12[%swap3A_234, %swap3A_235], %add3A_233 {strides = array<i32>} : memref<128x128xf32, #tpu.memory_space<vmem>>, vector<16xf32>,
          %get3A_237 = arith.index_cast %scan3A_153 : i32 to index
          %get3A_238 = arith.constant 96 : index
          %get3A_239 = tpu.vector_load %arg12[%get3A_237, %get3A_238] {strides = array<i32>} : memref<128x128xf32, #tpu.memory_space<vmem>>, vector<16xf32>,
          %get3A_240 = arith.index_cast %scan3A_153 : i32 to index
          %get3A_241 = arith.constant 96 : index
          %get3A_242 = tpu.vector_load %arg13[%get3A_240, %get3A_241] {strides = array<i32>} : memref<128x128xf32, #tpu.memory_space<vmem>>, vector<16xf32>,
          %sub3A_243 = arith.subf %get3A_242, %get3A_239 : vector<16xf32>
          %mul3A_244 = arith.constant 8.000000e-01 : f32
          %mul3A_245 = vector.broadcast %mul3A_244 : f32 to vector<16xf32>
          %mul3A_246 = arith.mulf %mul3A_245, %sub3A_243 : vector<16xf32>
          %add3A_247 = arith.addf %get3A_239, %mul3A_246 : vector<16xf32>
          %swap3A_248 = arith.index_cast %scan3A_153 : i32 to index
          %swap3A_249 = arith.constant 96 : index
          %swap3A_250 = tpu.vector_load %arg12[%swap3A_248, %swap3A_249] {strides = array<i32>} : memref<128x128xf32, #tpu.memory_space<vmem>>, vector<16xf32>,
          tpu.vector_store %arg12[%swap3A_248, %swap3A_249], %add3A_247 {strides = array<i32>} : memref<128x128xf32, #tpu.memory_space<vmem>>, vector<16xf32>,
          %get3A_251 = arith.index_cast %scan3A_153 : i32 to index
          %get3A_252 = arith.constant 112 : index
          %get3A_253 = tpu.vector_load %arg12[%get3A_251, %get3A_252] {strides = array<i32>} : memref<128x128xf32, #tpu.memory_space<vmem>>, vector<16xf32>,
          %get3A_254 = arith.index_cast %scan3A_153 : i32 to index
          %get3A_255 = arith.constant 112 : index
          %get3A_256 = tpu.vector_load %arg13[%get3A_254, %get3A_255] {strides = array<i32>} : memref<128x128xf32, #tpu.memory_space<vmem>>, vector<16xf32>,
          %sub3A_257 = arith.subf %get3A_256, %get3A_253 : vector<16xf32>
          %mul3A_258 = arith.constant 8.000000e-01 : f32
          %mul3A_259 = vector.broadcast %mul3A_258 : f32 to vector<16xf32>
          %mul3A_260 = arith.mulf %mul3A_259, %sub3A_257 : vector<16xf32>
          %add3A_261 = arith.addf %get3A_253, %mul3A_260 : vector<16xf32>
          %swap3A_262 = arith.index_cast %scan3A_153 : i32 to index
          %swap3A_263 = arith.constant 112 : index
          %swap3A_264 = tpu.vector_load %arg12[%swap3A_262, %swap3A_263] {strides = array<i32>} : memref<128x128xf32, #tpu.memory_space<vmem>>, vector<16xf32>,
          tpu.vector_store %arg12[%swap3A_262, %swap3A_263], %add3A_261 {strides = array<i32>} : memref<128x128xf32, #tpu.memory_space<vmem>>, vector<16xf32>,
        }
        %scan3A_146 = arith.constant 128 : i32
        %dma_start3A_147 = arith.constant 0 : i32
        %dma_start3A_148 = tpu.memref_slice %arg8[%add3A_119, %dma_start3A_147] : memref<25x128xi32, #tpu.memory_space<vmem>> -> memref<1x128xi32, #tpu.memory_space<vmem>>
        %dma_start3A_149 = tpu.memref_squeeze %dma_start3A_148 : memref<1x128xi32, #tpu.memory_space<vmem>> -> memref<128xi32, #tpu.memory_space<vmem>>
        %dma_start3A_150 = arith.constant 0 : i32
        %dma_start3A_151 = arith.constant 0 : i32
        %dma_start3A_152 = tpu.memref_slice %arg5[%dma_start3A_150, %dma_start3A_151] : memref<100000x128xf32, #tpu.memory_space<hbm>> -> memref<100000x128xf32, #tpu.memory_space<hbm>>
        tpu.enqueue_indirect_dma source(%arg12 : memref<128x128xf32, #tpu.memory_space<vmem>>) target(%dma_start3A_152 : memref<100000x128xf32, #tpu.memory_space<hbm>>) offsets(%dma_start3A_149 : memref<128xi32, #tpu.memory_space<vmem>>) semaphore(%arg16 : memref<!tpu.dma_semaphore, #tpu.memory_space<semaphore_mem>>)
      } else {
      }
    }
    %while3A_89 = arith.constant 1 : i32
    scf.for %while3A_106 = %while3A_87 to %while3A_83 step %while3A_89  : i32 {
      %mul3A_107 = arith.constant 2 : i32
      %mul3A_108 = arith.muli %while3A_106, %mul3A_107 : i32
      %lt3A = arith.cmpi slt, %mul3A_108, %shift_right_arithmetic3A_71 : i32
      %convert_element_type3A_109 = arith.extui %lt3A : i1 to i32
      %cond3A_110 = arith.constant 0 : i32
      %cond3A_111 = arith.cmpi ne, %convert_element_type3A_109, %cond3A_110 : i32
      scf.if %cond3A_111 {
        %dma_wait3A = arith.constant 0 : i32
        %dma_wait3A_118 = tpu.memref_slice %arg8[%mul3A_108, %dma_wait3A] : memref<25x128xi32, #tpu.memory_space<vmem>> -> memref<1x128xi32, #tpu.memory_space<vmem>>
        %dma_wait3A_119 = tpu.memref_squeeze %dma_wait3A_118 : memref<1x128xi32, #tpu.memory_space<vmem>> -> memref<128xi32, #tpu.memory_space<vmem>>
        %dma_wait3A_120 = arith.constant 0 : i32
        %dma_wait3A_121 = arith.constant 0 : i32
        %dma_wait3A_122 = tpu.memref_slice %arg2[%dma_wait3A_120, %dma_wait3A_121] : memref<100000x128xf32, #tpu.memory_space<hbm>> -> memref<100000x128xf32, #tpu.memory_space<hbm>>
        tpu.wait_indirect_dma semaphore(%arg15 : memref<!tpu.dma_semaphore, #tpu.memory_space<semaphore_mem>>) src(%dma_wait3A_122 : memref<100000x128xf32, #tpu.memory_space<hbm>>) dst(%arg10 : memref<128x128xf32, #tpu.memory_space<vmem>>)
        %dma_wait3A_123 = arith.constant 0 : i32
        %dma_wait3A_124 = tpu.memref_slice %arg9[%mul3A_108, %dma_wait3A_123] : memref<25x128xi32, #tpu.memory_space<vmem>> -> memref<1x128xi32, #tpu.memory_space<vmem>>
        %dma_wait3A_125 = tpu.memref_squeeze %dma_wait3A_124 : memref<1x128xi32, #tpu.memory_space<vmem>> -> memref<128xi32, #tpu.memory_space<vmem>>
        %dma_wait3A_126 = arith.constant 0 : i32
        %dma_wait3A_127 = arith.constant 0 : i32
        %dma_wait3A_128 = tpu.memref_slice %arg4[%dma_wait3A_126, %dma_wait3A_127] : memref<50000x128xf32, #tpu.memory_space<hbm>> -> memref<50000x128xf32, #tpu.memory_space<hbm>>
        tpu.wait_indirect_dma semaphore(%arg15 : memref<!tpu.dma_semaphore, #tpu.memory_space<semaphore_mem>>) src(%dma_wait3A_128 : memref<50000x128xf32, #tpu.memory_space<hbm>>) dst(%arg11 : memref<128x128xf32, #tpu.memory_space<vmem>>)
        %ge3A = arith.constant 1 : i32
        %ge3A_129 = arith.cmpi sge, %mul3A_108, %ge3A : i32
        %convert_element_type3A_130 = arith.extui %ge3A_129 : i1 to i32
        %cond3A_131 = arith.constant 0 : i32
        %cond3A_132 = arith.cmpi ne, %convert_element_type3A_130, %cond3A_131 : i32
        scf.if %cond3A_132 {
          %sub3A_151 = arith.constant 1 : i32
          %sub3A_152 = arith.subi %mul3A_108, %sub3A_151 : i32
          %dma_wait3A_153 = arith.constant 0 : i32
          %dma_wait3A_154 = tpu.memref_slice %arg8[%sub3A_152, %dma_wait3A_153] : memref<25x128xi32, #tpu.memory_space<vmem>> -> memref<1x128xi32, #tpu.memory_space<vmem>>
          %dma_wait3A_155 = tpu.memref_squeeze %dma_wait3A_154 : memref<1x128xi32, #tpu.memory_space<vmem>> -> memref<128xi32, #tpu.memory_space<vmem>>
          %dma_wait3A_156 = arith.constant 0 : i32
          %dma_wait3A_157 = arith.constant 0 : i32
          %dma_wait3A_158 = tpu.memref_slice %arg5[%dma_wait3A_156, %dma_wait3A_157] : memref<100000x128xf32, #tpu.memory_space<hbm>> -> memref<100000x128xf32, #tpu.memory_space<hbm>>
          tpu.wait_indirect_dma semaphore(%arg16 : memref<!tpu.dma_semaphore, #tpu.memory_space<semaphore_mem>>) src(%arg12 : memref<128x128xf32, #tpu.memory_space<vmem>>) dst(%dma_wait3A_158 : memref<100000x128xf32, #tpu.memory_space<hbm>>)
        } else {
        }
        %add3A_133 = arith.constant 1 : i32
        %add3A_134 = arith.addi %mul3A_108, %add3A_133 : i32
        %lt3A_135 = arith.cmpi slt, %add3A_134, %shift_right_arithmetic3A_71 : i32
        %convert_element_type3A_136 = arith.extui %lt3A_135 : i1 to i32
        %cond3A_137 = arith.constant 0 : i32
        %cond3A_138 = arith.cmpi ne, %convert_element_type3A_136, %cond3A_137 : i32
        scf.if %cond3A_138 {
          %add3A_151 = arith.constant 1 : i32
          %add3A_152 = arith.addi %mul3A_108, %add3A_151 : i32
          %dma_start3A_153 = arith.constant 0 : i32
          %dma_start3A_154 = tpu.memref_slice %arg8[%add3A_152, %dma_start3A_153] : memref<25x128xi32, #tpu.memory_space<vmem>> -> memref<1x128xi32, #tpu.memory_space<vmem>>
          %dma_start3A_155 = tpu.memref_squeeze %dma_start3A_154 : memref<1x128xi32, #tpu.memory_space<vmem>> -> memref<128xi32, #tpu.memory_space<vmem>>
          %dma_start3A_156 = arith.constant 0 : i32
          %dma_start3A_157 = arith.constant 0 : i32
          %dma_start3A_158 = tpu.memref_slice %arg2[%dma_start3A_156, %dma_start3A_157] : memref<100000x128xf32, #tpu.memory_space<hbm>> -> memref<100000x128xf32, #tpu.memory_space<hbm>>
          tpu.enqueue_indirect_dma source(%dma_start3A_158 : memref<100000x128xf32, #tpu.memory_space<hbm>>) target(%arg12 : memref<128x128xf32, #tpu.memory_space<vmem>>) offsets(%dma_start3A_155 : memref<128xi32, #tpu.memory_space<vmem>>) semaphore(%arg15 : memref<!tpu.dma_semaphore, #tpu.memory_space<semaphore_mem>>)
          %dma_start3A_159 = arith.constant 0 : i32
          %dma_start3A_160 = tpu.memref_slice %arg9[%add3A_152, %dma_start3A_159] : memref<25x128xi32, #tpu.memory_space<vmem>> -> memref<1x128xi32, #tpu.memory_space<vmem>>
          %dma_start3A_161 = tpu.memref_squeeze %dma_start3A_160 : memref<1x128xi32, #tpu.memory_space<vmem>> -> memref<128xi32, #tpu.memory_space<vmem>>
          %dma_start3A_162 = arith.constant 0 : i32
          %dma_start3A_163 = arith.constant 0 : i32
          %dma_start3A_164 = tpu.memref_slice %arg4[%dma_start3A_162, %dma_start3A_163] : memref<50000x128xf32, #tpu.memory_space<hbm>> -> memref<50000x128xf32, #tpu.memory_space<hbm>>
          tpu.enqueue_indirect_dma source(%dma_start3A_164 : memref<50000x128xf32, #tpu.memory_space<hbm>>) target(%arg13 : memref<128x128xf32, #tpu.memory_space<vmem>>) offsets(%dma_start3A_161 : memref<128xi32, #tpu.memory_space<vmem>>) semaphore(%arg15 : memref<!tpu.dma_semaphore, #tpu.memory_space<semaphore_mem>>)
        } else {
        }
        %scan3A_139 = arith.constant 0 : i32
        %scan3A_140 = arith.constant 0 : i32
        %scan3A_141 = arith.constant 128 : i32
        %scan3A_142 = arith.addi %scan3A_140, %scan3A_141 : i32
        %scan3A_143 = arith.constant 1 : i32
        scf.for %scan3A_151 = %scan3A_140 to %scan3A_142 step %scan3A_143  : i32 {
          %get3A_152 = arith.index_cast %scan3A_151 : i32 to index
          %get3A_153 = arith.constant 0 : index
          %get3A_154 = tpu.vector_load %arg10[%get3A_152, %get3A_153] {strides = array<i32>} : memref<128x128xf32, #tpu.memory_space<vmem>>, vector<16xf32>,
          %get3A_155 = arith.index_cast %scan3A_151 : i32 to index
          %get3A_156 = arith.constant 0 : index
          %get3A_157 = tpu.vector_load %arg11[%get3A_155, %get3A_156] {strides = array<i32>} : memref<128x128xf32, #tpu.memory_space<vmem>>, vector<16xf32>,
          %sub3A_158 = arith.subf %get3A_157, %get3A_154 : vector<16xf32>
          %mul3A_159 = arith.constant 8.000000e-01 : f32
          %mul3A_160 = vector.broadcast %mul3A_159 : f32 to vector<16xf32>
          %mul3A_161 = arith.mulf %mul3A_160, %sub3A_158 : vector<16xf32>
          %add3A_162 = arith.addf %get3A_154, %mul3A_161 : vector<16xf32>
          %swap3A = arith.index_cast %scan3A_151 : i32 to index
          %swap3A_163 = arith.constant 0 : index
          %swap3A_164 = tpu.vector_load %arg10[%swap3A, %swap3A_163] {strides = array<i32>} : memref<128x128xf32, #tpu.memory_space<vmem>>, vector<16xf32>,
          tpu.vector_store %arg10[%swap3A, %swap3A_163], %add3A_162 {strides = array<i32>} : memref<128x128xf32, #tpu.memory_space<vmem>>, vector<16xf32>,
          %get3A_165 = arith.index_cast %scan3A_151 : i32 to index
          %get3A_166 = arith.constant 16 : index
          %get3A_167 = tpu.vector_load %arg10[%get3A_165, %get3A_166] {strides = array<i32>} : memref<128x128xf32, #tpu.memory_space<vmem>>, vector<16xf32>,
          %get3A_168 = arith.index_cast %scan3A_151 : i32 to index
          %get3A_169 = arith.constant 16 : index
          %get3A_170 = tpu.vector_load %arg11[%get3A_168, %get3A_169] {strides = array<i32>} : memref<128x128xf32, #tpu.memory_space<vmem>>, vector<16xf32>,
          %sub3A_171 = arith.subf %get3A_170, %get3A_167 : vector<16xf32>
          %mul3A_172 = arith.constant 8.000000e-01 : f32
          %mul3A_173 = vector.broadcast %mul3A_172 : f32 to vector<16xf32>
          %mul3A_174 = arith.mulf %mul3A_173, %sub3A_171 : vector<16xf32>
          %add3A_175 = arith.addf %get3A_167, %mul3A_174 : vector<16xf32>
          %swap3A_176 = arith.index_cast %scan3A_151 : i32 to index
          %swap3A_177 = arith.constant 16 : index
          %swap3A_178 = tpu.vector_load %arg10[%swap3A_176, %swap3A_177] {strides = array<i32>} : memref<128x128xf32, #tpu.memory_space<vmem>>, vector<16xf32>,
          tpu.vector_store %arg10[%swap3A_176, %swap3A_177], %add3A_175 {strides = array<i32>} : memref<128x128xf32, #tpu.memory_space<vmem>>, vector<16xf32>,
          %get3A_179 = arith.index_cast %scan3A_151 : i32 to index
          %get3A_180 = arith.constant 32 : index
          %get3A_181 = tpu.vector_load %arg10[%get3A_179, %get3A_180] {strides = array<i32>} : memref<128x128xf32, #tpu.memory_space<vmem>>, vector<16xf32>,
          %get3A_182 = arith.index_cast %scan3A_151 : i32 to index
          %get3A_183 = arith.constant 32 : index
          %get3A_184 = tpu.vector_load %arg11[%get3A_182, %get3A_183] {strides = array<i32>} : memref<128x128xf32, #tpu.memory_space<vmem>>, vector<16xf32>,
          %sub3A_185 = arith.subf %get3A_184, %get3A_181 : vector<16xf32>
          %mul3A_186 = arith.constant 8.000000e-01 : f32
          %mul3A_187 = vector.broadcast %mul3A_186 : f32 to vector<16xf32>
          %mul3A_188 = arith.mulf %mul3A_187, %sub3A_185 : vector<16xf32>
          %add3A_189 = arith.addf %get3A_181, %mul3A_188 : vector<16xf32>
          %swap3A_190 = arith.index_cast %scan3A_151 : i32 to index
          %swap3A_191 = arith.constant 32 : index
          %swap3A_192 = tpu.vector_load %arg10[%swap3A_190, %swap3A_191] {strides = array<i32>} : memref<128x128xf32, #tpu.memory_space<vmem>>, vector<16xf32>,
          tpu.vector_store %arg10[%swap3A_190, %swap3A_191], %add3A_189 {strides = array<i32>} : memref<128x128xf32, #tpu.memory_space<vmem>>, vector<16xf32>,
          %get3A_193 = arith.index_cast %scan3A_151 : i32 to index
          %get3A_194 = arith.constant 48 : index
          %get3A_195 = tpu.vector_load %arg10[%get3A_193, %get3A_194] {strides = array<i32>} : memref<128x128xf32, #tpu.memory_space<vmem>>, vector<16xf32>,
          %get3A_196 = arith.index_cast %scan3A_151 : i32 to index
          %get3A_197 = arith.constant 48 : index
          %get3A_198 = tpu.vector_load %arg11[%get3A_196, %get3A_197] {strides = array<i32>} : memref<128x128xf32, #tpu.memory_space<vmem>>, vector<16xf32>,
          %sub3A_199 = arith.subf %get3A_198, %get3A_195 : vector<16xf32>
          %mul3A_200 = arith.constant 8.000000e-01 : f32
          %mul3A_201 = vector.broadcast %mul3A_200 : f32 to vector<16xf32>
          %mul3A_202 = arith.mulf %mul3A_201, %sub3A_199 : vector<16xf32>
          %add3A_203 = arith.addf %get3A_195, %mul3A_202 : vector<16xf32>
          %swap3A_204 = arith.index_cast %scan3A_151 : i32 to index
          %swap3A_205 = arith.constant 48 : index
          %swap3A_206 = tpu.vector_load %arg10[%swap3A_204, %swap3A_205] {strides = array<i32>} : memref<128x128xf32, #tpu.memory_space<vmem>>, vector<16xf32>,
          tpu.vector_store %arg10[%swap3A_204, %swap3A_205], %add3A_203 {strides = array<i32>} : memref<128x128xf32, #tpu.memory_space<vmem>>, vector<16xf32>,
          %get3A_207 = arith.index_cast %scan3A_151 : i32 to index
          %get3A_208 = arith.constant 64 : index
          %get3A_209 = tpu.vector_load %arg10[%get3A_207, %get3A_208] {strides = array<i32>} : memref<128x128xf32, #tpu.memory_space<vmem>>, vector<16xf32>,
          %get3A_210 = arith.index_cast %scan3A_151 : i32 to index
          %get3A_211 = arith.constant 64 : index
          %get3A_212 = tpu.vector_load %arg11[%get3A_210, %get3A_211] {strides = array<i32>} : memref<128x128xf32, #tpu.memory_space<vmem>>, vector<16xf32>,
          %sub3A_213 = arith.subf %get3A_212, %get3A_209 : vector<16xf32>
          %mul3A_214 = arith.constant 8.000000e-01 : f32
          %mul3A_215 = vector.broadcast %mul3A_214 : f32 to vector<16xf32>
          %mul3A_216 = arith.mulf %mul3A_215, %sub3A_213 : vector<16xf32>
          %add3A_217 = arith.addf %get3A_209, %mul3A_216 : vector<16xf32>
          %swap3A_218 = arith.index_cast %scan3A_151 : i32 to index
          %swap3A_219 = arith.constant 64 : index
          %swap3A_220 = tpu.vector_load %arg10[%swap3A_218, %swap3A_219] {strides = array<i32>} : memref<128x128xf32, #tpu.memory_space<vmem>>, vector<16xf32>,
          tpu.vector_store %arg10[%swap3A_218, %swap3A_219], %add3A_217 {strides = array<i32>} : memref<128x128xf32, #tpu.memory_space<vmem>>, vector<16xf32>,
          %get3A_221 = arith.index_cast %scan3A_151 : i32 to index
          %get3A_222 = arith.constant 80 : index
          %get3A_223 = tpu.vector_load %arg10[%get3A_221, %get3A_222] {strides = array<i32>} : memref<128x128xf32, #tpu.memory_space<vmem>>, vector<16xf32>,
          %get3A_224 = arith.index_cast %scan3A_151 : i32 to index
          %get3A_225 = arith.constant 80 : index
          %get3A_226 = tpu.vector_load %arg11[%get3A_224, %get3A_225] {strides = array<i32>} : memref<128x128xf32, #tpu.memory_space<vmem>>, vector<16xf32>,
          %sub3A_227 = arith.subf %get3A_226, %get3A_223 : vector<16xf32>
          %mul3A_228 = arith.constant 8.000000e-01 : f32
          %mul3A_229 = vector.broadcast %mul3A_228 : f32 to vector<16xf32>
          %mul3A_230 = arith.mulf %mul3A_229, %sub3A_227 : vector<16xf32>
          %add3A_231 = arith.addf %get3A_223, %mul3A_230 : vector<16xf32>
          %swap3A_232 = arith.index_cast %scan3A_151 : i32 to index
          %swap3A_233 = arith.constant 80 : index
          %swap3A_234 = tpu.vector_load %arg10[%swap3A_232, %swap3A_233] {strides = array<i32>} : memref<128x128xf32, #tpu.memory_space<vmem>>, vector<16xf32>,
          tpu.vector_store %arg10[%swap3A_232, %swap3A_233], %add3A_231 {strides = array<i32>} : memref<128x128xf32, #tpu.memory_space<vmem>>, vector<16xf32>,
          %get3A_235 = arith.index_cast %scan3A_151 : i32 to index
          %get3A_236 = arith.constant 96 : index
          %get3A_237 = tpu.vector_load %arg10[%get3A_235, %get3A_236] {strides = array<i32>} : memref<128x128xf32, #tpu.memory_space<vmem>>, vector<16xf32>,
          %get3A_238 = arith.index_cast %scan3A_151 : i32 to index
          %get3A_239 = arith.constant 96 : index
          %get3A_240 = tpu.vector_load %arg11[%get3A_238, %get3A_239] {strides = array<i32>} : memref<128x128xf32, #tpu.memory_space<vmem>>, vector<16xf32>,
          %sub3A_241 = arith.subf %get3A_240, %get3A_237 : vector<16xf32>
          %mul3A_242 = arith.constant 8.000000e-01 : f32
          %mul3A_243 = vector.broadcast %mul3A_242 : f32 to vector<16xf32>
          %mul3A_244 = arith.mulf %mul3A_243, %sub3A_241 : vector<16xf32>
          %add3A_245 = arith.addf %get3A_237, %mul3A_244 : vector<16xf32>
          %swap3A_246 = arith.index_cast %scan3A_151 : i32 to index
          %swap3A_247 = arith.constant 96 : index
          %swap3A_248 = tpu.vector_load %arg10[%swap3A_246, %swap3A_247] {strides = array<i32>} : memref<128x128xf32, #tpu.memory_space<vmem>>, vector<16xf32>,
          tpu.vector_store %arg10[%swap3A_246, %swap3A_247], %add3A_245 {strides = array<i32>} : memref<128x128xf32, #tpu.memory_space<vmem>>, vector<16xf32>,
          %get3A_249 = arith.index_cast %scan3A_151 : i32 to index
          %get3A_250 = arith.constant 112 : index
          %get3A_251 = tpu.vector_load %arg10[%get3A_249, %get3A_250] {strides = array<i32>} : memref<128x128xf32, #tpu.memory_space<vmem>>, vector<16xf32>,
          %get3A_252 = arith.index_cast %scan3A_151 : i32 to index
          %get3A_253 = arith.constant 112 : index
          %get3A_254 = tpu.vector_load %arg11[%get3A_252, %get3A_253] {strides = array<i32>} : memref<128x128xf32, #tpu.memory_space<vmem>>, vector<16xf32>,
          %sub3A_255 = arith.subf %get3A_254, %get3A_251 : vector<16xf32>
          %mul3A_256 = arith.constant 8.000000e-01 : f32
          %mul3A_257 = vector.broadcast %mul3A_256 : f32 to vector<16xf32>
          %mul3A_258 = arith.mulf %mul3A_257, %sub3A_255 : vector<16xf32>
          %add3A_259 = arith.addf %get3A_251, %mul3A_258 : vector<16xf32>
          %swap3A_260 = arith.index_cast %scan3A_151 : i32 to index
          %swap3A_261 = arith.constant 112 : index
          %swap3A_262 = tpu.vector_load %arg10[%swap3A_260, %swap3A_261] {strides = array<i32>} : memref<128x128xf32, #tpu.memory_space<vmem>>, vector<16xf32>,
          tpu.vector_store %arg10[%swap3A_260, %swap3A_261], %add3A_259 {strides = array<i32>} : memref<128x128xf32, #tpu.memory_space<vmem>>, vector<16xf32>,
        }
        %scan3A_144 = arith.constant 128 : i32
        %dma_start3A_145 = arith.constant 0 : i32
        %dma_start3A_146 = tpu.memref_slice %arg8[%mul3A_108, %dma_start3A_145] : memref<25x128xi32, #tpu.memory_space<vmem>> -> memref<1x128xi32, #tpu.memory_space<vmem>>
        %dma_start3A_147 = tpu.memref_squeeze %dma_start3A_146 : memref<1x128xi32, #tpu.memory_space<vmem>> -> memref<128xi32, #tpu.memory_space<vmem>>
        %dma_start3A_148 = arith.constant 0 : i32
        %dma_start3A_149 = arith.constant 0 : i32
        %dma_start3A_150 = tpu.memref_slice %arg5[%dma_start3A_148, %dma_start3A_149] : memref<100000x128xf32, #tpu.memory_space<hbm>> -> memref<100000x128xf32, #tpu.memory_space<hbm>>
        tpu.enqueue_indirect_dma source(%arg10 : memref<128x128xf32, #tpu.memory_space<vmem>>) target(%dma_start3A_150 : memref<100000x128xf32, #tpu.memory_space<hbm>>) offsets(%dma_start3A_147 : memref<128xi32, #tpu.memory_space<vmem>>) semaphore(%arg16 : memref<!tpu.dma_semaphore, #tpu.memory_space<semaphore_mem>>)
      } else {
      }
      %add3A_112 = arith.constant 1 : i32
      %add3A_113 = arith.addi %mul3A_108, %add3A_112 : i32
      %lt3A_114 = arith.cmpi slt, %add3A_113, %shift_right_arithmetic3A_71 : i32
      %convert_element_type3A_115 = arith.extui %lt3A_114 : i1 to i32
      %cond3A_116 = arith.constant 0 : i32
      %cond3A_117 = arith.cmpi ne, %convert_element_type3A_115, %cond3A_116 : i32
      scf.if %cond3A_117 {
        %add3A_118 = arith.constant 1 : i32
        %add3A_119 = arith.addi %mul3A_108, %add3A_118 : i32
        %dma_wait3A = arith.constant 0 : i32
        %dma_wait3A_120 = tpu.memref_slice %arg8[%add3A_119, %dma_wait3A] : memref<25x128xi32, #tpu.memory_space<vmem>> -> memref<1x128xi32, #tpu.memory_space<vmem>>
        %dma_wait3A_121 = tpu.memref_squeeze %dma_wait3A_120 : memref<1x128xi32, #tpu.memory_space<vmem>> -> memref<128xi32, #tpu.memory_space<vmem>>
        %dma_wait3A_122 = arith.constant 0 : i32
        %dma_wait3A_123 = arith.constant 0 : i32
        %dma_wait3A_124 = tpu.memref_slice %arg2[%dma_wait3A_122, %dma_wait3A_123] : memref<100000x128xf32, #tpu.memory_space<hbm>> -> memref<100000x128xf32, #tpu.memory_space<hbm>>
        tpu.wait_indirect_dma semaphore(%arg15 : memref<!tpu.dma_semaphore, #tpu.memory_space<semaphore_mem>>) src(%dma_wait3A_124 : memref<100000x128xf32, #tpu.memory_space<hbm>>) dst(%arg12 : memref<128x128xf32, #tpu.memory_space<vmem>>)
        %dma_wait3A_125 = arith.constant 0 : i32
        %dma_wait3A_126 = tpu.memref_slice %arg9[%add3A_119, %dma_wait3A_125] : memref<25x128xi32, #tpu.memory_space<vmem>> -> memref<1x128xi32, #tpu.memory_space<vmem>>
        %dma_wait3A_127 = tpu.memref_squeeze %dma_wait3A_126 : memref<1x128xi32, #tpu.memory_space<vmem>> -> memref<128xi32, #tpu.memory_space<vmem>>
        %dma_wait3A_128 = arith.constant 0 : i32
        %dma_wait3A_129 = arith.constant 0 : i32
        %dma_wait3A_130 = tpu.memref_slice %arg4[%dma_wait3A_128, %dma_wait3A_129] : memref<50000x128xf32, #tpu.memory_space<hbm>> -> memref<50000x128xf32, #tpu.memory_space<hbm>>
        tpu.wait_indirect_dma semaphore(%arg15 : memref<!tpu.dma_semaphore, #tpu.memory_space<semaphore_mem>>) src(%dma_wait3A_130 : memref<50000x128xf32, #tpu.memory_space<hbm>>) dst(%arg13 : memref<128x128xf32, #tpu.memory_space<vmem>>)
        %ge3A = arith.constant 1 : i32
        %ge3A_131 = arith.cmpi sge, %add3A_119, %ge3A : i32
        %convert_element_type3A_132 = arith.extui %ge3A_131 : i1 to i32
        %cond3A_133 = arith.constant 0 : i32
        %cond3A_134 = arith.cmpi ne, %convert_element_type3A_132, %cond3A_133 : i32
        scf.if %cond3A_134 {
          %sub3A_153 = arith.constant 1 : i32
          %sub3A_154 = arith.subi %add3A_119, %sub3A_153 : i32
          %dma_wait3A_155 = arith.constant 0 : i32
          %dma_wait3A_156 = tpu.memref_slice %arg8[%sub3A_154, %dma_wait3A_155] : memref<25x128xi32, #tpu.memory_space<vmem>> -> memref<1x128xi32, #tpu.memory_space<vmem>>
          %dma_wait3A_157 = tpu.memref_squeeze %dma_wait3A_156 : memref<1x128xi32, #tpu.memory_space<vmem>> -> memref<128xi32, #tpu.memory_space<vmem>>
          %dma_wait3A_158 = arith.constant 0 : i32
          %dma_wait3A_159 = arith.constant 0 : i32
          %dma_wait3A_160 = tpu.memref_slice %arg5[%dma_wait3A_158, %dma_wait3A_159] : memref<100000x128xf32, #tpu.memory_space<hbm>> -> memref<100000x128xf32, #tpu.memory_space<hbm>>
          tpu.wait_indirect_dma semaphore(%arg16 : memref<!tpu.dma_semaphore, #tpu.memory_space<semaphore_mem>>) src(%arg10 : memref<128x128xf32, #tpu.memory_space<vmem>>) dst(%dma_wait3A_160 : memref<100000x128xf32, #tpu.memory_space<hbm>>)
        } else {
        }
        %add3A_135 = arith.constant 1 : i32
        %add3A_136 = arith.addi %add3A_119, %add3A_135 : i32
        %lt3A_137 = arith.cmpi slt, %add3A_136, %shift_right_arithmetic3A_71 : i32
        %convert_element_type3A_138 = arith.extui %lt3A_137 : i1 to i32
        %cond3A_139 = arith.constant 0 : i32
        %cond3A_140 = arith.cmpi ne, %convert_element_type3A_138, %cond3A_139 : i32
        scf.if %cond3A_140 {
          %add3A_153 = arith.constant 1 : i32
          %add3A_154 = arith.addi %add3A_119, %add3A_153 : i32
          %dma_start3A_155 = arith.constant 0 : i32
          %dma_start3A_156 = tpu.memref_slice %arg8[%add3A_154, %dma_start3A_155] : memref<25x128xi32, #tpu.memory_space<vmem>> -> memref<1x128xi32, #tpu.memory_space<vmem>>
          %dma_start3A_157 = tpu.memref_squeeze %dma_start3A_156 : memref<1x128xi32, #tpu.memory_space<vmem>> -> memref<128xi32, #tpu.memory_space<vmem>>
          %dma_start3A_158 = arith.constant 0 : i32
          %dma_start3A_159 = arith.constant 0 : i32
          %dma_start3A_160 = tpu.memref_slice %arg2[%dma_start3A_158, %dma_start3A_159] : memref<100000x128xf32, #tpu.memory_space<hbm>> -> memref<100000x128xf32, #tpu.memory_space<hbm>>
          tpu.enqueue_indirect_dma source(%dma_start3A_160 : memref<100000x128xf32, #tpu.memory_space<hbm>>) target(%arg10 : memref<128x128xf32, #tpu.memory_space<vmem>>) offsets(%dma_start3A_157 : memref<128xi32, #tpu.memory_space<vmem>>) semaphore(%arg15 : memref<!tpu.dma_semaphore, #tpu.memory_space<semaphore_mem>>)
          %dma_start3A_161 = arith.constant 0 : i32
          %dma_start3A_162 = tpu.memref_slice %arg9[%add3A_154, %dma_start3A_161] : memref<25x128xi32, #tpu.memory_space<vmem>> -> memref<1x128xi32, #tpu.memory_space<vmem>>
          %dma_start3A_163 = tpu.memref_squeeze %dma_start3A_162 : memref<1x128xi32, #tpu.memory_space<vmem>> -> memref<128xi32, #tpu.memory_space<vmem>>
          %dma_start3A_164 = arith.constant 0 : i32
          %dma_start3A_165 = arith.constant 0 : i32
          %dma_start3A_166 = tpu.memref_slice %arg4[%dma_start3A_164, %dma_start3A_165] : memref<50000x128xf32, #tpu.memory_space<hbm>> -> memref<50000x128xf32, #tpu.memory_space<hbm>>
          tpu.enqueue_indirect_dma source(%dma_start3A_166 : memref<50000x128xf32, #tpu.memory_space<hbm>>) target(%arg11 : memref<128x128xf32, #tpu.memory_space<vmem>>) offsets(%dma_start3A_163 : memref<128xi32, #tpu.memory_space<vmem>>) semaphore(%arg15 : memref<!tpu.dma_semaphore, #tpu.memory_space<semaphore_mem>>)
        } else {
        }
        %scan3A_141 = arith.constant 0 : i32
        %scan3A_142 = arith.constant 0 : i32
        %scan3A_143 = arith.constant 128 : i32
        %scan3A_144 = arith.addi %scan3A_142, %scan3A_143 : i32
        %scan3A_145 = arith.constant 1 : i32
        scf.for %scan3A_153 = %scan3A_142 to %scan3A_144 step %scan3A_145  : i32 {
          %get3A_154 = arith.index_cast %scan3A_153 : i32 to index
          %get3A_155 = arith.constant 0 : index
          %get3A_156 = tpu.vector_load %arg12[%get3A_154, %get3A_155] {strides = array<i32>} : memref<128x128xf32, #tpu.memory_space<vmem>>, vector<16xf32>,
          %get3A_157 = arith.index_cast %scan3A_153 : i32 to index
          %get3A_158 = arith.constant 0 : index
          %get3A_159 = tpu.vector_load %arg13[%get3A_157, %get3A_158] {strides = array<i32>} : memref<128x128xf32, #tpu.memory_space<vmem>>, vector<16xf32>,
          %sub3A_160 = arith.subf %get3A_159, %get3A_156 : vector<16xf32>
          %mul3A_161 = arith.constant 8.000000e-01 : f32
          %mul3A_162 = vector.broadcast %mul3A_161 : f32 to vector<16xf32>
          %mul3A_163 = arith.mulf %mul3A_162, %sub3A_160 : vector<16xf32>
          %add3A_164 = arith.addf %get3A_156, %mul3A_163 : vector<16xf32>
          %swap3A = arith.index_cast %scan3A_153 : i32 to index
          %swap3A_165 = arith.constant 0 : index
          %swap3A_166 = tpu.vector_load %arg12[%swap3A, %swap3A_165] {strides = array<i32>} : memref<128x128xf32, #tpu.memory_space<vmem>>, vector<16xf32>,
          tpu.vector_store %arg12[%swap3A, %swap3A_165], %add3A_164 {strides = array<i32>} : memref<128x128xf32, #tpu.memory_space<vmem>>, vector<16xf32>,
          %get3A_167 = arith.index_cast %scan3A_153 : i32 to index
          %get3A_168 = arith.constant 16 : index
          %get3A_169 = tpu.vector_load %arg12[%get3A_167, %get3A_168] {strides = array<i32>} : memref<128x128xf32, #tpu.memory_space<vmem>>, vector<16xf32>,
          %get3A_170 = arith.index_cast %scan3A_153 : i32 to index
          %get3A_171 = arith.constant 16 : index
          %get3A_172 = tpu.vector_load %arg13[%get3A_170, %get3A_171] {strides = array<i32>} : memref<128x128xf32, #tpu.memory_space<vmem>>, vector<16xf32>,
          %sub3A_173 = arith.subf %get3A_172, %get3A_169 : vector<16xf32>
          %mul3A_174 = arith.constant 8.000000e-01 : f32
          %mul3A_175 = vector.broadcast %mul3A_174 : f32 to vector<16xf32>
          %mul3A_176 = arith.mulf %mul3A_175, %sub3A_173 : vector<16xf32>
          %add3A_177 = arith.addf %get3A_169, %mul3A_176 : vector<16xf32>
          %swap3A_178 = arith.index_cast %scan3A_153 : i32 to index
          %swap3A_179 = arith.constant 16 : index
          %swap3A_180 = tpu.vector_load %arg12[%swap3A_178, %swap3A_179] {strides = array<i32>} : memref<128x128xf32, #tpu.memory_space<vmem>>, vector<16xf32>,
          tpu.vector_store %arg12[%swap3A_178, %swap3A_179], %add3A_177 {strides = array<i32>} : memref<128x128xf32, #tpu.memory_space<vmem>>, vector<16xf32>,
          %get3A_181 = arith.index_cast %scan3A_153 : i32 to index
          %get3A_182 = arith.constant 32 : index
          %get3A_183 = tpu.vector_load %arg12[%get3A_181, %get3A_182] {strides = array<i32>} : memref<128x128xf32, #tpu.memory_space<vmem>>, vector<16xf32>,
          %get3A_184 = arith.index_cast %scan3A_153 : i32 to index
          %get3A_185 = arith.constant 32 : index
          %get3A_186 = tpu.vector_load %arg13[%get3A_184, %get3A_185] {strides = array<i32>} : memref<128x128xf32, #tpu.memory_space<vmem>>, vector<16xf32>,
          %sub3A_187 = arith.subf %get3A_186, %get3A_183 : vector<16xf32>
          %mul3A_188 = arith.constant 8.000000e-01 : f32
          %mul3A_189 = vector.broadcast %mul3A_188 : f32 to vector<16xf32>
          %mul3A_190 = arith.mulf %mul3A_189, %sub3A_187 : vector<16xf32>
          %add3A_191 = arith.addf %get3A_183, %mul3A_190 : vector<16xf32>
          %swap3A_192 = arith.index_cast %scan3A_153 : i32 to index
          %swap3A_193 = arith.constant 32 : index
          %swap3A_194 = tpu.vector_load %arg12[%swap3A_192, %swap3A_193] {strides = array<i32>} : memref<128x128xf32, #tpu.memory_space<vmem>>, vector<16xf32>,
          tpu.vector_store %arg12[%swap3A_192, %swap3A_193], %add3A_191 {strides = array<i32>} : memref<128x128xf32, #tpu.memory_space<vmem>>, vector<16xf32>,
          %get3A_195 = arith.index_cast %scan3A_153 : i32 to index
          %get3A_196 = arith.constant 48 : index
          %get3A_197 = tpu.vector_load %arg12[%get3A_195, %get3A_196] {strides = array<i32>} : memref<128x128xf32, #tpu.memory_space<vmem>>, vector<16xf32>,
          %get3A_198 = arith.index_cast %scan3A_153 : i32 to index
          %get3A_199 = arith.constant 48 : index
          %get3A_200 = tpu.vector_load %arg13[%get3A_198, %get3A_199] {strides = array<i32>} : memref<128x128xf32, #tpu.memory_space<vmem>>, vector<16xf32>,
          %sub3A_201 = arith.subf %get3A_200, %get3A_197 : vector<16xf32>
          %mul3A_202 = arith.constant 8.000000e-01 : f32
          %mul3A_203 = vector.broadcast %mul3A_202 : f32 to vector<16xf32>
          %mul3A_204 = arith.mulf %mul3A_203, %sub3A_201 : vector<16xf32>
          %add3A_205 = arith.addf %get3A_197, %mul3A_204 : vector<16xf32>
          %swap3A_206 = arith.index_cast %scan3A_153 : i32 to index
          %swap3A_207 = arith.constant 48 : index
          %swap3A_208 = tpu.vector_load %arg12[%swap3A_206, %swap3A_207] {strides = array<i32>} : memref<128x128xf32, #tpu.memory_space<vmem>>, vector<16xf32>,
          tpu.vector_store %arg12[%swap3A_206, %swap3A_207], %add3A_205 {strides = array<i32>} : memref<128x128xf32, #tpu.memory_space<vmem>>, vector<16xf32>,
          %get3A_209 = arith.index_cast %scan3A_153 : i32 to index
          %get3A_210 = arith.constant 64 : index
          %get3A_211 = tpu.vector_load %arg12[%get3A_209, %get3A_210] {strides = array<i32>} : memref<128x128xf32, #tpu.memory_space<vmem>>, vector<16xf32>,
          %get3A_212 = arith.index_cast %scan3A_153 : i32 to index
          %get3A_213 = arith.constant 64 : index
          %get3A_214 = tpu.vector_load %arg13[%get3A_212, %get3A_213] {strides = array<i32>} : memref<128x128xf32, #tpu.memory_space<vmem>>, vector<16xf32>,
          %sub3A_215 = arith.subf %get3A_214, %get3A_211 : vector<16xf32>
          %mul3A_216 = arith.constant 8.000000e-01 : f32
          %mul3A_217 = vector.broadcast %mul3A_216 : f32 to vector<16xf32>
          %mul3A_218 = arith.mulf %mul3A_217, %sub3A_215 : vector<16xf32>
          %add3A_219 = arith.addf %get3A_211, %mul3A_218 : vector<16xf32>
          %swap3A_220 = arith.index_cast %scan3A_153 : i32 to index
          %swap3A_221 = arith.constant 64 : index
          %swap3A_222 = tpu.vector_load %arg12[%swap3A_220, %swap3A_221] {strides = array<i32>} : memref<128x128xf32, #tpu.memory_space<vmem>>, vector<16xf32>,
          tpu.vector_store %arg12[%swap3A_220, %swap3A_221], %add3A_219 {strides = array<i32>} : memref<128x128xf32, #tpu.memory_space<vmem>>, vector<16xf32>,
          %get3A_223 = arith.index_cast %scan3A_153 : i32 to index
          %get3A_224 = arith.constant 80 : index
          %get3A_225 = tpu.vector_load %arg12[%get3A_223, %get3A_224] {strides = array<i32>} : memref<128x128xf32, #tpu.memory_space<vmem>>, vector<16xf32>,
          %get3A_226 = arith.index_cast %scan3A_153 : i32 to index
          %get3A_227 = arith.constant 80 : index
          %get3A_228 = tpu.vector_load %arg13[%get3A_226, %get3A_227] {strides = array<i32>} : memref<128x128xf32, #tpu.memory_space<vmem>>, vector<16xf32>,
          %sub3A_229 = arith.subf %get3A_228, %get3A_225 : vector<16xf32>
          %mul3A_230 = arith.constant 8.000000e-01 : f32
          %mul3A_231 = vector.broadcast %mul3A_230 : f32 to vector<16xf32>
          %mul3A_232 = arith.mulf %mul3A_231, %sub3A_229 : vector<16xf32>
          %add3A_233 = arith.addf %get3A_225, %mul3A_232 : vector<16xf32>
          %swap3A_234 = arith.index_cast %scan3A_153 : i32 to index
          %swap3A_235 = arith.constant 80 : index
          %swap3A_236 = tpu.vector_load %arg12[%swap3A_234, %swap3A_235] {strides = array<i32>} : memref<128x128xf32, #tpu.memory_space<vmem>>, vector<16xf32>,
          tpu.vector_store %arg12[%swap3A_234, %swap3A_235], %add3A_233 {strides = array<i32>} : memref<128x128xf32, #tpu.memory_space<vmem>>, vector<16xf32>,
          %get3A_237 = arith.index_cast %scan3A_153 : i32 to index
          %get3A_238 = arith.constant 96 : index
          %get3A_239 = tpu.vector_load %arg12[%get3A_237, %get3A_238] {strides = array<i32>} : memref<128x128xf32, #tpu.memory_space<vmem>>, vector<16xf32>,
          %get3A_240 = arith.index_cast %scan3A_153 : i32 to index
          %get3A_241 = arith.constant 96 : index
          %get3A_242 = tpu.vector_load %arg13[%get3A_240, %get3A_241] {strides = array<i32>} : memref<128x128xf32, #tpu.memory_space<vmem>>, vector<16xf32>,
          %sub3A_243 = arith.subf %get3A_242, %get3A_239 : vector<16xf32>
          %mul3A_244 = arith.constant 8.000000e-01 : f32
          %mul3A_245 = vector.broadcast %mul3A_244 : f32 to vector<16xf32>
          %mul3A_246 = arith.mulf %mul3A_245, %sub3A_243 : vector<16xf32>
          %add3A_247 = arith.addf %get3A_239, %mul3A_246 : vector<16xf32>
          %swap3A_248 = arith.index_cast %scan3A_153 : i32 to index
          %swap3A_249 = arith.constant 96 : index
          %swap3A_250 = tpu.vector_load %arg12[%swap3A_248, %swap3A_249] {strides = array<i32>} : memref<128x128xf32, #tpu.memory_space<vmem>>, vector<16xf32>,
          tpu.vector_store %arg12[%swap3A_248, %swap3A_249], %add3A_247 {strides = array<i32>} : memref<128x128xf32, #tpu.memory_space<vmem>>, vector<16xf32>,
          %get3A_251 = arith.index_cast %scan3A_153 : i32 to index
          %get3A_252 = arith.constant 112 : index
          %get3A_253 = tpu.vector_load %arg12[%get3A_251, %get3A_252] {strides = array<i32>} : memref<128x128xf32, #tpu.memory_space<vmem>>, vector<16xf32>,
          %get3A_254 = arith.index_cast %scan3A_153 : i32 to index
          %get3A_255 = arith.constant 112 : index
          %get3A_256 = tpu.vector_load %arg13[%get3A_254, %get3A_255] {strides = array<i32>} : memref<128x128xf32, #tpu.memory_space<vmem>>, vector<16xf32>,
          %sub3A_257 = arith.subf %get3A_256, %get3A_253 : vector<16xf32>
          %mul3A_258 = arith.constant 8.000000e-01 : f32
          %mul3A_259 = vector.broadcast %mul3A_258 : f32 to vector<16xf32>
          %mul3A_260 = arith.mulf %mul3A_259, %sub3A_257 : vector<16xf32>
          %add3A_261 = arith.addf %get3A_253, %mul3A_260 : vector<16xf32>
          %swap3A_262 = arith.index_cast %scan3A_153 : i32 to index
          %swap3A_263 = arith.constant 112 : index
          %swap3A_264 = tpu.vector_load %arg12[%swap3A_262, %swap3A_263] {strides = array<i32>} : memref<128x128xf32, #tpu.memory_space<vmem>>, vector<16xf32>,
          tpu.vector_store %arg12[%swap3A_262, %swap3A_263], %add3A_261 {strides = array<i32>} : memref<128x128xf32, #tpu.memory_space<vmem>>, vector<16xf32>,
        }
        %scan3A_146 = arith.constant 128 : i32
        %dma_start3A_147 = arith.constant 0 : i32
        %dma_start3A_148 = tpu.memref_slice %arg8[%add3A_119, %dma_start3A_147] : memref<25x128xi32, #tpu.memory_space<vmem>> -> memref<1x128xi32, #tpu.memory_space<vmem>>
        %dma_start3A_149 = tpu.memref_squeeze %dma_start3A_148 : memref<1x128xi32, #tpu.memory_space<vmem>> -> memref<128xi32, #tpu.memory_space<vmem>>
        %dma_start3A_150 = arith.constant 0 : i32
        %dma_start3A_151 = arith.constant 0 : i32
        %dma_start3A_152 = tpu.memref_slice %arg5[%dma_start3A_150, %dma_start3A_151] : memref<100000x128xf32, #tpu.memory_space<hbm>> -> memref<100000x128xf32, #tpu.memory_space<hbm>>
        tpu.enqueue_indirect_dma source(%arg12 : memref<128x128xf32, #tpu.memory_space<vmem>>) target(%dma_start3A_152 : memref<100000x128xf32, #tpu.memory_space<hbm>>) offsets(%dma_start3A_149 : memref<128xi32, #tpu.memory_space<vmem>>) semaphore(%arg16 : memref<!tpu.dma_semaphore, #tpu.memory_space<semaphore_mem>>)
      } else {
      }
    }
    %and3A = arith.constant 1 : i32
    %and3A_90 = arith.andi %shift_right_arithmetic3A_71, %and3A : i32
    %eq3A_91 = arith.constant 1 : i32
    %eq3A_92 = arith.cmpi eq, %and3A_90, %eq3A_91 : i32
    %convert_element_type3A_93 = arith.extui %eq3A_92 : i1 to i32
    %cond3A_94 = arith.constant 0 : i32
    %cond3A_95 = arith.cmpi ne, %convert_element_type3A_93, %cond3A_94 : i32
    scf.if %cond3A_95 {
      %sub3A_106 = arith.constant 1 : i32
      %sub3A_107 = arith.subi %shift_right_arithmetic3A_71, %sub3A_106 : i32
      %dma_wait3A = arith.constant 0 : i32
      %dma_wait3A_108 = tpu.memref_slice %arg8[%sub3A_107, %dma_wait3A] : memref<25x128xi32, #tpu.memory_space<vmem>> -> memref<1x128xi32, #tpu.memory_space<vmem>>
      %dma_wait3A_109 = tpu.memref_squeeze %dma_wait3A_108 : memref<1x128xi32, #tpu.memory_space<vmem>> -> memref<128xi32, #tpu.memory_space<vmem>>
      %dma_wait3A_110 = arith.constant 0 : i32
      %dma_wait3A_111 = arith.constant 0 : i32
      %dma_wait3A_112 = tpu.memref_slice %arg5[%dma_wait3A_110, %dma_wait3A_111] : memref<100000x128xf32, #tpu.memory_space<hbm>> -> memref<100000x128xf32, #tpu.memory_space<hbm>>
      tpu.wait_indirect_dma semaphore(%arg16 : memref<!tpu.dma_semaphore, #tpu.memory_space<semaphore_mem>>) src(%arg10 : memref<128x128xf32, #tpu.memory_space<vmem>>) dst(%dma_wait3A_112 : memref<100000x128xf32, #tpu.memory_space<hbm>>)
    } else {
    }
    %gt3A_96 = arith.constant 0 : i32
    %gt3A_97 = arith.cmpi sgt, %shift_right_arithmetic3A_71, %gt3A_96 : i32
    %and3A_98 = arith.constant 1 : i32
    %and3A_99 = arith.andi %shift_right_arithmetic3A_71, %and3A_98 : i32
    %eq3A_100 = arith.constant 0 : i32
    %eq3A_101 = arith.cmpi eq, %and3A_99, %eq3A_100 : i32
    %and3A_102 = arith.andi %gt3A_97, %eq3A_101 : i1
    %convert_element_type3A_103 = arith.extui %and3A_102 : i1 to i32
    %cond3A_104 = arith.constant 0 : i32
    %cond3A_105 = arith.cmpi ne, %convert_element_type3A_103, %cond3A_104 : i32
    scf.if %cond3A_105 {
      %sub3A_106 = arith.constant 1 : i32
      %sub3A_107 = arith.subi %shift_right_arithmetic3A_71, %sub3A_106 : i32
      %dma_wait3A = arith.constant 0 : i32
      %dma_wait3A_108 = tpu.memref_slice %arg8[%sub3A_107, %dma_wait3A] : memref<25x128xi32, #tpu.memory_space<vmem>> -> memref<1x128xi32, #tpu.memory_space<vmem>>
      %dma_wait3A_109 = tpu.memref_squeeze %dma_wait3A_108 : memref<1x128xi32, #tpu.memory_space<vmem>> -> memref<128xi32, #tpu.memory_space<vmem>>
      %dma_wait3A_110 = arith.constant 0 : i32
      %dma_wait3A_111 = arith.constant 0 : i32
      %dma_wait3A_112 = tpu.memref_slice %arg5[%dma_wait3A_110, %dma_wait3A_111] : memref<100000x128xf32, #tpu.memory_space<hbm>> -> memref<100000x128xf32, #tpu.memory_space<hbm>>
      tpu.wait_indirect_dma semaphore(%arg16 : memref<!tpu.dma_semaphore, #tpu.memory_space<semaphore_mem>>) src(%arg12 : memref<128x128xf32, #tpu.memory_space<vmem>>) dst(%dma_wait3A_112 : memref<100000x128xf32, #tpu.memory_space<hbm>>)
    } else {
    }
    return
  }
}

</mosaic_0001>

<sc_bundles>
// kernel: kernel.3.cloned.1.call-start
scs
__scs_entry_jumppad:
0x0: {  	(pc) =	sbr.rel $0x88, $3  }
0x1: {  	(tag) =	ssettag $0x0;
	lr =	simm.s32 $0x1  }
0x2: {  	[smem:$0x3F9E] =	sst lr;
	_ =	strace $0xD0000000  }
0x3: {  	_ = 	snop  }
0x4: {  	_ = 	snop  }
0x5: {  	_ = 	snop  }
0x6: {  	_ = 	snop  }
0x7: {  	_ = 	snop  }
__scs_overlays_trampoline_lowered:
0x8: {  	[smem:$0x3FAD] =	sst s0  }
0x9: {  	[smem:$0x3FAE] =	sst s1  }
0xa: {  	[smem:$0x3FAF] =	sst s2  }
0xb: {  	[smem:$0x3FB0] =	sst s3  }
0xc: {  	[smem:$0x3FB1] =	sst s4  }
0xd: {  	[smem:$0x3FB2] =	sst s5  }
0xe: {  	[smem:$0x3FB3] =	sst s6  }
0xf: {  	[smem:$0x3FB4] =	sst s7  }
0x10: {  	[smem:$0x3FB5] =	sst s8  }
0x11: {  	[smem:$0x3FB6] =	sst s9;
	s0 =	simm.s32 @!p0 $0x0  }
0x12: {  	s1 =	sld [smem:$0x3F9C];
	s0 =	simm.s32 @p0 $0x1  }
0x13: {  	[smem:$0x3FB7] =	sst s0;
	s0 =	simm.s32 @!p1 $0x0  }
0x14: {  	s2 =	sld [smem:$0x3F9B];
	s0 =	simm.s32 @p1 $0x1  }
0x15: {  	[smem:$0x3FB8] =	sst s0;
	s0 =	simm.s32 @!p2 $0x0  }
0x16: {  	s3 =	sld [smem:$0x3FDB];
	s0 =	simm.s32 @p2 $0x1  }
0x17: {  	s4 =	simm.s32 $0x1BF5;
	[smem:$0x3FBA] =	sst s0  }
0x18: {  	s0 =	sld [smem:$0x3F9D];
	_ =	swait.ge [sflag:s4], $0x0  }
0x19: {  	s7 =	sld [smem:$0x3F9E]  }
0x1a: {  	s8 =	sadd.s32 $0xFFFFE003, lr  }
0x1b: {  	s9 =	sadd.s32 $0xFFFFFEF7, lr;
	s5 =	simm.s32 $0xFFFFFFFF;
	p2 =	slt.u32 s8, $0xFFFFF086  }
0x1c: {  	p1 =	slt.u32 s9, $0xF7A;
	s5 =	simm.s32 @!p2 $0x0  }
0x1d: {  	s5 =	simm.s32 @p1 $0x1;
	p0 =	seq.s32 s7, s2  }
0x1e: {  	s7 =	smul.u32 @!p0 $0xF7A, s2;
	p2 =	seq.s32 @!p0 s5, $0x0  }
0x1f: {  	s9 =	smul.u32 $0xF7A, s1;
	s8 =	simm.s32 @!p0 $0x1BF5;
	p2 =	por !p2, p0  }
0x20: {  	[sflag:s8] =	ssyncset.s32 @!p0 $0xFFFFF086;
	s6 =	sadd.s32 @!p0 s3, s7;
	s7 =	simm.s32 @!p0 $0x108  }
0x21: {  	s3 =	sadd.s32 s3, s9;
	s6 =	sadd.s32 @!p0 $0x88, s6;
	s7 =	simm.s32 @p2 $0x1082  }
0x22: {  	[simem:s7], [sflag:s8] =	dma.local @!p0 [hbm:s6], $0xF7A  }
0x23: {  	s9 =	sor.u32 $0xD0000000, s2;
	s6 =	simm.s32 $0x108;
	_ =	swait.ge @!p0 [sflag:s8], $0x0  }
0x24: {  	s3 =	sadd.s32 $0x88, s3;
	s6 =	simm.s32 @!p1 $0x1082;
	[sflag:s4] =	ssyncset.s32 $0xFFFFF086  }
0x25: {  	[simem:s6], [sflag:s4] =	dma.local [hbm:s3], $0xF7A  }
0x26: {  	[smem:$0x3F9E] =	sst s1;
	(tag) =	ssettag s2;
	_ =	strace s9  }
0x27: {  	s1 =	sld [smem:$0x3FAE]  }
0x28: {  	s2 =	sld [smem:$0x3FAF]  }
0x29: {  	s4 =	sld [smem:$0x3FB1]  }
0x2a: {  	p0 =	seq.s32 s5, $0x0;
	s5 =	sld [smem:$0x3FB2]  }
0x2b: {  	s6 =	sld [smem:$0x3FB3]  }
0x2c: {  	s7 =	sld [smem:$0x3FB4]  }
0x2d: {  	s3 =	simm.s32 $0x108;
	s8 =	sld [smem:$0x3FB5]  }
0x2e: {  	s3 =	simm.s32 @!p0 $0x1082;
	s9 =	sld [smem:$0x3FB6]  }
0x2f: {  	lr =	sadd.s32 s0, s3;
	s0 =	sld [smem:$0x3FAD]  }
0x30: {  	s3 =	sld [smem:$0x3FB0]  }
0x31: {  	[smem:$0x3FB9] =	sst s10  }
0x32: {  	s10 =	sld [smem:$0x3FB7];
	_ =	sdelay $0x3  }
0x33: {  	p0 =	seq.s32 s10, $0x1;
	s10 =	sld [smem:$0x3FB9];
	_ =	sdelay $0x3  }
0x34: {  	[smem:$0x3FB9] =	sst s10  }
0x35: {  	s10 =	sld [smem:$0x3FB8];
	_ =	sdelay $0x3  }
0x36: {  	p1 =	seq.s32 s10, $0x1;
	s10 =	sld [smem:$0x3FB9];
	_ =	sdelay $0x3  }
0x37: {  	[smem:$0x3FB9] =	sst s10  }
0x38: {  	s10 =	sld [smem:$0x3FBA]  }
0x39: {  	_ = 	snop;
	(pc) =	sbr.ind lr, $3  }
0x3a: {  	_ = 	snop  }
0x3b: {  	_ = 	snop  }
0x3c: {  	p2 =	seq.s32 s10, $0x1;
	s10 =	sld [smem:$0x3FB9]  }
0x3d: {  	_ =	shalt  }
0x3e: {  	_ =	shalt  }
0x3f: {  	_ =	shalt  }
0x40: {  	_ =	shalt  }
0x41: {  	_ =	shalt  }
0x42: {  	_ =	shalt  }
0x43: {  	_ =	shalt  }
0x44: {  	_ =	shalt  }
0x45: {  	_ =	shalt  }
0x46: {  	_ =	shalt  }
0x47: {  	_ =	shalt  }
0x48: {  	_ =	shalt  }
0x49: {  	_ =	shalt  }
0x4a: {  	_ =	shalt  }
0x4b: {  	_ =	shalt  }
0x4c: {  	_ =	shalt  }
0x4d: {  	_ =	shalt  }
0x4e: {  	_ =	shalt  }
0x4f: {  	_ =	shalt  }
0x50: {  	_ =	shalt  }
0x51: {  	_ =	shalt  }
0x52: {  	_ =	shalt  }
0x53: {  	_ =	shalt  }
0x54: {  	_ =	shalt  }
0x55: {  	_ =	shalt  }
0x56: {  	_ =	shalt  }
0x57: {  	_ =	shalt  }
0x58: {  	_ =	shalt  }
0x59: {  	_ =	shalt  }
0x5a: {  	_ =	shalt  }
0x5b: {  	_ =	shalt  }
0x5c: {  	_ =	shalt  }
0x5d: {  	_ =	shalt  }
0x5e: {  	_ =	shalt  }
0x5f: {  	_ =	shalt  }
0x60: {  	_ =	shalt  }
0x61: {  	_ =	shalt  }
0x62: {  	_ =	shalt  }
0x63: {  	_ =	shalt  }
0x64: {  	_ =	shalt  }
0x65: {  	_ =	shalt  }
0x66: {  	_ =	shalt  }
0x67: {  	_ =	shalt  }
0x68: {  	_ =	shalt  }
0x69: {  	_ =	shalt  }
0x6a: {  	_ =	shalt  }
0x6b: {  	_ =	shalt  }
0x6c: {  	_ =	shalt  }
0x6d: {  	_ =	shalt  }
0x6e: {  	_ =	shalt  }
0x6f: {  	_ =	shalt  }
0x70: {  	_ =	shalt  }
0x71: {  	_ =	shalt  }
0x72: {  	_ =	shalt  }
0x73: {  	_ =	shalt  }
0x74: {  	_ =	shalt  }
0x75: {  	_ =	shalt  }
0x76: {  	_ =	shalt  }
0x77: {  	_ =	shalt  }
0x78: {  	_ =	shalt  }
0x79: {  	_ =	shalt  }
0x7a: {  	_ =	shalt  }
0x7b: {  	_ =	shalt  }
0x7c: {  	_ =	shalt  }
0x7d: {  	_ =	shalt  }
0x7e: {  	_ =	shalt  }
0x7f: {  	_ =	shalt  }
0x80: {  	_ =	shalt  }
0x81: {  	_ =	shalt  }
0x82: {  	_ =	shalt  }
0x83: {  	_ =	shalt  }
0x84: {  	_ =	shalt  }
0x85: {  	_ =	shalt  }
0x86: {  	_ =	shalt  }
0x87: {  	_ =	shalt  }
.Lfunc_end0:
.L_simem_size_0:
called_computation_lowered:
.L_overlay_start_0:
0x88: {  	s2 =	sld [smem:$0x3FD9]  }
0x89: {  	s3 =	sld [smem:$0x3FFE];
	_ =	sdelay $0x1  }
0x8a: {  	s1 =	srdreg.scid  }
0x8b: {  	s0 =	sand.u32 $0x1, s1  }
0x8c: {  	s18 =	sshll.u32 s0, $0xA;
	s2 =	sadd.s32 s3, s2  }
0x8d: {  	s2 =	sadd.s32 s2, s18  }
0x8e: {  	[smem:$0x3FC5] =	sst s2  }
0x8f: {  	_ = 	snop  }
0x90: {  	s2 =	sld [smem:$0x3FC9]  }
0x91: {  	s19 =	sld [smem:$0x3FC8]  }
0x92: {  	s4 =	sld [smem:$0x3FC7]  }
0x93: {  	s5 =	sld [smem:$0x3FD0];
	(tm) =	ssettm $0x1  }
0x94: {  	s6 =	sld [smem:$0x3FFB];
	_ =	sdelay $0x3  }
0x95: {  	_ =	strace s6  }
0x96: {  	s6 =	sld [smem:$0x3FFC];
	_ =	sdelay $0x3  }
0x97: {  	_ =	strace s6  }
0x98: {  	s6 =	sld [smem:$0x3FFD];
	_ =	sdelay $0x3  }
0x99: {  	_ =	strace s6  }
0x9a: {  	_ =	strace $0x8FFFFFFF  }
0x9b: {  	s20 =	sld [smem:$0x3FDB];
	_ =	sdelay $0x1  }
0x9c: {  	s7 =	simm.s32 $_scs_section_size  }
0x9d: {  	s8 =	simm.s32 $_size__tile_overlayer_lowered;
	s9 =	simm.s32 $_tile_overlayer_lowered  }
0x9e: {  	s23 =	simm.s32 $0x1BFF;
	s22 =	sshll.u32 s9, $0x1;
	s6 =	sadd.s32 s7, s20  }
0x9f: {  	s10 =	simm.s32 $0x0;
	s21 =	sshll.u32 s8, $0x1;
	s8 =	sadd.s32 s22, s6  }
0xa0: {  	[timem:s10], [sflag:s23] =	dma.local [hbm:s8], s21  }
0xa1: {  	_ =	swait.ge [sflag:s23], s21  }
0xa2: {  	s7 =	ssub.s32 $0x0, s21;
	[sflag:s23] =	ssyncset.done $0x0  }
0xa3: {  	[sflag:s23] =	ssyncadd.s32 s7;
	_ =	sdelay $0x1  }
0xa4: {  	s24 =	simm.s32 $0x1B8B  }
0xa5: {  	_ =	swait.ge [sflag:s24], $0x1  }
0xa6: {  	[sflag:s24] =	ssyncset.done $0x0  }
0xa7: {  	s25 =	simm.s32 $0x1B8E;
	[sflag:s24] =	ssyncadd.s32 $0xFFFFFFFF  }
0xa8: {  	s26 =	simm.s32 $execute0_lowered;
	[smem:$0x3FD2] =	sst s25  }
0xa9: {  	s7 =	sshll.u32 s26, $0x1;
	_ =	strace $0x80000046;
	[dreg:$0x1] =	wrdreg $0xFFFFFFFF  }
0xaa: {  	s28 =	simm.s32 $_size_execute0_lowered;
	s6 =	sadd.s32 s6, s7;
	[dreg:$0x0] =	wrdreg $0x0  }
0xab: {  	s7 =	sshll.u32 s28, $0x1;
	[dreg:$0x2] =	wrdreg s6  }
0xac: {  	[dreg:$0x3] =	wrdreg s7  }
0xad: {  	[dreg:$0x4] =	wrdreg $0xC0  }
0xae: {  	_ =	task [dreg:s10], $0x5FFFF  }
0xaf: {  	[dreg:$0x1] =	wrdreg $0xFFFFFFFF  }
0xb0: {  	[dreg:$0x0] =	wrdreg $0x60  }
0xb1: {  	[dreg:$0x2] =	wrdreg s2  }
0xb2: {  	[dreg:$0x3] =	wrdreg s19  }
0xb3: {  	[dreg:$0x4] =	wrdreg s4  }
0xb4: {  	[dreg:$0x5] =	wrdreg s5  }
0xb5: {  	[dreg:$0x6] =	wrdreg $0x9  }
0xb6: {  	_ =	task.clear_ibuf [dreg:s10], $0x7FFFF;
	_ =	strace $0x90000046  }
0xb7: {  	s29 =	simm.s32 $0x9;
	_ =	strace $0x80000048  }
0xb8: {  	_ =	swait.ge [sflag:s29], $0x1  }
0xb9: {  	[sflag:s29] =	ssyncadd.s32 $0xFFFFFFFF  }
0xba: {  	_ =	strace $0x90000048  }
0xbb: {  	_ =	sfence  }
0xbc: {  	s30 =	sld [smem:$0x0];
	_ =	sdelay $0x2  }
0xbd: {  	s31 =	sshll.u32 s1, $0xD;
	s1 =	sshrl.u32 s1, $0x2  }
0xbe: {  	s3 =	sand.u32 $0x4000, s31;
	s1 =	sadd.s32 s1, s30  }
0xbf: {  	s0 =	sor.u32 s3, s0;
	s1 =	sshll.u32 s1, $0x11  }
0xc0: {  	s0 =	sor.u32 s1, s0  }
0xc1: {  	s0 =	sadd.s32 $0x8F2B, s0  }
0xc2: {  	[sflag:s0] =	ssyncadd.remote.s32 $0x1  }
0xc3: {  	_ =	sfence.sel $0xFFFF  }
0xc4: {  	[dreg:$0x0] =	wrdreg $0xFFFFFFFF;
	(pc) =	sbr.abs _section_cstart, $3  }
0xc5: {  	[dreg:$0x1] =	wrdreg $0xFFFFFFFF  }
0xc6: {  	_ =	task.clear_ibuf [dreg:s10], $0x2FFFF;
	_ =	strace $0x9FFFFFFF  }
0xc7: {  	(tm) =	ssettm $0x7FFFFFFF  }
tec
execute0_lowered:
.L_overlay_start_1:
0x0: {  	(tag) =	ssettag $0x1  }
0x1: {  	s0 =	rddreg [dreg:$0x0]  }
0x2: {  	s1 =	srdreg.scid;
	s4 =	rddreg [dreg:$0x2]  }
0x3: {  	s12 =	stileid.u32;
	s5 =	rddreg [dreg:$0x3]  }
0x4: {  	s6 =	simm.s32 $0x0;
	s18 =	simm.s32 $0xC380;
	s19 =	simm.s32 $0xD000  }
0x5: {  	s20 =	simm.s32 $0xE000;
	s21 =	simm.s32 $0xF000;
	s22 =	simm.s32 $0x2  }
0x6: {  	s23 =	simm.s32 $0x80;
	s24 =	simm.s32 $0x3;
	s1 =	sand.u32 $0x1, s1  }
0x7: {  	[smem:$0x7FF] =	sst s6;
	s7 =	smul.u32 $0xFFFFF380, s12;
	s29 =	sadd.s32 $0x186800, s0  }
0x8: {  	s30 =	sadd.s32 $0x186800, s5;
	s2 =	sshll.u32 s1, $0x4;
	s9 =	smul.u32 $0xFFFF3800, s1  }
0x9: {  	s25 =	ssub.s32 $0x2, s1;
	_ =	strace $0x80000047;
	s1 =	smul.u32 $0x640000, s1  }
0xa: {  	[dreg:$0x6] =	wrdreg s29;
	s2 =	sor.u32 s12, s2;
	s12 =	smul.u32 $0x64000, s12  }
0xb: {  	[dreg:$0x7] =	wrdreg s30;
	s8 =	sshrl.u32 s25, $0x1;
	s3 =	smul.u32 $0xC80, s2  }
0xc: {  	s6 =	ssub.s32 s25, s8;
	s10 =	smul.u32 $0xC800, s2;
	s9 =	sadd.s32 s9, s7  }
0xd: {  	p0 =	sne.s32 s2, $0x1F;
	s25 =	simm.s32 $0x17000;
	s11 =	sadd.s32 $0x186A0, s9  }
0xe: {  	s1 =	sadd.s32 s12, s1;
	s6 =	smax.u32 s6, $0x1;
	s26 =	ssub.s32 $0x186A0, s3  }
0xf: {  	s28 =	sadd.s32 s0, s10;
	s11 =	smin.u32 s11, $0xC80;
	s12 =	sshrl.u32 s1, $0x3  }
.Ltmp0:
0x10: {  	s14 =	sadd.s32 $0x4000, s1;
	[dreg:$0x8] =	wrdreg s6;
	(pc) =	sbr.rel .LBB2_1-.Ltmp0, $4  }
0x11: {  	s16 =	sadd.s32 $0x8000, s1;
	s8 =	smin.u32 s26, $0xC80;
	[dreg:$0x5] =	wrdreg s28  }
0x12: {  	s11 =	sshrl.u32 s11, $0x7;
	s12 =	sadd.s32 s12, s5;
	s31 =	sshrl.u32 s14, $0x3  }
0x13: {  	v2 =	vlaneseq.u32;
	v4 =	vimm.s32 $0xFFFFFFFF;
	v5 =	vimm.s32 $0x0;
	s26 =	simm.s32 $0x0;
	s7 =	sshrl.u32 s8, $0x7;
	s13 =	sadd.s32 $0x1, s11  }
0x14: {  	v0 =	vmov s3;
	v3 =	vor.u32 s3, v2;
	s14 =	sadd.s32 s31, s5;
	s15 =	sadd.s32 s31, s0;
	v1 =	vmov s8;
	s13 =	sand.u32 $0x3E, s13  }
.LBB2_25:
0x15: {  	s1 =	sand.u32 $0x80, s28  }
0x16: {  	p1 =	sne.s32 s1, $0x0  }
0x17: {  	p2 =	slt.s32 @!p1 s30, $0x1  }
0x18: {  	p1 =	por p1, !p2  }
0x19: {  	_ =	swait.ge @p1 [sflag:s24], $0x4000  }
0x1a: {  	s26 =	sadd.s32 $0x1, s26;
	[sflag:s24] =	ssyncset.done @p1 $0x0;
	s31 =	rddreg [dreg:$0x8]  }
0x1b: {  	[sflag:s24] =	ssyncadd.s32 @p1 $0xFFFFC000;
	p1 =	sne.s32 s26, s31  }
.Ltmp1:
0x1c: {  	_ = 	snop;
	(pc) =	sbr.rel @!p1 .LBB2_26-.Ltmp1, $1  }
0x1d: {  	_ =	sdelay $0x3  }
.LBB2_1:
0x1e: {  	s1 =	rddreg [dreg:$0x1];
	s2 =	simm.s32 $0x0  }
0x1f: {  	[tilespmem:s2], [sflag:$0x1] =	stream.linear.gather [hbm4b:s1+s2], $0xC380, $0x38;
	[tilespmem:$0x1F000] =	vst v63  }
0x20: {  	s1 =	simm.s32 $0xC3A0  }
0x21: {  	[tilespmem:s1+$0xFFFFFFE0] =	vst v4  }
0x22: {  	[tilespmem:s1+$0x10] =	vst v4  }
0x23: {  	s2 =	simm.s32 $0x0;
	[tilespmem:s1+$0x0] =	vst v4  }
.LBB2_2:
0x24: {  	s2 =	sadd.s32 $0x4, s2  }
0x25: {  	[tilespmem:s1+$0xFFFFFFF0] =	vst v4;
	s1 =	sadd.s32 $0x40, s1;
	p1 =	slt.u32 s2, $0xC4  }
.Ltmp2:
0x26: {  	[tilespmem:s1+$0xFFFFFFE0] =	vst v4;
	(pc) =	sbr.rel @p1 .LBB2_2-.Ltmp2, $3  }
0x27: {  	_ =	sdelay $0x1  }
0x28: {  	[tilespmem:s1+$0x10] =	vst v4  }
0x29: {  	[tilespmem:s1+$0x0] =	vst v4  }
0x2a: {  	[tilespmem:s1+$0xFFFFFFF0] =	vst v4;
	s31 =	simm.s32 $0x1  }
0x2b: {  	_ =	swait.ge [sflag:s31], $0xC380  }
0x2c: {  	s28 =	simm.s32 $0xFFFFFFE7;
	[sflag:s31] =	ssyncset.done $0x0  }
0x2d: {  	s29 =	simm.s32 $0x180;
	s30 =	simm.s32 $0xC0;
	[sflag:s31] =	ssyncadd.s32 $0xFFFF3C80  }
.LBB2_4:
0x2e: {  	v6 =	vld [tilespmem:s30+$0xFFFFFF40];
	_ =	sdelay $0x4  }
0x2f: {  	v6 =	vsub.s32 v6, v0  }
0x30: {  	vm0 =	vgt.s32 v6, $0xFFFFFFFF;
	vm1 =	vlt.s32 v6, v1  }
0x31: {  	vm0 =	vmand vm0, vm1  }
0x32: {  	(xrf1) =	vunique.msk.u32 vm0, v6;
	_ =	sdelay $0xd  }
0x33: {  	_, v7, vm15 =	vpop (xrf1)  }
0x34: {  	vm0 =	vmand vm0, vm15  }
0x35: {  	v6 =	vnsel vm0, $0x0, v6;
	_ =	sdelay $0x2  }
0x36: {  	s1 =	sadd.s32 $0xFFFFFE80, s29  }
0x37: {  	v7 =	vor.u32 s1, v2  }
0x38: {  	[tilespmem:v6+s18+$0x0] =	vst.idx.msk vm0, v7  }
0x39: {  	v6 =	vld [tilespmem:s30+$0xFFFFFF50];
	_ =	sdelay $0x4  }
0x3a: {  	v6 =	vsub.s32 v6, v0  }
0x3b: {  	vm4 =	vgt.s32 v6, $0xFFFFFFFF;
	vm5 =	vlt.s32 v6, v1  }
0x3c: {  	vm0 =	vmand vm4, vm5  }
0x3d: {  	(xrf1) =	vunique.msk.u32 vm0, v6;
	_ =	sdelay $0xd  }
0x3e: {  	_, v7, vm6 =	vpop (xrf1)  }
0x3f: {  	vm0 =	vmand vm0, vm6  }
0x40: {  	v6 =	vnsel vm0, $0x0, v6;
	_ =	sdelay $0x2  }
0x41: {  	s2 =	sadd.s32 $0xFFFFFE90, s29  }
0x42: {  	v7 =	vor.u32 s2, v2  }
0x43: {  	[tilespmem:v6+s18+$0x0] =	vst.idx.msk vm0, v7  }
0x44: {  	v6 =	vld [tilespmem:s30+$0xFFFFFF60];
	_ =	sdelay $0x4  }
0x45: {  	v6 =	vsub.s32 v6, v0  }
0x46: {  	vm7 =	vgt.s32 v6, $0xFFFFFFFF;
	vm8 =	vlt.s32 v6, v1  }
0x47: {  	vm0 =	vmand vm7, vm8  }
0x48: {  	(xrf1) =	vunique.msk.u32 vm0, v6;
	_ =	sdelay $0xd  }
0x49: {  	_, v7, vm9 =	vpop (xrf1)  }
0x4a: {  	vm0 =	vmand vm0, vm9  }
0x4b: {  	v6 =	vnsel vm0, $0x0, v6;
	_ =	sdelay $0x2  }
0x4c: {  	s3 =	sadd.s32 $0xFFFFFEA0, s29  }
0x4d: {  	v7 =	vor.u32 s3, v2  }
0x4e: {  	[tilespmem:v6+s18+$0x0] =	vst.idx.msk vm0, v7  }
0x4f: {  	v6 =	vld [tilespmem:s30+$0xFFFFFF70];
	_ =	sdelay $0x4  }
0x50: {  	v6 =	vsub.s32 v6, v0  }
0x51: {  	vm10 =	vgt.s32 v6, $0xFFFFFFFF;
	vm11 =	vlt.s32 v6, v1  }
0x52: {  	vm0 =	vmand vm10, vm11  }
0x53: {  	(xrf1) =	vunique.msk.u32 vm0, v6;
	_ =	sdelay $0xd  }
0x54: {  	_, v7, vm12 =	vpop (xrf1)  }
0x55: {  	vm0 =	vmand vm0, vm12  }
0x56: {  	v6 =	vnsel vm0, $0x0, v6;
	_ =	sdelay $0x2  }
0x57: {  	s6 =	sadd.s32 $0xFFFFFEB0, s29  }
0x58: {  	v7 =	vor.u32 s6, v2  }
0x59: {  	[tilespmem:v6+s18+$0x0] =	vst.idx.msk vm0, v7  }
0x5a: {  	v6 =	vld [tilespmem:s30+$0xFFFFFF80];
	_ =	sdelay $0x4  }
0x5b: {  	v6 =	vsub.s32 v6, v0  }
0x5c: {  	vm13 =	vgt.s32 v6, $0xFFFFFFFF;
	vm14 =	vlt.s32 v6, v1  }
0x5d: {  	vm0 =	vmand vm13, vm14  }
0x5e: {  	(xrf1) =	vunique.msk.u32 vm0, v6;
	_ =	sdelay $0xd  }
0x5f: {  	_, v7, vm15 =	vpop (xrf1)  }
0x60: {  	vm0 =	vmand vm0, vm15  }
0x61: {  	v6 =	vnsel vm0, $0x0, v6;
	_ =	sdelay $0x2  }
0x62: {  	s8 =	sadd.s32 $0xFFFFFEC0, s29  }
0x63: {  	v7 =	vor.u32 s8, v2  }
0x64: {  	[tilespmem:v6+s18+$0x0] =	vst.idx.msk vm0, v7  }
0x65: {  	v6 =	vld [tilespmem:s30+$0xFFFFFF90];
	_ =	sdelay $0x4  }
0x66: {  	v6 =	vsub.s32 v6, v0  }
0x67: {  	vm4 =	vgt.s32 v6, $0xFFFFFFFF;
	vm5 =	vlt.s32 v6, v1  }
0x68: {  	vm0 =	vmand vm4, vm5  }
0x69: {  	(xrf1) =	vunique.msk.u32 vm0, v6;
	_ =	sdelay $0xd  }
0x6a: {  	_, v7, vm6 =	vpop (xrf1)  }
0x6b: {  	vm0 =	vmand vm0, vm6  }
0x6c: {  	v6 =	vnsel vm0, $0x0, v6;
	_ =	sdelay $0x2  }
0x6d: {  	s9 =	sadd.s32 $0xFFFFFED0, s29  }
0x6e: {  	v7 =	vor.u32 s9, v2  }
0x6f: {  	[tilespmem:v6+s18+$0x0] =	vst.idx.msk vm0, v7  }
0x70: {  	v6 =	vld [tilespmem:s30+$0xFFFFFFA0];
	_ =	sdelay $0x4  }
0x71: {  	v6 =	vsub.s32 v6, v0  }
0x72: {  	vm7 =	vgt.s32 v6, $0xFFFFFFFF;
	vm8 =	vlt.s32 v6, v1  }
0x73: {  	vm0 =	vmand vm7, vm8  }
0x74: {  	(xrf1) =	vunique.msk.u32 vm0, v6;
	_ =	sdelay $0xd  }
0x75: {  	_, v7, vm9 =	vpop (xrf1)  }
0x76: {  	vm0 =	vmand vm0, vm9  }
0x77: {  	v6 =	vnsel vm0, $0x0, v6;
	_ =	sdelay $0x2  }
0x78: {  	s10 =	sadd.s32 $0xFFFFFEE0, s29  }
0x79: {  	v7 =	vor.u32 s10, v2  }
0x7a: {  	[tilespmem:v6+s18+$0x0] =	vst.idx.msk vm0, v7  }
0x7b: {  	v6 =	vld [tilespmem:s30+$0xFFFFFFB0];
	_ =	sdelay $0x4  }
0x7c: {  	v6 =	vsub.s32 v6, v0  }
0x7d: {  	vm10 =	vgt.s32 v6, $0xFFFFFFFF;
	vm11 =	vlt.s32 v6, v1  }
0x7e: {  	vm0 =	vmand vm10, vm11  }
0x7f: {  	(xrf1) =	vunique.msk.u32 vm0, v6;
	_ =	sdelay $0xd  }
0x80: {  	_, v7, vm12 =	vpop (xrf1)  }
0x81: {  	vm0 =	vmand vm0, vm12  }
0x82: {  	v6 =	vnsel vm0, $0x0, v6;
	_ =	sdelay $0x2  }
0x83: {  	s11 =	sadd.s32 $0xFFFFFEF0, s29;
	s6 =	sadd.s32 $0xFFFFFF00, s29  }
0x84: {  	s3 =	sand.u32 $0x70, s1;
	s17 =	sand.u32 $0x1FF80, s6;
	v7 =	vor.u32 s11, v2  }
0x85: {  	s1 =	sor.u32 s3, s17;
	[tilespmem:v6+s18+$0x0] =	vst.idx.msk vm0, v7  }
0x86: {  	v6 =	vld [tilespmem:s1+$0x0];
	_ =	sdelay $0x4  }
0x87: {  	v6 =	vsub.s32 v6, v0  }
0x88: {  	vm13 =	vgt.s32 v6, $0xFFFFFFFF;
	vm14 =	vlt.s32 v6, v1  }
0x89: {  	vm0 =	vmand vm13, vm14  }
0x8a: {  	(xrf1) =	vunique.msk.u32 vm0, v6;
	_ =	sdelay $0xd  }
0x8b: {  	_, v7, vm15 =	vpop (xrf1)  }
0x8c: {  	vm0 =	vmand vm0, vm15  }
0x8d: {  	v6 =	vnsel vm0, $0x0, v6;
	_ =	sdelay $0x3  }
0x8e: {  	v7 =	vor.u32 s6, v2  }
0x8f: {  	[tilespmem:v6+s18+$0x0] =	vst.idx.msk vm0, v7  }
0x90: {  	v6 =	vld [tilespmem:s30+$0xFFFFFFD0];
	_ =	sdelay $0x4  }
0x91: {  	v6 =	vsub.s32 v6, v0  }
0x92: {  	vm4 =	vgt.s32 v6, $0xFFFFFFFF;
	vm5 =	vlt.s32 v6, v1  }
0x93: {  	vm0 =	vmand vm4, vm5  }
0x94: {  	(xrf1) =	vunique.msk.u32 vm0, v6;
	_ =	sdelay $0xd  }
0x95: {  	_, v7, vm6 =	vpop (xrf1)  }
0x96: {  	vm0 =	vmand vm0, vm6  }
0x97: {  	v6 =	vnsel vm0, $0x0, v6;
	_ =	sdelay $0x2  }
0x98: {  	s31 =	sadd.s32 $0xFFFFFF10, s29  }
0x99: {  	v7 =	vor.u32 s31, v2  }
0x9a: {  	[tilespmem:v6+s18+$0x0] =	vst.idx.msk vm0, v7  }
0x9b: {  	v6 =	vld [tilespmem:s30+$0xFFFFFFE0];
	_ =	sdelay $0x4  }
0x9c: {  	v6 =	vsub.s32 v6, v0  }
0x9d: {  	vm7 =	vgt.s32 v6, $0xFFFFFFFF;
	vm8 =	vlt.s32 v6, v1  }
0x9e: {  	vm0 =	vmand vm7, vm8  }
0x9f: {  	(xrf1) =	vunique.msk.u32 vm0, v6;
	_ =	sdelay $0xd  }
0xa0: {  	_, v7, vm9 =	vpop (xrf1)  }
0xa1: {  	vm0 =	vmand vm0, vm9  }
0xa2: {  	v6 =	vnsel vm0, $0x0, v6;
	_ =	sdelay $0x2  }
0xa3: {  	s2 =	sadd.s32 $0xFFFFFF20, s29  }
0xa4: {  	v7 =	vor.u32 s2, v2  }
0xa5: {  	[tilespmem:v6+s18+$0x0] =	vst.idx.msk vm0, v7  }
0xa6: {  	v6 =	vld [tilespmem:s30+$0xFFFFFFF0];
	_ =	sdelay $0x4  }
0xa7: {  	v6 =	vsub.s32 v6, v0  }
0xa8: {  	vm10 =	vgt.s32 v6, $0xFFFFFFFF;
	vm11 =	vlt.s32 v6, v1  }
0xa9: {  	vm0 =	vmand vm10, vm11  }
0xaa: {  	(xrf1) =	vunique.msk.u32 vm0, v6;
	_ =	sdelay $0xd  }
0xab: {  	_, v7, vm12 =	vpop (xrf1)  }
0xac: {  	vm0 =	vmand vm0, vm12  }
0xad: {  	v6 =	vnsel vm0, $0x0, v6;
	_ =	sdelay $0x2  }
0xae: {  	s6 =	sadd.s32 $0xFFFFFF30, s29  }
0xaf: {  	v7 =	vor.u32 s6, v2  }
0xb0: {  	[tilespmem:v6+s18+$0x0] =	vst.idx.msk vm0, v7  }
0xb1: {  	v6 =	vld [tilespmem:s30+$0x0];
	_ =	sdelay $0x4  }
0xb2: {  	v6 =	vsub.s32 v6, v0  }
0xb3: {  	vm13 =	vgt.s32 v6, $0xFFFFFFFF;
	vm14 =	vlt.s32 v6, v1  }
0xb4: {  	vm0 =	vmand vm13, vm14  }
0xb5: {  	(xrf1) =	vunique.msk.u32 vm0, v6;
	_ =	sdelay $0xd  }
0xb6: {  	_, v7, vm15 =	vpop (xrf1)  }
0xb7: {  	vm0 =	vmand vm0, vm15  }
0xb8: {  	v6 =	vnsel vm0, $0x0, v6;
	_ =	sdelay $0x2  }
0xb9: {  	s8 =	sadd.s32 $0xFFFFFF40, s29  }
0xba: {  	v7 =	vor.u32 s8, v2  }
0xbb: {  	[tilespmem:v6+s18+$0x0] =	vst.idx.msk vm0, v7  }
0xbc: {  	v6 =	vld [tilespmem:s30+$0x10];
	_ =	sdelay $0x4  }
0xbd: {  	v6 =	vsub.s32 v6, v0  }
0xbe: {  	vm4 =	vgt.s32 v6, $0xFFFFFFFF;
	vm5 =	vlt.s32 v6, v1  }
0xbf: {  	vm0 =	vmand vm4, vm5  }
0xc0: {  	(xrf1) =	vunique.msk.u32 vm0, v6;
	_ =	sdelay $0xd  }
0xc1: {  	_, v7, vm6 =	vpop (xrf1)  }
0xc2: {  	vm0 =	vmand vm0, vm6  }
0xc3: {  	v6 =	vnsel vm0, $0x0, v6;
	_ =	sdelay $0x2  }
0xc4: {  	s9 =	sadd.s32 $0xFFFFFF50, s29  }
0xc5: {  	v7 =	vor.u32 s9, v2  }
0xc6: {  	[tilespmem:v6+s18+$0x0] =	vst.idx.msk vm0, v7  }
0xc7: {  	v6 =	vld [tilespmem:s30+$0x20];
	_ =	sdelay $0x4  }
0xc8: {  	v6 =	vsub.s32 v6, v0  }
0xc9: {  	vm7 =	vgt.s32 v6, $0xFFFFFFFF;
	vm8 =	vlt.s32 v6, v1  }
0xca: {  	vm0 =	vmand vm7, vm8  }
0xcb: {  	(xrf1) =	vunique.msk.u32 vm0, v6;
	_ =	sdelay $0xd  }
0xcc: {  	_, v7, vm9 =	vpop (xrf1)  }
0xcd: {  	vm0 =	vmand vm0, vm9  }
0xce: {  	v6 =	vnsel vm0, $0x0, v6;
	_ =	sdelay $0x2  }
0xcf: {  	s10 =	sadd.s32 $0xFFFFFF60, s29  }
0xd0: {  	v7 =	vor.u32 s10, v2  }
0xd1: {  	[tilespmem:v6+s18+$0x0] =	vst.idx.msk vm0, v7  }
0xd2: {  	v6 =	vld [tilespmem:s30+$0x30];
	_ =	sdelay $0x4  }
0xd3: {  	v6 =	vsub.s32 v6, v0  }
0xd4: {  	vm10 =	vgt.s32 v6, $0xFFFFFFFF;
	vm11 =	vlt.s32 v6, v1  }
0xd5: {  	vm0 =	vmand vm10, vm11  }
0xd6: {  	(xrf1) =	vunique.msk.u32 vm0, v6;
	_ =	sdelay $0xd  }
0xd7: {  	_, v7, vm12 =	vpop (xrf1)  }
0xd8: {  	vm0 =	vmand vm0, vm12  }
0xd9: {  	v6 =	vnsel vm0, $0x0, v6;
	_ =	sdelay $0x2  }
0xda: {  	s17 =	sadd.s32 $0xFFFFFF80, s29;
	s11 =	sadd.s32 $0xFFFFFF70, s29  }
0xdb: {  	s31 =	sand.u32 $0x1FF80, s17;
	v7 =	vor.u32 s11, v2  }
0xdc: {  	s1 =	sor.u32 s3, s31;
	[tilespmem:v6+s18+$0x0] =	vst.idx.msk vm0, v7  }
0xdd: {  	v6 =	vld [tilespmem:s1+$0x0];
	_ =	sdelay $0x4  }
0xde: {  	v6 =	vsub.s32 v6, v0  }
0xdf: {  	vm13 =	vgt.s32 v6, $0xFFFFFFFF;
	vm14 =	vlt.s32 v6, v1  }
0xe0: {  	vm0 =	vmand vm13, vm14  }
0xe1: {  	(xrf1) =	vunique.msk.u32 vm0, v6;
	_ =	sdelay $0xd  }
0xe2: {  	_, v7, vm15 =	vpop (xrf1)  }
0xe3: {  	vm0 =	vmand vm0, vm15  }
0xe4: {  	v6 =	vnsel vm0, $0x0, v6;
	_ =	sdelay $0x3  }
0xe5: {  	v7 =	vor.u32 s17, v2  }
0xe6: {  	[tilespmem:v6+s18+$0x0] =	vst.idx.msk vm0, v7  }
0xe7: {  	v6 =	vld [tilespmem:s30+$0x50];
	_ =	sdelay $0x4  }
0xe8: {  	v6 =	vsub.s32 v6, v0  }
0xe9: {  	vm4 =	vgt.s32 v6, $0xFFFFFFFF;
	vm5 =	vlt.s32 v6, v1  }
0xea: {  	vm0 =	vmand vm4, vm5  }
0xeb: {  	(xrf1) =	vunique.msk.u32 vm0, v6;
	_ =	sdelay $0xd  }
0xec: {  	_, v7, vm6 =	vpop (xrf1)  }
0xed: {  	vm0 =	vmand vm0, vm6  }
0xee: {  	v6 =	vnsel vm0, $0x0, v6;
	_ =	sdelay $0x2  }
0xef: {  	s2 =	sadd.s32 $0xFFFFFF90, s29  }
0xf0: {  	v7 =	vor.u32 s2, v2  }
0xf1: {  	[tilespmem:v6+s18+$0x0] =	vst.idx.msk vm0, v7  }
0xf2: {  	v6 =	vld [tilespmem:s30+$0x60];
	_ =	sdelay $0x4  }
0xf3: {  	v6 =	vsub.s32 v6, v0  }
0xf4: {  	vm7 =	vgt.s32 v6, $0xFFFFFFFF;
	vm8 =	vlt.s32 v6, v1  }
0xf5: {  	vm0 =	vmand vm7, vm8  }
0xf6: {  	(xrf1) =	vunique.msk.u32 vm0, v6;
	_ =	sdelay $0xd  }
0xf7: {  	_, v7, vm9 =	vpop (xrf1)  }
0xf8: {  	vm0 =	vmand vm0, vm9  }
0xf9: {  	v6 =	vnsel vm0, $0x0, v6;
	_ =	sdelay $0x2  }
0xfa: {  	s6 =	sadd.s32 $0xFFFFFFA0, s29  }
0xfb: {  	v7 =	vor.u32 s6, v2  }
0xfc: {  	[tilespmem:v6+s18+$0x0] =	vst.idx.msk vm0, v7  }
0xfd: {  	v6 =	vld [tilespmem:s30+$0x70];
	_ =	sdelay $0x4  }
0xfe: {  	v6 =	vsub.s32 v6, v0  }
0xff: {  	vm10 =	vgt.s32 v6, $0xFFFFFFFF;
	vm11 =	vlt.s32 v6, v1  }
0x100: {  	vm0 =	vmand vm10, vm11  }
0x101: {  	(xrf1) =	vunique.msk.u32 vm0, v6;
	_ =	sdelay $0xd  }
0x102: {  	_, v7, vm12 =	vpop (xrf1)  }
0x103: {  	vm0 =	vmand vm0, vm12  }
0x104: {  	v6 =	vnsel vm0, $0x0, v6;
	_ =	sdelay $0x2  }
0x105: {  	s8 =	sadd.s32 $0xFFFFFFB0, s29  }
0x106: {  	v7 =	vor.u32 s8, v2  }
0x107: {  	[tilespmem:v6+s18+$0x0] =	vst.idx.msk vm0, v7  }
0x108: {  	v6 =	vld [tilespmem:s30+$0x80];
	_ =	sdelay $0x4  }
0x109: {  	v6 =	vsub.s32 v6, v0  }
0x10a: {  	vm13 =	vgt.s32 v6, $0xFFFFFFFF;
	vm14 =	vlt.s32 v6, v1  }
0x10b: {  	vm0 =	vmand vm13, vm14  }
0x10c: {  	(xrf1) =	vunique.msk.u32 vm0, v6;
	_ =	sdelay $0xd  }
0x10d: {  	_, v7, vm15 =	vpop (xrf1)  }
0x10e: {  	vm0 =	vmand vm0, vm15  }
0x10f: {  	v6 =	vnsel vm0, $0x0, v6;
	_ =	sdelay $0x2  }
0x110: {  	s9 =	sadd.s32 $0xFFFFFFC0, s29  }
0x111: {  	v7 =	vor.u32 s9, v2  }
0x112: {  	[tilespmem:v6+s18+$0x0] =	vst.idx.msk vm0, v7  }
0x113: {  	v6 =	vld [tilespmem:s30+$0x90];
	_ =	sdelay $0x4  }
0x114: {  	v6 =	vsub.s32 v6, v0  }
0x115: {  	vm4 =	vgt.s32 v6, $0xFFFFFFFF;
	vm5 =	vlt.s32 v6, v1  }
0x116: {  	vm0 =	vmand vm4, vm5  }
0x117: {  	(xrf1) =	vunique.msk.u32 vm0, v6;
	_ =	sdelay $0xd  }
0x118: {  	_, v7, vm6 =	vpop (xrf1)  }
0x119: {  	vm0 =	vmand vm0, vm6  }
0x11a: {  	v6 =	vnsel vm0, $0x0, v6;
	_ =	sdelay $0x2  }
0x11b: {  	s10 =	sadd.s32 $0xFFFFFFD0, s29  }
0x11c: {  	v7 =	vor.u32 s10, v2  }
0x11d: {  	[tilespmem:v6+s18+$0x0] =	vst.idx.msk vm0, v7  }
0x11e: {  	v6 =	vld [tilespmem:s30+$0xA0];
	_ =	sdelay $0x4  }
0x11f: {  	v6 =	vsub.s32 v6, v0  }
0x120: {  	vm7 =	vgt.s32 v6, $0xFFFFFFFF;
	vm8 =	vlt.s32 v6, v1  }
0x121: {  	vm0 =	vmand vm7, vm8  }
0x122: {  	(xrf1) =	vunique.msk.u32 vm0, v6;
	_ =	sdelay $0xd  }
0x123: {  	_, v7, vm9 =	vpop (xrf1)  }
0x124: {  	vm0 =	vmand vm0, vm9  }
0x125: {  	v6 =	vnsel vm0, $0x0, v6;
	_ =	sdelay $0x2  }
0x126: {  	s11 =	sadd.s32 $0xFFFFFFE0, s29  }
0x127: {  	v7 =	vor.u32 s11, v2  }
0x128: {  	[tilespmem:v6+s18+$0x0] =	vst.idx.msk vm0, v7  }
0x129: {  	v6 =	vld [tilespmem:s30+$0xB0];
	_ =	sdelay $0x4  }
0x12a: {  	v6 =	vsub.s32 v6, v0  }
0x12b: {  	vm10 =	vgt.s32 v6, $0xFFFFFFFF;
	vm11 =	vlt.s32 v6, v1  }
0x12c: {  	vm0 =	vmand vm10, vm11  }
0x12d: {  	(xrf1) =	vunique.msk.u32 vm0, v6;
	_ =	sdelay $0xd  }
0x12e: {  	_, v7, vm12 =	vpop (xrf1)  }
0x12f: {  	vm0 =	vmand vm0, vm12  }
0x130: {  	v6 =	vnsel vm0, $0x0, v6;
	_ =	sdelay $0x2  }
0x131: {  	s17 =	sadd.s32 $0xFFFFFFF0, s29  }
0x132: {  	s31 =	sand.u32 $0x1FF80, s29;
	v7 =	vor.u32 s17, v2  }
0x133: {  	s1 =	sor.u32 s3, s31;
	[tilespmem:v6+s18+$0x0] =	vst.idx.msk vm0, v7  }
0x134: {  	v6 =	vld [tilespmem:s1+$0x0];
	_ =	sdelay $0x4  }
0x135: {  	v6 =	vsub.s32 v6, v0  }
0x136: {  	vm13 =	vgt.s32 v6, $0xFFFFFFFF;
	vm14 =	vlt.s32 v6, v1  }
0x137: {  	vm0 =	vmand vm13, vm14  }
0x138: {  	(xrf1) =	vunique.msk.u32 vm0, v6;
	_ =	sdelay $0xd  }
0x139: {  	_, v7, vm15 =	vpop (xrf1)  }
0x13a: {  	s28 =	sadd.s32 $0x19, s28;
	vm0 =	vmand vm0, vm15  }
0x13b: {  	p1 =	slt.u32 s28, $0xC1C;
	v6 =	vnsel vm0, $0x0, v6  }
.Ltmp3:
0x13c: {  	_ = 	snop;
	(pc) =	sbr.rel @p1 .LBB2_4-.Ltmp3, $3  }
0x13d: {  	_ =	sdelay $0x1  }
0x13e: {  	s3 =	simm.s32 $0x0;
	s2 =	simm.s32 $0xC3A0;
	v7 =	vor.u32 s29, v2  }
0x13f: {  	s30 =	sadd.s32 $0x190, s30;
	s1 =	simm.s32 $0xFFFFFFFC;
	s29 =	sadd.s32 $0x190, s29;
	[tilespmem:v6+s18+$0x0] =	vst.idx.msk vm0, v7  }
0x140: {  	v6 =	vld [tilespmem:s2+$0xFFFFFFE0];
	_ =	sdelay $0x4  }
0x141: {  	vm0 =	vgt.s32 v6, $0xFFFFFFFF  }
0x142: {  	v7 =	vsel vm0, $0x1, v5  }
0x143: {  	(xrf0) =	vadd.scan.msk.s32 $0xffff, v7;
	_ =	sdelay $0x4  }
0x144: {  	v7 =	vsel vm0, $0xFFFFFFFF, v5  }
0x145: {  	v7 =	vadd.s32 s3, v7;
	v8, _, _ =	vpop (xrf0)  }
0x146: {  	v7 =	vadd.s32 v8, v7;
	_ =	sdelay $0x3  }
0x147: {  	v9 =	vadd.s32 s3, v3  }
0x148: {  	(v2sf) =	vpush v8, $0xF;
	[tilespmem:v7+s19+$0x0] =	vst.idx.msk vm0, v9  }
0x149: {  	[tilespmem:v7+s20+$0x0] =	vst.idx.msk vm0, v6  }
0x14a: {  	v6 =	vld [tilespmem:s2+$0xFFFFFFF0];
	_ =	sdelay $0x4  }
0x14b: {  	vm0 =	vgt.s32 v6, $0xFFFFFFFF  }
0x14c: {  	v7 =	vsel vm0, $0x1, v5  }
0x14d: {  	(xrf0) =	vadd.scan.msk.s32 $0xffff, v7;
	_ =	sdelay $0x5  }
0x14e: {  	v7 =	vsel vm0, $0xFFFFFFFF, v5;
	s6 =	spop (v2sf);
	v8, _, _ =	vpop (xrf0)  }
0x14f: {  	s6 =	sadd.s32 s3, s6;
	v7 =	vadd.s32 v7, v8  }
0x150: {  	v7 =	vadd.s32 s6, v7;
	_ =	sdelay $0x2  }
0x151: {  	s8 =	sadd.s32 $0x10, s3  }
0x152: {  	v62 =	vadd.s32 s8, v3  }
0x153: {  	(v2sf) =	vpush v8, $0xF;
	[tilespmem:v7+s19+$0x0] =	vst.idx.msk vm0, v62  }
0x154: {  	[tilespmem:v7+s20+$0x0] =	vst.idx.msk vm0, v6  }
0x155: {  	v6 =	vld [tilespmem:s2+$0x0];
	_ =	sdelay $0x4  }
0x156: {  	vm0 =	vgt.s32 v6, $0xFFFFFFFF  }
0x157: {  	v7 =	vsel vm0, $0x1, v5  }
0x158: {  	(xrf0) =	vadd.scan.msk.s32 $0xffff, v7;
	_ =	sdelay $0x5  }
0x159: {  	s17 =	spop (v2sf);
	v7 =	vsel vm0, $0xFFFFFFFF, v5;
	v8, _, _ =	vpop (xrf0)  }
0x15a: {  	s6 =	sadd.s32 s6, s17;
	v7 =	vadd.s32 v7, v8  }
0x15b: {  	v7 =	vadd.s32 s6, v7;
	_ =	sdelay $0x2  }
0x15c: {  	s29 =	sadd.s32 $0x20, s3  }
0x15d: {  	v63 =	vadd.s32 s29, v3  }
0x15e: {  	(v2sf) =	vpush v8, $0xF;
	[tilespmem:v7+s19+$0x0] =	vst.idx.msk vm0, v63  }
0x15f: {  	[tilespmem:v7+s20+$0x0] =	vst.idx.msk vm0, v6  }
0x160: {  	v6 =	vld [tilespmem:s2+$0x10];
	_ =	sdelay $0x4  }
0x161: {  	vm0 =	vgt.s32 v6, $0xFFFFFFFF  }
0x162: {  	v7 =	vsel vm0, $0x1, v5  }
0x163: {  	(xrf0) =	vadd.scan.msk.s32 $0xffff, v7;
	_ =	sdelay $0x5  }
0x164: {  	s30 =	spop (v2sf);
	v7 =	vsel vm0, $0xFFFFFFFF, v5;
	v8, _, _ =	vpop (xrf0)  }
0x165: {  	s6 =	sadd.s32 s6, s30;
	v7 =	vadd.s32 v7, v8;
	(v2sf) =	vpush v8, $0xF  }
0x166: {  	v7 =	vadd.s32 s6, v7;
	_ =	sdelay $0x2  }
0x167: {  	s31 =	sadd.s32 $0x30, s3  }
0x168: {  	v8 =	vadd.s32 s31, v3  }
0x169: {  	[tilespmem:v7+s19+$0x0] =	vst.idx.msk vm0, v8  }
0x16a: {  	s28 =	sadd.s32 $0x40, s2;
	[tilespmem:v7+s20+$0x0] =	vst.idx.msk vm0, v6  }
0x16b: {  	v6 =	vld [tilespmem:s28+$0xFFFFFFE0];
	_ =	sdelay $0x4  }
0x16c: {  	vm0 =	vgt.s32 v6, $0xFFFFFFFF  }
0x16d: {  	s1 =	sadd.s32 $0x4, s1;
	v7 =	vsel vm0, $0x1, v5  }
0x16e: {  	s1 =	sadd.s32 $0x4, s1;
	(xrf0) =	vadd.scan.msk.s32 $0xffff, v7;
	s2 =	spop (v2sf)  }
.LBB2_6:
0x16f: {  	s1 =	sadd.s32 $0x4, s1;
	s2 =	sadd.s32 s6, s2;
	s3 =	sadd.s32 $0x40, s3  }
0x170: {  	p1 =	slt.u32 s1, $0xC4;
	_ =	sdelay $0x2  }
0x171: {  	v7 =	vsel vm0, $0xFFFFFFFF, v5  }
0x172: {  	v7 =	vadd.s32 s2, v7;
	v8, _, _ =	vpop (xrf0)  }
0x173: {  	v7 =	vadd.s32 v8, v7;
	(v2sf) =	vpush v8, $0xF;
	_ =	sdelay $0x3  }
0x174: {  	v8 =	vadd.s32 s3, v3  }
0x175: {  	[tilespmem:v7+s19+$0x0] =	vst.idx.msk vm0, v8  }
0x176: {  	[tilespmem:v7+s20+$0x0] =	vst.idx.msk vm0, v6  }
0x177: {  	v6 =	vld [tilespmem:s28+$0xFFFFFFF0];
	_ =	sdelay $0x4  }
0x178: {  	vm0 =	vgt.s32 v6, $0xFFFFFFFF  }
0x179: {  	v7 =	vsel vm0, $0x1, v5  }
0x17a: {  	(xrf0) =	vadd.scan.msk.s32 $0xffff, v7  }
0x17b: {  	s6 =	spop (v2sf);
	_ =	sdelay $0x4  }
0x17c: {  	v7 =	vsel vm0, $0xFFFFFFFF, v5;
	v8, _, _ =	vpop (xrf0)  }
0x17d: {  	s2 =	sadd.s32 s2, s6;
	v7 =	vadd.s32 v7, v8;
	(v2sf) =	vpush v8, $0xF  }
0x17e: {  	v7 =	vadd.s32 s2, v7;
	_ =	sdelay $0x2  }
0x17f: {  	s6 =	sadd.s32 $0x10, s3  }
0x180: {  	v8 =	vadd.s32 s6, v3  }
0x181: {  	[tilespmem:v7+s19+$0x0] =	vst.idx.msk vm0, v8  }
0x182: {  	[tilespmem:v7+s20+$0x0] =	vst.idx.msk vm0, v6  }
0x183: {  	v6 =	vld [tilespmem:s28+$0x0];
	_ =	sdelay $0x4  }
0x184: {  	vm0 =	vgt.s32 v6, $0xFFFFFFFF  }
0x185: {  	v7 =	vsel vm0, $0x1, v5  }
0x186: {  	s6 =	spop (v2sf);
	(xrf0) =	vadd.scan.msk.s32 $0xffff, v7  }
0x187: {  	s2 =	sadd.s32 s2, s6;
	_ =	sdelay $0x4  }
0x188: {  	v7 =	vsel vm0, $0xFFFFFFFF, v5;
	v8, _, _ =	vpop (xrf0)  }
0x189: {  	v7 =	vadd.s32 v7, v8;
	(v2sf) =	vpush v8, $0xF  }
0x18a: {  	v7 =	vadd.s32 s2, v7;
	_ =	sdelay $0x2  }
0x18b: {  	s6 =	sadd.s32 $0x20, s3  }
0x18c: {  	v8 =	vadd.s32 s6, v3  }
0x18d: {  	[tilespmem:v7+s19+$0x0] =	vst.idx.msk vm0, v8  }
0x18e: {  	[tilespmem:v7+s20+$0x0] =	vst.idx.msk vm0, v6  }
0x18f: {  	v6 =	vld [tilespmem:s28+$0x10];
	_ =	sdelay $0x4  }
0x190: {  	vm0 =	vgt.s32 v6, $0xFFFFFFFF  }
0x191: {  	v7 =	vsel vm0, $0x1, v5  }
0x192: {  	s6 =	spop (v2sf);
	(xrf0) =	vadd.scan.msk.s32 $0xffff, v7;
	_ =	sdelay $0x5  }
0x193: {  	v7 =	vsel vm0, $0xFFFFFFFF, v5;
	v8, _, _ =	vpop (xrf0)  }
0x194: {  	s6 =	sadd.s32 s2, s6;
	v7 =	vadd.s32 v7, v8;
	(v2sf) =	vpush v8, $0xF  }
0x195: {  	v7 =	vadd.s32 s6, v7;
	_ =	sdelay $0x2  }
0x196: {  	s2 =	sadd.s32 $0x30, s3  }
0x197: {  	v8 =	vadd.s32 s2, v3  }
0x198: {  	[tilespmem:v7+s19+$0x0] =	vst.idx.msk vm0, v8  }
0x199: {  	s28 =	sadd.s32 $0x40, s28;
	[tilespmem:v7+s20+$0x0] =	vst.idx.msk vm0, v6  }
0x19a: {  	v6 =	vld [tilespmem:s28+$0xFFFFFFE0];
	_ =	sdelay $0x2  }
.Ltmp4:
0x19b: {  	(pc) =	sbr.rel @p1 .LBB2_6-.Ltmp4, $4  }
0x19c: {  	_ = 	snop  }
0x19d: {  	vm0 =	vgt.s32 v6, $0xFFFFFFFF  }
0x19e: {  	v7 =	vsel vm0, $0x1, v5  }
0x19f: {  	(xrf0) =	vadd.scan.msk.s32 $0xffff, v7;
	s2 =	spop (v2sf)  }
0x1a0: {  	_ =	sdelay $0x3  }
0x1a1: {  	s1 =	sadd.s32 s6, s2;
	v7 =	vsel vm0, $0xFFFFFFFF, v5  }
0x1a2: {  	v7 =	vadd.s32 s1, v7;
	v8, _, _ =	vpop (xrf0)  }
0x1a3: {  	v7 =	vadd.s32 v8, v7;
	_ =	sdelay $0x2  }
0x1a4: {  	s10 =	sadd.s32 $0x40, s3  }
0x1a5: {  	v9 =	vadd.s32 s10, v3  }
0x1a6: {  	(v2sf) =	vpush v8, $0xF;
	[tilespmem:v7+s19+$0x0] =	vst.idx.msk vm0, v9  }
0x1a7: {  	[tilespmem:v7+s20+$0x0] =	vst.idx.msk vm0, v6  }
0x1a8: {  	v6 =	vld [tilespmem:s28+$0xFFFFFFF0];
	_ =	sdelay $0x4  }
0x1a9: {  	vm0 =	vgt.s32 v6, $0xFFFFFFFF  }
0x1aa: {  	v7 =	vsel vm0, $0x1, v5  }
0x1ab: {  	(xrf0) =	vadd.scan.msk.s32 $0xffff, v7;
	_ =	sdelay $0x5  }
0x1ac: {  	v7 =	vsel vm0, $0xFFFFFFFF, v5;
	s11 =	spop (v2sf);
	v8, _, _ =	vpop (xrf0)  }
0x1ad: {  	s6 =	sadd.s32 s1, s11;
	v7 =	vadd.s32 v7, v8  }
0x1ae: {  	v7 =	vadd.s32 s6, v7;
	_ =	sdelay $0x2  }
0x1af: {  	s8 =	sadd.s32 $0x10, s10  }
0x1b0: {  	v9 =	vadd.s32 s8, v3  }
0x1b1: {  	(v2sf) =	vpush v8, $0xF;
	[tilespmem:v7+s19+$0x0] =	vst.idx.msk vm0, v9  }
0x1b2: {  	[tilespmem:v7+s20+$0x0] =	vst.idx.msk vm0, v6  }
0x1b3: {  	v6 =	vld [tilespmem:s28+$0x0];
	_ =	sdelay $0x4  }
0x1b4: {  	vm0 =	vgt.s32 v6, $0xFFFFFFFF  }
0x1b5: {  	v7 =	vsel vm0, $0x1, v5  }
0x1b6: {  	(xrf0) =	vadd.scan.msk.s32 $0xffff, v7;
	_ =	sdelay $0x5  }
0x1b7: {  	s17 =	spop (v2sf);
	v7 =	vsel vm0, $0xFFFFFFFF, v5;
	v8, _, _ =	vpop (xrf0)  }
0x1b8: {  	s6 =	sadd.s32 s6, s17;
	v7 =	vadd.s32 v7, v8  }
0x1b9: {  	v7 =	vadd.s32 s6, v7;
	_ =	sdelay $0x2  }
0x1ba: {  	s29 =	sadd.s32 $0x20, s10  }
0x1bb: {  	v9 =	vadd.s32 s29, v3  }
0x1bc: {  	[tilespmem:v7+s19+$0x0] =	vst.idx.msk vm0, v9  }
0x1bd: {  	[tilespmem:v7+s20+$0x0] =	vst.idx.msk vm0, v6  }
0x1be: {  	v6 =	vld [tilespmem:s28+$0x10];
	_ =	sdelay $0x4  }
0x1bf: {  	vm0 =	vgt.s32 v6, $0xFFFFFFFF  }
0x1c0: {  	v7 =	vsel vm0, $0x1, v5  }
0x1c1: {  	(xrf0) =	vadd.scan.msk.s32 $0xffff, v7;
	_ =	sdelay $0x4  }
0x1c2: {  	(v2sf) =	vpush v8, $0xF  }
0x1c3: {  	v7, _, _ =	vpop (xrf0)  }
0x1c4: {  	(v2sf) =	vpush v7, $0xF;
	_ =	sdelay $0xc  }
0x1c5: {  	v8 =	vsel vm0, $0xFFFFFFFF, v5;
	s28 =	spop (v2sf)  }
0x1c6: {  	s6 =	sadd.s32 s6, s28;
	v7 =	vadd.s32 v8, v7  }
0x1c7: {  	v7 =	vadd.s32 s6, v7;
	s30 =	spop (v2sf)  }
0x1c8: {  	s28 =	sadd.s32 s30, s28  }
0x1c9: {  	s3 =	sadd.s32 s11, s28  }
0x1ca: {  	s2 =	sadd.s32 $0x30, s10;
	s6 =	sadd.s32 s6, s30;
	s3 =	sadd.s32 s17, s3  }
0x1cb: {  	v8 =	vadd.s32 s2, v3;
	s28 =	sadd.s32 $0x7F, s6;
	s1 =	sadd.s32 s1, s3  }
0x1cc: {  	[tilespmem:v7+s19+$0x0] =	vst.idx.msk vm0, v8;
	s31 =	sand.u32 $0xFFFFFF80, s28;
	s3 =	sadd.s32 $0x0, s1  }
0x1cd: {  	[tilespmem:v7+s20+$0x0] =	vst.idx.msk vm0, v6;
	v7 =	vmov s31;
	v6 =	vadd.s32 s3, v2  }
0x1ce: {  	v8 =	vld.msk [tilespmem:$0xD000 ss:$0x0], $0xffff;
	vm0 =	vlt.s32 v6, v7  }
0x1cf: {  	s2 =	simm.s32 $0x10;
	v9 =	vld.msk [tilespmem:$0xE000 ss:$0x0], $0xffff;
	vm1 =	vmmov vm0  }
.LBB2_8:
0x1d0: {  	p1 =	sne.s32 s2, $0x70  }
.Ltmp5:
0x1d1: {  	_ = 	snop;
	(pc) =	sbr.rel @p1 .LBB2_8-.Ltmp5, $4  }
0x1d2: {  	s3 =	sadd.s32 s2, s1  }
0x1d3: {  	v10 =	vadd.s32 s3, v2  }
0x1d4: {  	[tilespmem:v6+s19+$0x0] =	vst.idx.msk vm0, v8;
	vm0 =	vlt.s32 v10, v7  }
0x1d5: {  	s2 =	sadd.s32 $0x10, s2;
	[tilespmem:v6+s20+$0x0] =	vst.idx.msk vm1, v9;
	v6 =	vmov v10;
	vm1 =	vmmov vm0  }
0x1d6: {  	_ =	sdelay $0x2  }
0x1d7: {  	p3 =	sne.s32 s13, $0x2  }
.Ltmp6:
0x1d8: {  	_ = 	snop;
	(pc) =	sbr.rel @!p3 .LBB2_14-.Ltmp6, $4  }
0x1d9: {  	[tilespmem:v6+s19+$0x0] =	vst.idx.msk vm0, v8;
	s29 =	simm.s32 $0x0;
	s1 =	rddreg [dreg:$0x5];
	p1 =	por $0x0, $0x0  }
0x1da: {  	s6 =	simm.s32 $0x0;
	s30 =	smov.u32 s15;
	s31 =	smov.u32 s12;
	[tilespmem:v6+s20+$0x0] =	vst.idx.msk vm1, v9  }
0x1db: {  	[tilespmem:s21], [sflag:$0x1] =	stream.linear.gather [hbm4b:s1+s29], $0x4000, $0x38;
	[tilespmem:$0x1F000] =	vst v63  }
0x1dc: {  	s3 =	smov.u32 s16;
	s2 =	smov.u32 s14;
	s1 =	simm.s32 $0x2  }
0x1dd: {  	p1 =	sle.u32 s7, $0x0  }
0x1de: {  	s2 =	simm.s32 @!p1 $0x1  }
0x1df: {  	p2 =	sle.u32 @!p1 s7, $0x1;
	_ =	swait.ge @!p1 [sflag:s2], $0x4000  }
0x1e0: {  	p2 =	por p2, p1;
	[sflag:s2] =	ssyncset.done @!p1 $0x0  }
0x1e1: {  	s3 =	simm.s32 @!p2 $0x13000;
	[sflag:s2] =	ssyncadd.s32 @!p1 $0xFFFFC000;
	s2 =	simm.s32 @!p2 $0x0  }
0x1e2: {  	[tilespmem:s3], [sflag:$0x1] =	stream.linear.gather @!p2 [hbm4b:s15+s2], $0x4000, $0x38;
	[tilespmem:$0x1F000] =	vst v63  }
0x1e3: {  	s6 =	simm.s32 @!p1 $0x5;
	s2 =	simm.s32 @!p1 $0x0;
	s3 =	simm.s32 @!p1 $0xF000  }
0x1e4: {  	[hbm4b:s12+s2] =	stream.linear.scatter @!p1 [tilespmem:s3], [sflag:$0x5], $0x4000, $0x38;
	[tilespmem:$0x1F000] =	vst v63  }
0x1e5: {  	_ =	swait.ge @!p1 [sflag:s6], $0x4000  }
0x1e6: {  	p2 =	sle.u32 s7, $0x1;
	[sflag:s6] =	ssyncset.done @!p1 $0x0  }
0x1e7: {  	s2 =	simm.s32 @!p2 $0x1;
	[sflag:s6] =	ssyncadd.s32 @!p1 $0xFFFFC000;
	p1 =	sle.u32 @!p2 s7, $0x2  }
0x1e8: {  	p3 =	sne.s32 s13, $0x4;
	_ =	swait.ge @!p2 [sflag:s2], $0x4000;
	p1 =	por p1, p2  }
0x1e9: {  	[sflag:s2] =	ssyncset.done @!p2 $0x0;
	s3 =	sshrl.u32 @!p1 s16, $0x3;
	s6 =	simm.s32 @!p1 $0xF000  }
0x1ea: {  	[sflag:s2] =	ssyncadd.s32 @!p2 $0xFFFFC000;
	s2 =	sadd.s32 @!p1 s0, s3;
	s3 =	simm.s32 @!p1 $0x0  }
0x1eb: {  	[tilespmem:s6], [sflag:$0x1] =	stream.linear.gather @!p1 [hbm4b:s2+s3], $0x4000, $0x38;
	[tilespmem:$0x1F000] =	vst v63  }
.Ltmp7:
0x1ec: {  	s30 =	sadd.s32 $0x1000, s15;
	s31 =	sadd.s32 $0x1000, s12;
	(pc) =	sbr.rel @!p3 .LBB2_11-.Ltmp7, $4  }
0x1ed: {  	s8 =	simm.s32 @!p2 $0x4;
	s2 =	simm.s32 @!p2 $0x0;
	s3 =	simm.s32 @!p2 $0x13000  }
0x1ee: {  	[hbm4b:s14+s2] =	stream.linear.scatter @!p2 [tilespmem:s3], [sflag:$0x4], $0x4000, $0x38;
	[tilespmem:$0x1F000] =	vst v63  }
0x1ef: {  	s6 =	simm.s32 $0x4;
	p1 =	por $0x1, $0x1;
	_ =	swait.ge @!p2 [sflag:s8], $0x4000  }
0x1f0: {  	s3 =	sadd.s32 $0x8000, s16;
	s2 =	sadd.s32 $0x1000, s14;
	[sflag:s8] =	ssyncset.done @!p2 $0x0  }
.LBB2_12:
0x1f1: {  	p4 =	sge.u32 s1, s7  }
0x1f2: {  	[sflag:s8] =	ssyncadd.s32 @!p2 $0xFFFFC000;
	s8 =	smov.u32 s6;
	s6 =	sadd.s32 $0x2, s6  }
0x1f3: {  	p3 =	sne.s32 s13, s6;
	s9 =	simm.s32 @!p4 $0x1;
	s10 =	sadd.s32 @!p4 $0x1, s1  }
0x1f4: {  	_ =	swait.ge @!p4 [sflag:s9], $0x4000;
	p2 =	sge.u32 @!p4 s10, s7  }
0x1f5: {  	s10 =	sadd.s32 $0x1, s1;
	[sflag:s9] =	ssyncset.done @!p4 $0x0;
	p2 =	por p2, p4  }
0x1f6: {  	[sflag:s9] =	ssyncadd.s32 @!p4 $0xFFFFC000;
	s9 =	simm.s32 @!p2 $0x0;
	s11 =	simm.s32 @!p2 $0x13000  }
0x1f7: {  	[tilespmem:s11], [sflag:$0x1] =	stream.linear.gather @!p2 [hbm4b:s30+s9], $0x4000, $0x38;
	[tilespmem:$0x1F000] =	vst v63  }
0x1f8: {  	s17 =	simm.s32 @!p4 $0x5;
	s9 =	simm.s32 @!p4 $0x0;
	s11 =	simm.s32 @!p4 $0xF000  }
0x1f9: {  	[hbm4b:s31+s9] =	stream.linear.scatter @!p4 [tilespmem:s11], [sflag:$0x5], $0x4000, $0x38;
	[tilespmem:$0x1F000] =	vst v63  }
0x1fa: {  	p2 =	sge.u32 s10, s7;
	_ =	swait.ge @!p4 [sflag:s17], $0x4000  }
0x1fb: {  	s9 =	sadd.s32 @!p2 $0x2, s1;
	s1 =	smov.u32 s8;
	[sflag:s17] =	ssyncset.done @!p4 $0x0  }
0x1fc: {  	s8 =	simm.s32 @!p2 $0x1;
	[sflag:s17] =	ssyncadd.s32 @!p4 $0xFFFFC000;
	p4 =	sge.u32 @!p2 s9, s7  }
0x1fd: {  	_ =	swait.ge @!p2 [sflag:s8], $0x4000;
	p4 =	por p4, p2  }
0x1fe: {  	[sflag:s8] =	ssyncset.done @!p2 $0x0;
	s9 =	sshrl.u32 @!p4 s3, $0x3;
	s10 =	simm.s32 @!p4 $0xF000  }
0x1ff: {  	[sflag:s8] =	ssyncadd.s32 @!p2 $0xFFFFC000;
	s8 =	sadd.s32 @!p4 s0, s9;
	s9 =	simm.s32 @!p4 $0x0  }
0x200: {  	[tilespmem:s10], [sflag:$0x1] =	stream.linear.gather @!p4 [hbm4b:s8+s9], $0x4000, $0x38;
	[tilespmem:$0x1F000] =	vst v63  }
.Ltmp8:
0x201: {  	_ = 	snop;
	(pc) =	sbr.rel @p3 .LBB2_12-.Ltmp8, $4  }
0x202: {  	s9 =	simm.s32 @!p2 $0x0;
	s10 =	simm.s32 @!p2 $0x13000;
	s8 =	simm.s32 @!p2 $0x4  }
0x203: {  	[hbm4b:s2+s9] =	stream.linear.scatter @!p2 [tilespmem:s10], [sflag:$0x4], $0x4000, $0x38;
	[tilespmem:$0x1F000] =	vst v63  }
0x204: {  	s30 =	sadd.s32 $0x1000, s30;
	s3 =	sadd.s32 $0x8000, s3;
	_ =	swait.ge @!p2 [sflag:s8], $0x4000  }
0x205: {  	s31 =	sadd.s32 $0x1000, s31;
	s2 =	sadd.s32 $0x1000, s2;
	[sflag:s8] =	ssyncset.done @!p2 $0x0  }
0x206: {  	s6 =	smov.u32 s1  }
.LBB2_14:
0x207: {  	p3 =	sge.u32 s6, s7;
	p1 =	por p2, !p1  }
0x208: {  	[sflag:s8] =	ssyncadd.s32 @!p1 $0xFFFFC000;
	s1 =	simm.s32 @!p3 $0x1;
	s8 =	sadd.s32 @!p3 $0x1, s6  }
0x209: {  	_ =	swait.ge @!p3 [sflag:s1], $0x4000;
	p1 =	sge.u32 @!p3 s8, s7  }
0x20a: {  	s11 =	sadd.s32 $0x1, s6;
	[sflag:s1] =	ssyncset.done @!p3 $0x0;
	p1 =	por p1, p3  }
0x20b: {  	[sflag:s1] =	ssyncadd.s32 @!p3 $0xFFFFC000;
	s1 =	simm.s32 @!p1 $0x0;
	s9 =	simm.s32 @!p1 $0x13000  }
0x20c: {  	[tilespmem:s9], [sflag:$0x1] =	stream.linear.gather @!p1 [hbm4b:s30+s1], $0x4000, $0x38;
	[tilespmem:$0x1F000] =	vst v63  }
0x20d: {  	s10 =	simm.s32 @!p3 $0x5;
	s1 =	simm.s32 @!p3 $0x0;
	s9 =	simm.s32 @!p3 $0xF000  }
0x20e: {  	[hbm4b:s31+s1] =	stream.linear.scatter @!p3 [tilespmem:s9], [sflag:$0x5], $0x4000, $0x38;
	[tilespmem:$0x1F000] =	vst v63  }
0x20f: {  	p1 =	sge.u32 s11, s7;
	_ =	swait.ge @!p3 [sflag:s10], $0x4000  }
0x210: {  	s1 =	sadd.s32 @!p1 $0x2, s6;
	[sflag:s10] =	ssyncset.done @!p3 $0x0  }
0x211: {  	s6 =	simm.s32 @!p1 $0x1;
	p2 =	sge.u32 @!p1 s1, s7;
	[sflag:s10] =	ssyncadd.s32 @!p3 $0xFFFFC000  }
0x212: {  	p2 =	por p2, p1;
	_ =	swait.ge @!p1 [sflag:s6], $0x4000  }
0x213: {  	s1 =	sshrl.u32 @!p2 s3, $0x3;
	s3 =	simm.s32 @!p2 $0xF000;
	[sflag:s6] =	ssyncset.done @!p1 $0x0  }
0x214: {  	s1 =	sadd.s32 @!p2 s0, s1;
	[sflag:s6] =	ssyncadd.s32 @!p1 $0xFFFFC000;
	s6 =	simm.s32 @!p2 $0x0  }
0x215: {  	[tilespmem:s3], [sflag:$0x1] =	stream.linear.gather @!p2 [hbm4b:s1+s6], $0x4000, $0x38;
	[tilespmem:$0x1F000] =	vst v63  }
0x216: {  	s1 =	simm.s32 @!p1 $0x0;
	s3 =	simm.s32 @!p1 $0x13000;
	s6 =	simm.s32 @!p1 $0x4  }
0x217: {  	[hbm4b:s2+s1] =	stream.linear.scatter @!p1 [tilespmem:s3], [sflag:$0x4], $0x4000, $0x38;
	[tilespmem:$0x1F000] =	vst v63  }
0x218: {  	_ =	swait.ge @!p1 [sflag:s6], $0x4000  }
0x219: {  	s1 =	simm.s32 @!p0 $0x0;
	[sflag:s6] =	ssyncset.done @!p1 $0x0  }
0x21a: {  	s2 =	simm.s32 @!p0 $0xF000;
	s3 =	rddreg [dreg:$0x6];
	[sflag:s6] =	ssyncadd.s32 @!p1 $0xFFFFC000  }
0x21b: {  	[tilespmem:s2], [sflag:$0x4] =	stream.linear.gather @!p0 [hbm4b:s3+s1], $0x1000, $0x38;
	[tilespmem:$0x1F000] =	vst v63  }
0x21c: {  	s3 =	simm.s32 @!p0 $0x4  }
0x21d: {  	_ =	swait.ge @!p0 [sflag:s3], $0x1000  }
0x21e: {  	[sflag:s3] =	ssyncset.done @!p0 $0x0  }
0x21f: {  	s30 =	sshra.s32 s28, $0x7;
	s6 =	rddreg [dreg:$0x7];
	[sflag:s3] =	ssyncadd.s32 @!p0 $0xFFFFF000  }
0x220: {  	[hbm4b:s6+s1] =	stream.linear.scatter @!p0 [tilespmem:s2], [sflag:$0x4], $0x1000, $0x38;
	[tilespmem:$0x1F000] =	vst v63  }
0x221: {  	p1 =	slt.s32 s30, $0x1;
	_ =	swait.ge @!p0 [sflag:s3], $0x1000  }
0x222: {  	s17 =	sadd.s32 $0x1, s30;
	s1 =	simm.s32 @!p1 $0x80;
	[sflag:s3] =	ssyncset.done @!p0 $0x0  }
0x223: {  	s2 =	simm.s32 @!p1 $0xD000;
	[sflag:s3] =	ssyncadd.s32 @!p0 $0xFFFFF000;
	s3 =	simm.s32 @!p1 $0xF000  }
0x224: {  	[tilespmem:s3], [sflag:$0x2] =	stream.indirect.gather @!p1 [hbm4b:s0+s1], $0x80, s2, s1, $0xb8;
	[tilespmem:$0x1F000] =	vst v63  }
0x225: {  	s31 =	sshra.s32 s17, $0x1;
	s2 =	simm.s32 @!p1 $0xE000;
	s3 =	simm.s32 @!p1 $0x13000  }
0x226: {  	[tilespmem:s3], [sflag:$0x2] =	stream.indirect.gather @!p1 [hbm4b:s4+s1], $0x80, s2, s1, $0xb8;
	[tilespmem:$0x1F000] =	vst v63  }
0x227: {  	p1 =	slt.s32 s31, $0x1  }
.Ltmp9:
0x228: {  	_ = 	snop;
	(pc) =	sbr.rel @!p1 .LBB2_15-.Ltmp9, $4  }
.Ltmp10:
0x229: {  	_ = 	snop;
	(pc) =	sbr.rel @p1 .LBB2_25-.Ltmp10, $4  }
0x22a: {  	_ = 	snop  }
0x22b: {  	_ = 	snop  }
0x22c: {  	_ = 	snop  }
0x22d: {  	_ = 	snop  }
.LBB2_23:
0x22e: {  	v20 =	vmul.f32 $8.000000110e-01, v20;
	v12 =	vsub.f32 v12, v16;
	v21 =	vld [tilespmem:s1+$0x17070]  }
0x22f: {  	v19 =	vmul.f32 $8.000000110e-01, v19;
	v10 =	vsub.f32 v10, v15  }
0x230: {  	v9 =	vsub.f32 v9, v14;
	v18 =	vadd.f32 v20, v18;
	v12 =	vmul.f32 $8.000000110e-01, v12  }
0x231: {  	v8 =	vsub.f32 v8, v13;
	v17 =	vadd.f32 v19, v17;
	v10 =	vmul.f32 $8.000000110e-01, v10  }
0x232: {  	v7 =	vsub.f32 v7, v11;
	v9 =	vmul.f32 $8.000000110e-01, v9;
	[tilespmem:s1+$0x17000] =	vst v18;
	v12 =	vadd.f32 v12, v16  }
0x233: {  	v8 =	vmul.f32 $8.000000110e-01, v8;
	[tilespmem:s1+$0x17010] =	vst v17;
	v10 =	vadd.f32 v10, v15;
	v6 =	vsub.f32 v6, v21  }
0x234: {  	v7 =	vmul.f32 $8.000000110e-01, v7;
	v9 =	vadd.f32 v9, v14;
	[tilespmem:s1+$0x17020] =	vst v12  }
0x235: {  	v8 =	vadd.f32 v8, v13;
	[tilespmem:s1+$0x17030] =	vst v10;
	v6 =	vmul.f32 $8.000000110e-01, v6  }
0x236: {  	v7 =	vadd.f32 v7, v11;
	[tilespmem:s1+$0x17040] =	vst v9  }
0x237: {  	s2 =	sshll.u32 s3, $0x9;
	[tilespmem:s1+$0x17050] =	vst v8;
	v6 =	vadd.f32 v6, v21  }
0x238: {  	s2 =	sshra.s32 s2, $0x2;
	[tilespmem:s1+$0x17060] =	vst v7  }
0x239: {  	s17 =	sadd.s32 $0xD000, s2;
	[tilespmem:s1+$0x17070] =	vst v6  }
0x23a: {  	[hbm4b:s5+s23] =	stream.indirect.scatter [tilespmem:s25], [sflag:$0x3], $0x80, s17, s23, $0xb8;
	[tilespmem:$0x1F000] =	vst v63  }
.LBB2_24:
0x23b: {  	s29 =	sadd.s32 $0x1, s29  }
0x23c: {  	p1 =	sne.s32 s29, s31  }
.Ltmp11:
0x23d: {  	_ = 	snop;
	(pc) =	sbr.rel @!p1 .LBB2_25-.Ltmp11, $1  }
0x23e: {  	_ =	sdelay $0x3  }
.LBB2_15:
0x23f: {  	s1 =	sshll.u32 s29, $0x1  }
0x240: {  	p1 =	slt.s32 s1, s30  }
.Ltmp12:
0x241: {  	_ = 	snop;
	(pc) =	sbr.rel @!p1 .LBB2_16-.Ltmp12, $1  }
0x242: {  	_ =	sdelay $0x3  }
0x243: {  	_ =	swait.ge [sflag:s22], $0x4000  }
0x244: {  	[sflag:s22] =	ssyncset.done $0x0  }
0x245: {  	[sflag:s22] =	ssyncadd.s32 $0xFFFFC000  }
0x246: {  	_ =	swait.ge [sflag:s22], $0x4000  }
0x247: {  	p1 =	seq.s32 s29, $0x0;
	[sflag:s22] =	ssyncset.done $0x0  }
0x248: {  	s2 =	simm.s32 @!p1 $0x3;
	[sflag:s22] =	ssyncadd.s32 $0xFFFFC000  }
0x249: {  	s3 =	sor.u32 $0x1, s1;
	_ =	swait.ge @!p1 [sflag:s2], $0x4000  }
0x24a: {  	p2 =	sge.s32 s3, s30;
	[sflag:s2] =	ssyncset.done @!p1 $0x0  }
0x24b: {  	[sflag:s2] =	ssyncadd.s32 @!p1 $0xFFFFC000;
	s2 =	sshll.u32 @!p2 s3, $0x7  }
0x24c: {  	s8 =	simm.s32 @!p2 $0x80;
	s9 =	simm.s32 @!p2 $0x17000;
	s6 =	sadd.s32 @!p2 $0xD000, s2  }
0x24d: {  	[tilespmem:s9], [sflag:$0x2] =	stream.indirect.gather @!p2 [hbm4b:s0+s8], $0x80, s6, s8, $0xb8;
	[tilespmem:$0x1F000] =	vst v63  }
0x24e: {  	s2 =	sadd.s32 @!p2 $0xE000, s2;
	s6 =	simm.s32 @!p2 $0x1B000  }
0x24f: {  	[tilespmem:s6], [sflag:$0x2] =	stream.indirect.gather @!p2 [hbm4b:s4+s8], $0x80, s2, s8, $0xb8;
	[tilespmem:$0x1F000] =	vst v63  }
0x250: {  	s2 =	simm.s32 $0x0  }
0x251: {  	v11 =	vld [tilespmem:s2+$0x13000]  }
0x252: {  	v19 =	vld [tilespmem:s2+$0x13010]  }
0x253: {  	v12 =	vld [tilespmem:s2+$0x13020]  }
0x254: {  	v10 =	vld [tilespmem:s2+$0x13030]  }
0x255: {  	v9 =	vld [tilespmem:s2+$0x13040]  }
0x256: {  	v8 =	vld [tilespmem:s2+$0x13050]  }
0x257: {  	v7 =	vld [tilespmem:s2+$0x13060]  }
0x258: {  	v6 =	vld [tilespmem:s2+$0x13070]  }
0x259: {  	v18 =	vld [tilespmem:s2+$0xF000]  }
0x25a: {  	v17 =	vld [tilespmem:s2+$0xF010]  }
0x25b: {  	v16 =	vld [tilespmem:s2+$0xF020]  }
0x25c: {  	v15 =	vld [tilespmem:s2+$0xF030]  }
0x25d: {  	v14 =	vld [tilespmem:s2+$0xF040]  }
0x25e: {  	v13 =	vld [tilespmem:s2+$0xF050];
	v20 =	vsub.f32 v11, v18  }
0x25f: {  	s6 =	simm.s32 $0x200;
	v19 =	vsub.f32 v19, v17;
	v11 =	vld [tilespmem:s2+$0xF060]  }
.LBB2_18:
0x260: {  	s8 =	sshra.s32 s6, $0x2;
	p1 =	sne.s32 s6, $0xFE00;
	v20 =	vmul.f32 $8.000000110e-01, v20;
	v12 =	vsub.f32 v12, v16;
	v21 =	vld [tilespmem:s2+$0xF070]  }
0x261: {  	v22 =	vld [tilespmem:s8+$0x13000];
	v19 =	vmul.f32 $8.000000110e-01, v19;
	v10 =	vsub.f32 v10, v15  }
0x262: {  	v23 =	vld [tilespmem:s8+$0x13010];
	v18 =	vadd.f32 v20, v18;
	v20 =	vmul.f32 $8.000000110e-01, v12;
	v9 =	vsub.f32 v9, v14  }
0x263: {  	v12 =	vld [tilespmem:s8+$0x13020];
	v17 =	vadd.f32 v19, v17;
	v19 =	vmul.f32 $8.000000110e-01, v10;
	v8 =	vsub.f32 v8, v13  }
0x264: {  	v10 =	vld [tilespmem:s8+$0x13030];
	[tilespmem:s2+$0xF000] =	vst v18;
	v16 =	vadd.f32 v20, v16;
	v18 =	vmul.f32 $8.000000110e-01, v9;
	v7 =	vsub.f32 v7, v11  }
0x265: {  	v9 =	vld [tilespmem:s8+$0x13040];
	[tilespmem:s2+$0xF010] =	vst v17;
	v15 =	vadd.f32 v19, v15;
	v17 =	vmul.f32 $8.000000110e-01, v8;
	v6 =	vsub.f32 v6, v21  }
0x266: {  	v8 =	vld [tilespmem:s8+$0x13050];
	[tilespmem:s2+$0xF020] =	vst v16;
	v14 =	vadd.f32 v18, v14;
	v16 =	vmul.f32 $8.000000110e-01, v7  }
0x267: {  	v7 =	vld [tilespmem:s8+$0x13060];
	[tilespmem:s2+$0xF030] =	vst v15;
	v13 =	vadd.f32 v17, v13;
	v15 =	vmul.f32 $8.000000110e-01, v6  }
0x268: {  	v6 =	vld [tilespmem:s8+$0x13070];
	[tilespmem:s2+$0xF040] =	vst v14;
	v11 =	vadd.f32 v16, v11  }
0x269: {  	v18 =	vld [tilespmem:s8+$0xF000];
	[tilespmem:s2+$0xF050] =	vst v13;
	v13 =	vadd.f32 v15, v21  }
0x26a: {  	v17 =	vld [tilespmem:s8+$0xF010];
	[tilespmem:s2+$0xF060] =	vst v11  }
.Ltmp13:
0x26b: {  	v16 =	vld [tilespmem:s8+$0xF020];
	[tilespmem:s2+$0xF070] =	vst v13;
	s2 =	smov.u32 s8;
	(pc) =	sbr.rel @p1 .LBB2_18-.Ltmp13, $4  }
0x26c: {  	v15 =	vld [tilespmem:s2+$0xF030]  }
0x26d: {  	v14 =	vld [tilespmem:s2+$0xF040]  }
0x26e: {  	v20 =	vsub.f32 v22, v18;
	v13 =	vld [tilespmem:s2+$0xF050]  }
0x26f: {  	s6 =	sadd.s32 $0x200, s6;
	v19 =	vsub.f32 v23, v17;
	v11 =	vld [tilespmem:s2+$0xF060]  }
0x270: {  	v20 =	vmul.f32 $8.000000110e-01, v20;
	v12 =	vsub.f32 v12, v16;
	v21 =	vld [tilespmem:s2+$0xF070]  }
0x271: {  	v19 =	vmul.f32 $8.000000110e-01, v19;
	v10 =	vsub.f32 v10, v15  }
0x272: {  	v18 =	vadd.f32 v20, v18;
	v12 =	vmul.f32 $8.000000110e-01, v12;
	v9 =	vsub.f32 v9, v14  }
0x273: {  	v17 =	vadd.f32 v19, v17;
	v10 =	vmul.f32 $8.000000110e-01, v10;
	v8 =	vsub.f32 v8, v13  }
0x274: {  	[tilespmem:s2+$0xF000] =	vst v18;
	v12 =	vadd.f32 v12, v16;
	v9 =	vmul.f32 $8.000000110e-01, v9;
	v7 =	vsub.f32 v7, v11  }
0x275: {  	[tilespmem:s2+$0xF010] =	vst v17;
	v10 =	vadd.f32 v10, v15;
	v8 =	vmul.f32 $8.000000110e-01, v8;
	v6 =	vsub.f32 v6, v21  }
0x276: {  	[tilespmem:s2+$0xF020] =	vst v12;
	v9 =	vadd.f32 v9, v14;
	v7 =	vmul.f32 $8.000000110e-01, v7  }
0x277: {  	[tilespmem:s2+$0xF030] =	vst v10;
	v8 =	vadd.f32 v8, v13;
	v6 =	vmul.f32 $8.000000110e-01, v6  }
.Ltmp14:
0x278: {  	[tilespmem:s2+$0xF040] =	vst v9;
	v7 =	vadd.f32 v7, v11;
	(pc) =	sbr.rel .LBB2_20-.Ltmp14, $4  }
0x279: {  	s6 =	sshll.u32 s29, $0xA;
	[tilespmem:s2+$0xF050] =	vst v8;
	v6 =	vadd.f32 v6, v21  }
0x27a: {  	s6 =	sshra.s32 s6, $0x2;
	[tilespmem:s2+$0xF060] =	vst v7  }
0x27b: {  	s17 =	sadd.s32 $0xD000, s6;
	[tilespmem:s2+$0xF070] =	vst v6  }
0x27c: {  	[hbm4b:s5+s23] =	stream.indirect.scatter [tilespmem:s21], [sflag:$0x3], $0x80, s17, s23, $0xb8;
	[tilespmem:$0x1F000] =	vst v63  }
.LBB2_16:
0x27d: {  	s3 =	sor.u32 $0x1, s1  }
.LBB2_20:
0x27e: {  	p1 =	sge.s32 s3, s30  }
.Ltmp15:
0x27f: {  	_ = 	snop;
	(pc) =	sbr.rel @p1 .LBB2_24-.Ltmp15, $1  }
0x280: {  	_ =	sdelay $0x3  }
0x281: {  	_ =	swait.ge [sflag:s22], $0x4000  }
0x282: {  	[sflag:s22] =	ssyncset.done $0x0  }
0x283: {  	[sflag:s22] =	ssyncadd.s32 $0xFFFFC000  }
0x284: {  	_ =	swait.ge [sflag:s22], $0x4000  }
0x285: {  	[sflag:s22] =	ssyncset.done $0x0  }
0x286: {  	s1 =	sadd.s32 $0x2, s1;
	[sflag:s22] =	ssyncadd.s32 $0xFFFFC000  }
0x287: {  	p1 =	sge.s32 s1, s30;
	_ =	swait.ge [sflag:s24], $0x4000  }
0x288: {  	s1 =	sshll.u32 @!p1 s1, $0x7;
	s6 =	simm.s32 @!p1 $0x80;
	[sflag:s24] =	ssyncset.done $0x0  }
0x289: {  	s8 =	simm.s32 @!p1 $0xF000;
	s2 =	sadd.s32 @!p1 $0xD000, s1;
	[sflag:s24] =	ssyncadd.s32 $0xFFFFC000  }
0x28a: {  	[tilespmem:s8], [sflag:$0x2] =	stream.indirect.gather @!p1 [hbm4b:s0+s6], $0x80, s2, s6, $0xb8;
	[tilespmem:$0x1F000] =	vst v63  }
0x28b: {  	s1 =	sadd.s32 @!p1 $0xE000, s1;
	s2 =	simm.s32 @!p1 $0x13000  }
0x28c: {  	[tilespmem:s2], [sflag:$0x2] =	stream.indirect.gather @!p1 [hbm4b:s4+s6], $0x80, s1, s6, $0xb8;
	[tilespmem:$0x1F000] =	vst v63  }
0x28d: {  	s1 =	simm.s32 $0x0  }
0x28e: {  	v11 =	vld [tilespmem:s1+$0x1B000]  }
0x28f: {  	v19 =	vld [tilespmem:s1+$0x1B010]  }
0x290: {  	v12 =	vld [tilespmem:s1+$0x1B020]  }
0x291: {  	v10 =	vld [tilespmem:s1+$0x1B030]  }
0x292: {  	v9 =	vld [tilespmem:s1+$0x1B040]  }
0x293: {  	v8 =	vld [tilespmem:s1+$0x1B050]  }
0x294: {  	v7 =	vld [tilespmem:s1+$0x1B060]  }
0x295: {  	v6 =	vld [tilespmem:s1+$0x1B070]  }
0x296: {  	v18 =	vld [tilespmem:s1+$0x17000]  }
0x297: {  	v17 =	vld [tilespmem:s1+$0x17010]  }
0x298: {  	v16 =	vld [tilespmem:s1+$0x17020]  }
0x299: {  	v15 =	vld [tilespmem:s1+$0x17030]  }
0x29a: {  	v14 =	vld [tilespmem:s1+$0x17040]  }
0x29b: {  	v13 =	vld [tilespmem:s1+$0x17050];
	v20 =	vsub.f32 v11, v18  }
0x29c: {  	s2 =	simm.s32 $0x200;
	v19 =	vsub.f32 v19, v17;
	v11 =	vld [tilespmem:s1+$0x17060]  }
.LBB2_22:
0x29d: {  	s6 =	sshra.s32 s2, $0x2;
	p1 =	sne.s32 s2, $0xFE00;
	v20 =	vmul.f32 $8.000000110e-01, v20;
	v12 =	vsub.f32 v12, v16;
	v21 =	vld [tilespmem:s1+$0x17070]  }
0x29e: {  	v19 =	vmul.f32 $8.000000110e-01, v19;
	v10 =	vsub.f32 v10, v15;
	v22 =	vld [tilespmem:s6+$0x1B000]  }
0x29f: {  	v9 =	vsub.f32 v9, v14;
	v23 =	vld [tilespmem:s6+$0x1B010];
	v18 =	vadd.f32 v20, v18;
	v20 =	vmul.f32 $8.000000110e-01, v12  }
0x2a0: {  	v8 =	vsub.f32 v8, v13;
	v17 =	vadd.f32 v19, v17;
	v19 =	vmul.f32 $8.000000110e-01, v10;
	v12 =	vld [tilespmem:s6+$0x1B020]  }
0x2a1: {  	v7 =	vsub.f32 v7, v11;
	v10 =	vld [tilespmem:s6+$0x1B030];
	[tilespmem:s1+$0x17000] =	vst v18;
	v16 =	vadd.f32 v20, v16;
	v18 =	vmul.f32 $8.000000110e-01, v9  }
0x2a2: {  	v15 =	vadd.f32 v19, v15;
	v9 =	vld [tilespmem:s6+$0x1B040];
	[tilespmem:s1+$0x17010] =	vst v17;
	v17 =	vmul.f32 $8.000000110e-01, v8;
	v6 =	vsub.f32 v6, v21  }
0x2a3: {  	v8 =	vld [tilespmem:s6+$0x1B050];
	[tilespmem:s1+$0x17020] =	vst v16;
	v14 =	vadd.f32 v18, v14;
	v16 =	vmul.f32 $8.000000110e-01, v7  }
0x2a4: {  	v7 =	vld [tilespmem:s6+$0x1B060];
	[tilespmem:s1+$0x17030] =	vst v15;
	v13 =	vadd.f32 v17, v13;
	v15 =	vmul.f32 $8.000000110e-01, v6  }
0x2a5: {  	v6 =	vld [tilespmem:s6+$0x1B070];
	[tilespmem:s1+$0x17040] =	vst v14;
	v11 =	vadd.f32 v16, v11  }
0x2a6: {  	v18 =	vld [tilespmem:s6+$0x17000];
	[tilespmem:s1+$0x17050] =	vst v13;
	v13 =	vadd.f32 v15, v21  }
0x2a7: {  	v17 =	vld [tilespmem:s6+$0x17010];
	[tilespmem:s1+$0x17060] =	vst v11  }
.Ltmp16:
0x2a8: {  	v16 =	vld [tilespmem:s6+$0x17020];
	[tilespmem:s1+$0x17070] =	vst v13;
	s1 =	smov.u32 s6;
	(pc) =	sbr.rel @p1 .LBB2_22-.Ltmp16, $4  }
0x2a9: {  	v15 =	vld [tilespmem:s1+$0x17030]  }
0x2aa: {  	v14 =	vld [tilespmem:s1+$0x17040]  }
0x2ab: {  	v20 =	vsub.f32 v22, v18;
	v13 =	vld [tilespmem:s1+$0x17050]  }
0x2ac: {  	s2 =	sadd.s32 $0x200, s2;
	v19 =	vsub.f32 v23, v17;
	v11 =	vld [tilespmem:s1+$0x17060]  }
.Ltmp17:
0x2ad: {  	_ = 	snop;
	(pc) =	sbr.rel .LBB2_23-.Ltmp17, $1  }
0x2ae: {  	_ =	sdelay $0x3  }
.LBB2_11:
.Ltmp18:
0x2af: {  	(pc) =	sbr.rel .LBB2_14-.Ltmp18, $2  }
0x2b0: {  	_ =	sdelay $0x2  }
0x2b1: {  	s6 =	simm.s32 $0x2  }
.LBB2_26:
0x2b2: {  	_ =	sfence.sel $0x180000  }
0x2b3: {  	[bflag:$0x0] =	sbarrier.arrive $0xFFFF  }
0x2b4: {  	_ =	strace $0x90000047  }
0x2b5: {  	s0 =	stileid.u32;
	[bflag:$0x2] =	sbarrier.arrive $0xFFFF  }
0x2b6: {  	p0 =	sne.s32 s0, $0x0;
	s0 =	rddreg [dreg:$0x4]  }
0x2b7: {  	s0 =	sadd.s32 @!p0 $0x100000, s0  }
0x2b8: {  	[sflag:s0] =	ssyncadd.tile.s32 @!p0 $0x1;
	_ =	shalt  }
.Lfunc_end2:
_tile_overlayer_lowered:
.L_overlay_start_2:
0x2b9: {  	(tag) =	ssettag $0x2  }
0x2ba: {  	s0 =	rddreg [dreg:$0x0];
	s2 =	stileid.u32  }
0x2bb: {  	s1 =	rddreg [dreg:$0x1];
	p0 =	sne.s32 s2, $0x0  }
0x2bc: {  	s3 =	rddreg [dreg:$0x2];
	[bflag:$0x3] =	sbarrier.arrive $0xFFFF;
	s2 =	simm.s32 @!p0 $0x1C04  }
0x2bd: {  	[timem:s3], [sflag:s2] =	dma.local @!p0 [hbm:s0], s1  }
0x2be: {  	s0 =	simm.s32 @!p0 $0x4  }
0x2bf: {  	_ =	swait.ge @!p0 [sflag:s0], s1  }
0x2c0: {  	s1 =	ssub.s32 @!p0 $0x0, s1;
	[sflag:s0] =	ssyncset.done @!p0 $0x0  }
0x2c1: {  	[sflag:s0] =	ssyncadd.s32 @!p0 s1  }
0x2c2: {  	[bflag:$0x3] =	sbarrier.arrive $0xFFFF  }
0x2c3: {  	_ =	shalt  }

</sc_bundles>
